<compile_context>
chip_gen: v7x
topology: tpu7x:2x2x1
jax: 0.10.2.dev20260603
libtpu: 0.0.44.dev20260713+nightly
codegen_flags: <defaults>
</compile_context>

<pallas_src>
import functools

import jax
import jax.numpy as jnp
from jax import lax
from jax.experimental import pallas as pl
from jax.experimental.pallas import tpu as pltpu
from jax.experimental.pallas import tpu_sc as plsc

N = 10000
E = 160000
D = 256
H = 512

NC = 2
NS = 16
NW = NC * NS
K = 40
EPT = E // NS
NB = EPT // K
NBUF = 5
DEPTH = 4
NPAD = 10240
RPT = NPAD // NS

_mesh = plsc.VectorSubcoreMesh(
    core_axis_name="c", subcore_axis_name="s", num_cores=NC, num_subcores=NS)

f32 = jnp.float32


def _deg_kernel_fn():
  @functools.partial(
      pl.kernel,
      out_type=jax.ShapeDtypeStruct((NC, NPAD, 128), f32),
      mesh=_mesh,
      scratch_types=[
          pltpu.VMEM((EPT,), jnp.int32),
          pltpu.VMEM((K, 128), f32),
          pltpu.VMEM_SHARED((NPAD, 128), f32),
      ],
  )
  def deg_kernel(dst_hbm, zeros_hbm, ones_hbm, out_hbm, dst_v, ones_v, acc):
    c = lax.axis_index("c")
    s = lax.axis_index("s")
    pltpu.sync_copy(dst_hbm.at[s], dst_v)
    pltpu.sync_copy(ones_hbm, ones_v)
    pltpu.sync_copy(zeros_hbm, acc.at[pl.ds(s * RPT, RPT)])
    plsc.subcore_barrier()

    half = NB // 2

    def body(j, carry):
      pltpu.sync_copy(ones_v, acc.at[dst_v.at[pl.ds(j * K, K)]], add=True)
      return carry

    lax.fori_loop(c * half, half + c * (NB - half), body, 0)
    plsc.subcore_barrier()
    pltpu.sync_copy(acc.at[pl.ds(s * RPT, RPT)],
                    out_hbm.at[c, pl.ds(s * RPT, RPT)])

  return deg_kernel


def _scatter_kernel_fn(num_chunks):

  cpc = num_chunks // NC

  @functools.partial(
      pl.kernel,
      out_type=jax.ShapeDtypeStruct((NC, cpc, NPAD, 128), f32),
      mesh=_mesh,
      scratch_types=[
          pltpu.VMEM((EPT,), jnp.int32),
          pltpu.VMEM((EPT,), jnp.int32),
          pltpu.VMEM((K, 128), f32),
          pltpu.VMEM((K, 128), f32),
          pltpu.VMEM((K, 128), f32),
          pltpu.VMEM((K, 128), f32),
          pltpu.VMEM((K, 128), f32),
          pltpu.VMEM_SHARED((NPAD, 128), f32),
          [pltpu.SemaphoreType.DMA] * NBUF,
          [pltpu.SemaphoreType.DMA] * NBUF,
      ],
  )
  def scatter_kernel(m_hbm, src_hbm, dst_hbm, zeros_hbm, out_hbm,
                     src_v, dst_v, r0, r1, r2, r3, r4, acc, sems_g, sems_s):
    c = lax.axis_index("c")
    s = lax.axis_index("s")
    rows = (r0, r1, r2, r3, r4)
    pltpu.sync_copy(dst_hbm.at[s], dst_v)

    for cc_l in range(cpc):
      m_view = m_hbm
      pltpu.sync_copy(src_hbm.at[c * cpc + cc_l, s], src_v)
      pltpu.sync_copy(zeros_hbm, acc.at[pl.ds(s * RPT, RPT)])
      plsc.subcore_barrier()

      def start_g(j, b):
        pltpu.async_copy(m_view.at[src_v.at[pl.ds(j * K, K)]],
                         rows[b], sems_g[b])

      def finish_g(j, b):
        pltpu.make_async_copy(m_view.at[src_v.at[pl.ds(j * K, K)]],
                              rows[b], sems_g[b]).wait()

      def start_s(j, b):
        pltpu.async_copy(rows[b], acc.at[dst_v.at[pl.ds(j * K, K)]],
                         sems_s[b], add=True)

      def finish_s(j, b):
        pltpu.make_async_copy(rows[b], acc.at[dst_v.at[pl.ds(j * K, K)]],
                              sems_s[b]).wait()

      for t in range(DEPTH):
        start_g(t, t)

      def body(j, carry):
        for b in range(NBUF):
          @pl.when(j % NBUF == b)
          def _(b=b):
            bp = (b + DEPTH) % NBUF
            @pl.when(j + DEPTH < NB)
            def _():
              @pl.when(j >= 1)
              def _():
                finish_s(j - 1, bp)
              start_g(j + DEPTH, bp)
            finish_g(j, b)
            start_s(j, b)

        return carry

      lax.fori_loop(0, NB, body, 0)
      for t in range(NBUF):
        jj = NB - NBUF + t
        finish_s(jj, jj % NBUF)
      plsc.subcore_barrier()
      pltpu.sync_copy(acc.at[pl.ds(s * RPT, RPT)],
                      out_hbm.at[c, cc_l, pl.ds(s * RPT, RPT)])
      plsc.subcore_barrier()

  return scatter_kernel


_deg_call = _deg_kernel_fn()
_scatter4 = _scatter_kernel_fn(4)
_scatter2 = _scatter_kernel_fn(2)

RB = 1000


def _mm1_body(x_ref, w_ref, o_ref):
  o_ref[0] = jnp.dot(x_ref[...], w_ref[...], preferred_element_type=f32)


def _scale_body(m_ref, dinv_ref, o_ref):
  o_ref[0] = m_ref[0] * dinv_ref[...]


def _mm2_body(hp_ref, m1_ref, dinv_ref, b1_ref, w2_ref, o_ref):
  k = pl.program_id(2)
  h = ((hp_ref[0] + m1_ref[0]) * dinv_ref[...]
       + b1_ref[...][None, :])
  part = jnp.dot(h, w2_ref[...], preferred_element_type=f32)

  @pl.when(k == 0)
  def _():
    o_ref[0] = part

  @pl.when(k > 0)
  def _():
    o_ref[0] += part

  @pl.when(k == (H // 128) - 1)
  def _():
    o_ref[0] *= dinv_ref[...]


def _fin_body(gp_ref, m2_ref, dinv_ref, b2_ref, o_ref):
  o_ref[...] = ((gp_ref[0] + m2_ref[0])
                * dinv_ref[...] + b2_ref[...][None, :])


def kernel(embedding, W1, b1, W2, b2, edge_index):
  dst = edge_index[1].reshape(NS, EPT)

  zeros_acc = jnp.zeros((RPT, 128), f32)
  ones_deg = jnp.ones((K, 128), f32)

  degp = _deg_call(dst, zeros_acc, ones_deg)
  deg = 1.0 + degp[0, :, 0] + degp[1, :, 0]
  dinv = lax.rsqrt(deg)
  dinv_c = dinv.reshape(NPAD, 1)

  m1r = pl.pallas_call(
      _mm1_body,
      grid=(N // RB, H // 128),
      in_specs=[
          pl.BlockSpec((RB, D), lambda i, c: (i, 0)),
          pl.BlockSpec((D, 128), lambda i, c: (0, c)),
      ],
      out_specs=pl.BlockSpec((1, RB, 128), lambda i, c: (c, i, 0)),
      out_shape=jax.ShapeDtypeStruct((H // 128, N, 128), f32),
  )(embedding, W1)

  m1 = pl.pallas_call(
      _scale_body,
      grid=(N // RB, H // 128),
      in_specs=[
          pl.BlockSpec((1, RB, 128), lambda i, c: (c, i, 0)),
          pl.BlockSpec((RB, 1), lambda i, c: (i, 0)),
      ],
      out_specs=pl.BlockSpec((1, RB, 128), lambda i, c: (c, i, 0)),
      out_shape=jax.ShapeDtypeStruct((H // 128, N, 128), f32),
  )(m1r, dinv_c)

  srcf = edge_index[0].reshape(NS, EPT)
  src4 = (srcf[None] + (jnp.arange(4, dtype=jnp.int32) * N)[:, None, None])
  acc1 = _scatter4(m1.reshape(4 * N, 128), src4, dst,
                   zeros_acc).reshape(4, NPAD, 128)

  m2 = pl.pallas_call(
      _mm2_body,
      grid=(N // RB, D // 128, H // 128),
      in_specs=[
          pl.BlockSpec((1, RB, 128), lambda i, c, k: (k, i, 0)),
          pl.BlockSpec((1, RB, 128), lambda i, c, k: (k, i, 0)),
          pl.BlockSpec((RB, 1), lambda i, c, k: (i, 0)),
          pl.BlockSpec((128,), lambda i, c, k: (k,)),
          pl.BlockSpec((128, 128), lambda i, c, k: (k, c)),
      ],
      out_specs=pl.BlockSpec((1, RB, 128), lambda i, c, k: (c, i, 0)),
      out_shape=jax.ShapeDtypeStruct((D // 128, N, 128), f32),
  )(acc1, m1, dinv_c, b1, W2)

  src2 = (srcf[None] + (jnp.arange(2, dtype=jnp.int32) * N)[:, None, None])
  acc2 = _scatter2(m2.reshape(2 * N, 128), src2, dst,
                   zeros_acc).reshape(2, NPAD, 128)

  out = pl.pallas_call(
      _fin_body,
      grid=(N // RB, D // 128),
      in_specs=[
          pl.BlockSpec((1, RB, 128), lambda i, c: (c, i, 0)),
          pl.BlockSpec((1, RB, 128), lambda i, c: (c, i, 0)),
          pl.BlockSpec((RB, 1), lambda i, c: (i, 0)),
          pl.BlockSpec((128,), lambda i, c: (c,)),
      ],
      out_specs=pl.BlockSpec((RB, 128), lambda i, c: (i, c)),
      out_shape=jax.ShapeDtypeStruct((N, D), f32),
  )(acc2, m2, dinv_c, b2)

  return out

# --- scband reference (transcript-rebuilt; emitter-appended) ---
"""Pipeline reference for scband-graph-nn-74148315398748 (READ-ONLY COPY).

The authoritative reference and input builder live on the scoring server;
editing this copy changes nothing except your own understanding.
"""

import jax, jax.numpy as jnp
import numpy as np

N = 10000   # ntoken (nodes)
E = 160000  # edges
D = 256     # ninp
H = 512     # ninp * 2


def _xavier(key, shape):
    fan_in, fan_out = shape[0], shape[1]
    std = (2.0 / (fan_in + fan_out)) ** 0.5
    return jax.random.normal(key, shape, dtype=jnp.float32) * std


def setup_inputs(seed: int = 0):
    key = jax.random.key(seed)
    k0, k1, k2, k3 = jax.random.split(key, 4)
    edge_index = jax.random.randint(k0, (2, E), 0, N, dtype=jnp.int32)
    emb = _xavier(k1, (N, D))
    emb = emb.at[0].set(0.0)  # padding_idx=0
    W1 = _xavier(k2, (D, H))
    b1 = jnp.zeros((H,), dtype=jnp.float32)
    W2 = _xavier(k3, (H, D))
    b2 = jnp.zeros((D,), dtype=jnp.float32)
    return {"embedding": emb, "W1": W1, "b1": b1, "W2": W2, "b2": b2, "edge_index": edge_index}


def _gcn_conv(x, W, b, src, dst, n):
    # GCNConv: add self-loops, symmetric normalization D^-1/2 (A+I) D^-1/2 X W + b
    loop = jnp.arange(n, dtype=src.dtype)
    src2 = jnp.concatenate([src, loop])
    dst2 = jnp.concatenate([dst, loop])
    deg = jnp.zeros((n,), dtype=x.dtype).at[dst2].add(1.0)
    dinv = jnp.where(deg > 0, jax.lax.rsqrt(deg), 0.0)
    norm = dinv[src2] * dinv[dst2]
    xw = x @ W
    msg = jnp.take(xw, src2, axis=0) * norm[:, None]
    out = jax.ops.segment_sum(msg, dst2, num_segments=n)
    return out + b


def reference(embedding, W1, b1, W2, b2, edge_index):
    src = edge_index[0]
    dst = edge_index[1]
    # forward: gnn1(embedding.weight, edge_index) -> dropout (eval: identity) -> gnn2
    h = _gcn_conv(embedding, W1, b1, src, dst, N)
    out = _gcn_conv(h, W2, b2, src, dst, N)
    return out

if __name__ == "__main__":
    import jax
    _d = setup_inputs()
    print(jax.jit(kernel)(*tuple(_d.values())))

</pallas_src>

<mosaic_0001>
#map = affine_map<(d0, d1) -> (0, 0)>
#map1 = affine_map<(d0, d1) -> (0, 0, 0)>
#map2 = affine_map<(d0, d1) -> (0, 0, 0, 0)>
module attributes {stable_mosaic.version = 14 : i64} {
  func.func @scatter_kernel(%arg0: i32, %arg1: i32, %arg2: memref<40000x128xf32, #tpu.memory_space<hbm>>, %arg3: memref<4x16x10000xi32, #tpu.memory_space<hbm>>, %arg4: memref<16x10000xi32, #tpu.memory_space<hbm>>, %arg5: memref<640x128xf32, #tpu.memory_space<hbm>>, %arg6: memref<2x2x10240x128xf32, #tpu.memory_space<hbm>>, %arg7: memref<10000xi32, #tpu.memory_space<vmem>>, %arg8: memref<10000xi32, #tpu.memory_space<vmem>>, %arg9: memref<40x128xf32, #tpu.memory_space<vmem>>, %arg10: memref<40x128xf32, #tpu.memory_space<vmem>>, %arg11: memref<40x128xf32, #tpu.memory_space<vmem>>, %arg12: memref<40x128xf32, #tpu.memory_space<vmem>>, %arg13: memref<40x128xf32, #tpu.memory_space<vmem>>, %arg14: memref<10240x128xf32, #tpu.memory_space<vmem_shared>>, %arg15: memref<!tpu.dma_semaphore, #tpu.memory_space<semaphore_mem>>, %arg16: memref<!tpu.dma_semaphore, #tpu.memory_space<semaphore_mem>>, %arg17: memref<!tpu.dma_semaphore, #tpu.memory_space<semaphore_mem>>, %arg18: memref<!tpu.dma_semaphore, #tpu.memory_space<semaphore_mem>>, %arg19: memref<!tpu.dma_semaphore, #tpu.memory_space<semaphore_mem>>, %arg20: memref<!tpu.dma_semaphore, #tpu.memory_space<semaphore_mem>>, %arg21: memref<!tpu.dma_semaphore, #tpu.memory_space<semaphore_mem>>, %arg22: memref<!tpu.dma_semaphore, #tpu.memory_space<semaphore_mem>>, %arg23: memref<!tpu.dma_semaphore, #tpu.memory_space<semaphore_mem>>, %arg24: memref<!tpu.dma_semaphore, #tpu.memory_space<semaphore_mem>>) attributes {dimension_semantics = [#tpu.dimension_semantics<core_parallel>, #tpu.dimension_semantics<subcore_parallel>], iteration_bounds = array<i64: 2, 16>, scalar_prefetch = 0 : i64, scratch_operands = 18 : i64, tpu.core_type = #tpu.core_type<sc_vector_subcore>, window_params = [{transform_indices = #map}, {transform_indices = #map1}, {transform_indices = #map}, {transform_indices = #map}, {transform_indices = #map2}]} {
    "tpu.region"() ({
      %run_scoped3A_123 = tpu.sem_alloc : memref<!tpu.dma_semaphore, #tpu.memory_space<semaphore_mem>>
      %dma_start3A_124 = arith.constant 0 : i32
      %dma_start3A_125 = tpu.memref_slice %arg4[%arg1, %dma_start3A_124] : memref<16x10000xi32, #tpu.memory_space<hbm>> -> memref<1x10000xi32, #tpu.memory_space<hbm>>
      %dma_start3A_126 = tpu.memref_squeeze %dma_start3A_125 : memref<1x10000xi32, #tpu.memory_space<hbm>> -> memref<10000xi32, #tpu.memory_space<hbm>>
      %dma_start3A_127 = arith.constant 0 : i32
      %dma_start3A_128 = tpu.memref_slice %arg4[%arg1, %dma_start3A_127] : memref<16x10000xi32, #tpu.memory_space<hbm>> -> memref<1x10000xi32, #tpu.memory_space<hbm>>
      %dma_start3A_129 = tpu.memref_squeeze %dma_start3A_128 : memref<1x10000xi32, #tpu.memory_space<hbm>> -> memref<10000xi32, #tpu.memory_space<hbm>>
      tpu.enqueue_dma source(%dma_start3A_129 : memref<10000xi32, #tpu.memory_space<hbm>>) target(%arg8 : memref<10000xi32, #tpu.memory_space<vmem>>) target_semaphore(%run_scoped3A_123 : memref<!tpu.dma_semaphore, #tpu.memory_space<semaphore_mem>>)
      %dma_wait3A_130 = arith.constant 0 : i32
      %dma_wait3A_131 = tpu.memref_slice %arg4[%arg1, %dma_wait3A_130] : memref<16x10000xi32, #tpu.memory_space<hbm>> -> memref<1x10000xi32, #tpu.memory_space<hbm>>
      %dma_wait3A_132 = tpu.memref_squeeze %dma_wait3A_131 : memref<1x10000xi32, #tpu.memory_space<hbm>> -> memref<10000xi32, #tpu.memory_space<hbm>>
      %dma_wait3A_133 = arith.constant 0 : i32
      %dma_wait3A_134 = tpu.memref_slice %arg4[%arg1, %dma_wait3A_133] : memref<16x10000xi32, #tpu.memory_space<hbm>> -> memref<1x10000xi32, #tpu.memory_space<hbm>>
      %dma_wait3A_135 = tpu.memref_squeeze %dma_wait3A_134 : memref<1x10000xi32, #tpu.memory_space<hbm>> -> memref<10000xi32, #tpu.memory_space<hbm>>
      tpu.wait_dma2 semaphore(%run_scoped3A_123 : memref<!tpu.dma_semaphore, #tpu.memory_space<semaphore_mem>>) src(%dma_wait3A_135 : memref<10000xi32, #tpu.memory_space<hbm>>) dst(%arg8 : memref<10000xi32, #tpu.memory_space<vmem>>)
      tpu.yield
    }) : () -> ()
    %mul3A = arith.constant 2 : i32
    %mul3A_0 = arith.muli %arg0, %mul3A : i32
    %add3A = arith.constant 0 : i32
    %add3A_1 = arith.addi %mul3A_0, %add3A : i32
    "tpu.region"() ({
      %run_scoped3A_123 = tpu.sem_alloc : memref<!tpu.dma_semaphore, #tpu.memory_space<semaphore_mem>>
      %dma_start3A_124 = arith.constant 0 : i32
      %dma_start3A_125 = tpu.memref_slice %arg3[%add3A_1, %arg1, %dma_start3A_124] : memref<4x16x10000xi32, #tpu.memory_space<hbm>> -> memref<1x1x10000xi32, #tpu.memory_space<hbm>>
      %dma_start3A_126 = tpu.memref_squeeze %dma_start3A_125 : memref<1x1x10000xi32, #tpu.memory_space<hbm>> -> memref<10000xi32, #tpu.memory_space<hbm>>
      %dma_start3A_127 = arith.constant 0 : i32
      %dma_start3A_128 = tpu.memref_slice %arg3[%add3A_1, %arg1, %dma_start3A_127] : memref<4x16x10000xi32, #tpu.memory_space<hbm>> -> memref<1x1x10000xi32, #tpu.memory_space<hbm>>
      %dma_start3A_129 = tpu.memref_squeeze %dma_start3A_128 : memref<1x1x10000xi32, #tpu.memory_space<hbm>> -> memref<10000xi32, #tpu.memory_space<hbm>>
      tpu.enqueue_dma source(%dma_start3A_129 : memref<10000xi32, #tpu.memory_space<hbm>>) target(%arg7 : memref<10000xi32, #tpu.memory_space<vmem>>) target_semaphore(%run_scoped3A_123 : memref<!tpu.dma_semaphore, #tpu.memory_space<semaphore_mem>>)
      %dma_wait3A_130 = arith.constant 0 : i32
      %dma_wait3A_131 = tpu.memref_slice %arg3[%add3A_1, %arg1, %dma_wait3A_130] : memref<4x16x10000xi32, #tpu.memory_space<hbm>> -> memref<1x1x10000xi32, #tpu.memory_space<hbm>>
      %dma_wait3A_132 = tpu.memref_squeeze %dma_wait3A_131 : memref<1x1x10000xi32, #tpu.memory_space<hbm>> -> memref<10000xi32, #tpu.memory_space<hbm>>
      %dma_wait3A_133 = arith.constant 0 : i32
      %dma_wait3A_134 = tpu.memref_slice %arg3[%add3A_1, %arg1, %dma_wait3A_133] : memref<4x16x10000xi32, #tpu.memory_space<hbm>> -> memref<1x1x10000xi32, #tpu.memory_space<hbm>>
      %dma_wait3A_135 = tpu.memref_squeeze %dma_wait3A_134 : memref<1x1x10000xi32, #tpu.memory_space<hbm>> -> memref<10000xi32, #tpu.memory_space<hbm>>
      tpu.wait_dma2 semaphore(%run_scoped3A_123 : memref<!tpu.dma_semaphore, #tpu.memory_space<semaphore_mem>>) src(%dma_wait3A_135 : memref<10000xi32, #tpu.memory_space<hbm>>) dst(%arg7 : memref<10000xi32, #tpu.memory_space<vmem>>)
      tpu.yield
    }) : () -> ()
    %mul3A_2 = arith.constant 640 : i32
    %mul3A_3 = arith.muli %arg1, %mul3A_2 : i32
    "tpu.region"() ({
      %run_scoped3A_123 = tpu.sem_alloc : memref<!tpu.dma_semaphore, #tpu.memory_space<semaphore_mem>>
      %dma_start3A_124 = arith.constant 0 : i32
      %dma_start3A_125 = tpu.memref_slice %arg14[%mul3A_3, %dma_start3A_124] : memref<10240x128xf32, #tpu.memory_space<vmem_shared>> -> memref<640x128xf32, #tpu.memory_space<vmem_shared>>
      tpu.enqueue_dma source(%arg5 : memref<640x128xf32, #tpu.memory_space<hbm>>) target(%dma_start3A_125 : memref<640x128xf32, #tpu.memory_space<vmem_shared>>) target_semaphore(%run_scoped3A_123 : memref<!tpu.dma_semaphore, #tpu.memory_space<semaphore_mem>>)
      %dma_wait3A_126 = arith.constant 0 : i32
      %dma_wait3A_127 = tpu.memref_slice %arg14[%mul3A_3, %dma_wait3A_126] : memref<10240x128xf32, #tpu.memory_space<vmem_shared>> -> memref<640x128xf32, #tpu.memory_space<vmem_shared>>
      tpu.wait_dma2 semaphore(%run_scoped3A_123 : memref<!tpu.dma_semaphore, #tpu.memory_space<semaphore_mem>>) src(%arg5 : memref<640x128xf32, #tpu.memory_space<hbm>>) dst(%dma_wait3A_127 : memref<640x128xf32, #tpu.memory_space<vmem_shared>>)
      tpu.yield
    }) : () -> ()
    %barrier3A = arith.constant 0 : index
    tpu.barrier barrier_id(%barrier3A)
    %dma_start3A = arith.constant 0 : i32
    %dma_start3A_4 = tpu.memref_slice %arg7[%dma_start3A] : memref<10000xi32, #tpu.memory_space<vmem>> -> memref<40xi32, #tpu.memory_space<vmem>>
    %dma_start3A_5 = arith.constant 0 : i32
    %dma_start3A_6 = arith.constant 0 : i32
    %dma_start3A_7 = tpu.memref_slice %arg2[%dma_start3A_5, %dma_start3A_6] : memref<40000x128xf32, #tpu.memory_space<hbm>> -> memref<40000x128xf32, #tpu.memory_space<hbm>>
    tpu.enqueue_indirect_dma source(%dma_start3A_7 : memref<40000x128xf32, #tpu.memory_space<hbm>>) target(%arg9 : memref<40x128xf32, #tpu.memory_space<vmem>>) offsets(%dma_start3A_4 : memref<40xi32, #tpu.memory_space<vmem>>) semaphore(%arg15 : memref<!tpu.dma_semaphore, #tpu.memory_space<semaphore_mem>>)
    %dma_start3A_8 = arith.constant 40 : i32
    %dma_start3A_9 = tpu.memref_slice %arg7[%dma_start3A_8] : memref<10000xi32, #tpu.memory_space<vmem>> -> memref<40xi32, #tpu.memory_space<vmem>>
    %dma_start3A_10 = arith.constant 0 : i32
    %dma_start3A_11 = arith.constant 0 : i32
    %dma_start3A_12 = tpu.memref_slice %arg2[%dma_start3A_10, %dma_start3A_11] : memref<40000x128xf32, #tpu.memory_space<hbm>> -> memref<40000x128xf32, #tpu.memory_space<hbm>>
    tpu.enqueue_indirect_dma source(%dma_start3A_12 : memref<40000x128xf32, #tpu.memory_space<hbm>>) target(%arg10 : memref<40x128xf32, #tpu.memory_space<vmem>>) offsets(%dma_start3A_9 : memref<40xi32, #tpu.memory_space<vmem>>) semaphore(%arg16 : memref<!tpu.dma_semaphore, #tpu.memory_space<semaphore_mem>>)
    %dma_start3A_13 = arith.constant 80 : i32
    %dma_start3A_14 = tpu.memref_slice %arg7[%dma_start3A_13] : memref<10000xi32, #tpu.memory_space<vmem>> -> memref<40xi32, #tpu.memory_space<vmem>>
    %dma_start3A_15 = arith.constant 0 : i32
    %dma_start3A_16 = arith.constant 0 : i32
    %dma_start3A_17 = tpu.memref_slice %arg2[%dma_start3A_15, %dma_start3A_16] : memref<40000x128xf32, #tpu.memory_space<hbm>> -> memref<40000x128xf32, #tpu.memory_space<hbm>>
    tpu.enqueue_indirect_dma source(%dma_start3A_17 : memref<40000x128xf32, #tpu.memory_space<hbm>>) target(%arg11 : memref<40x128xf32, #tpu.memory_space<vmem>>) offsets(%dma_start3A_14 : memref<40xi32, #tpu.memory_space<vmem>>) semaphore(%arg17 : memref<!tpu.dma_semaphore, #tpu.memory_space<semaphore_mem>>)
    %dma_start3A_18 = arith.constant 120 : i32
    %dma_start3A_19 = tpu.memref_slice %arg7[%dma_start3A_18] : memref<10000xi32, #tpu.memory_space<vmem>> -> memref<40xi32, #tpu.memory_space<vmem>>
    %dma_start3A_20 = arith.constant 0 : i32
    %dma_start3A_21 = arith.constant 0 : i32
    %dma_start3A_22 = tpu.memref_slice %arg2[%dma_start3A_20, %dma_start3A_21] : memref<40000x128xf32, #tpu.memory_space<hbm>> -> memref<40000x128xf32, #tpu.memory_space<hbm>>
    tpu.enqueue_indirect_dma source(%dma_start3A_22 : memref<40000x128xf32, #tpu.memory_space<hbm>>) target(%arg12 : memref<40x128xf32, #tpu.memory_space<vmem>>) offsets(%dma_start3A_19 : memref<40xi32, #tpu.memory_space<vmem>>) semaphore(%arg18 : memref<!tpu.dma_semaphore, #tpu.memory_space<semaphore_mem>>)
    %scan3A = arith.constant 0 : i32
    %scan3A_23 = arith.constant 0 : i32
    %scan3A_24 = arith.constant 250 : i32
    %scan3A_25 = arith.addi %scan3A_23, %scan3A_24 : i32
    %scan3A_26 = arith.constant 1 : i32
    scf.for %scan3A_123 = %scan3A_23 to %scan3A_25 step %scan3A_26  : i32 {
      %jit3A = arith.constant 5 : i32
      %eq3A = arith.constant 0 : i32
      %eq3A_124 = arith.cmpi eq, %jit3A, %eq3A : i32
      %jit3A_125 = arith.constant 1 : i32
      %select_n3A = arith.select %eq3A_124, %jit3A_125, %jit3A : i32
      %rem3A = arith.remsi %scan3A_123, %select_n3A : i32
      %ne3A = arith.constant 0 : i32
      %ne3A_126 = arith.cmpi ne, %rem3A, %ne3A : i32
      %lt3A = arith.constant 0 : i32
      %lt3A_127 = arith.cmpi slt, %rem3A, %lt3A : i32
      %lt3A_128 = arith.constant 0 : i32
      %lt3A_129 = arith.cmpi slt, %select_n3A, %lt3A_128 : i32
      %ne3A_130 = arith.xori %lt3A_127, %lt3A_129 : i1
      %and3A = arith.andi %ne3A_130, %ne3A_126 : i1
      %add3A_131 = arith.addi %rem3A, %select_n3A : i32
      %select_n3A_132 = arith.select %and3A, %add3A_131, %rem3A : i32
      %eq3A_133 = arith.constant 0 : i32
      %eq3A_134 = arith.cmpi eq, %select_n3A_132, %eq3A_133 : i32
      %convert_element_type3A = arith.extui %eq3A_134 : i1 to i32
      %cond3A = arith.constant 0 : i32
      %cond3A_135 = arith.cmpi ne, %convert_element_type3A, %cond3A : i32
      scf.if %cond3A_135 {
        %add3A_220 = arith.constant 4 : i32
        %add3A_221 = arith.addi %scan3A_123, %add3A_220 : i32
        %lt3A_222 = arith.constant 250 : i32
        %lt3A_223 = arith.cmpi slt, %add3A_221, %lt3A_222 : i32
        %convert_element_type3A_224 = arith.extui %lt3A_223 : i1 to i32
        %cond3A_225 = arith.constant 0 : i32
        %cond3A_226 = arith.cmpi ne, %convert_element_type3A_224, %cond3A_225 : i32
        scf.if %cond3A_226 {
          %ge3A = arith.constant 1 : i32
          %ge3A_239 = arith.cmpi sge, %scan3A_123, %ge3A : i32
          %convert_element_type3A_240 = arith.extui %ge3A_239 : i1 to i32
          %cond3A_241 = arith.constant 0 : i32
          %cond3A_242 = arith.cmpi ne, %convert_element_type3A_240, %cond3A_241 : i32
          scf.if %cond3A_242 {
            %sub3A = arith.constant 1 : i32
            %sub3A_251 = arith.subi %scan3A_123, %sub3A : i32
            %mul3A_252 = arith.constant 40 : i32
            %mul3A_253 = arith.muli %sub3A_251, %mul3A_252 : i32
            %dma_wait3A_254 = tpu.memref_slice %arg8[%mul3A_253] : memref<10000xi32, #tpu.memory_space<vmem>> -> memref<40xi32, #tpu.memory_space<vmem>>
            %dma_wait3A_255 = arith.constant 0 : i32
            %dma_wait3A_256 = arith.constant 0 : i32
            %dma_wait3A_257 = tpu.memref_slice %arg14[%dma_wait3A_255, %dma_wait3A_256] : memref<10240x128xf32, #tpu.memory_space<vmem_shared>> -> memref<10240x128xf32, #tpu.memory_space<vmem_shared>>
            tpu.wait_indirect_dma semaphore(%arg24 : memref<!tpu.dma_semaphore, #tpu.memory_space<semaphore_mem>>) src(%arg13 : memref<40x128xf32, #tpu.memory_space<vmem>>) dst(%dma_wait3A_257 : memref<10240x128xf32, #tpu.memory_space<vmem_shared>>)
          } else {
          }
          %add3A_243 = arith.constant 4 : i32
          %add3A_244 = arith.addi %scan3A_123, %add3A_243 : i32
          %mul3A_245 = arith.constant 40 : i32
          %mul3A_246 = arith.muli %add3A_244, %mul3A_245 : i32
          %dma_start3A_247 = tpu.memref_slice %arg7[%mul3A_246] : memref<10000xi32, #tpu.memory_space<vmem>> -> memref<40xi32, #tpu.memory_space<vmem>>
          %dma_start3A_248 = arith.constant 0 : i32
          %dma_start3A_249 = arith.constant 0 : i32
          %dma_start3A_250 = tpu.memref_slice %arg2[%dma_start3A_248, %dma_start3A_249] : memref<40000x128xf32, #tpu.memory_space<hbm>> -> memref<40000x128xf32, #tpu.memory_space<hbm>>
          tpu.enqueue_indirect_dma source(%dma_start3A_250 : memref<40000x128xf32, #tpu.memory_space<hbm>>) target(%arg13 : memref<40x128xf32, #tpu.memory_space<vmem>>) offsets(%dma_start3A_247 : memref<40xi32, #tpu.memory_space<vmem>>) semaphore(%arg19 : memref<!tpu.dma_semaphore, #tpu.memory_space<semaphore_mem>>)
        } else {
        }
        %mul3A_227 = arith.constant 40 : i32
        %mul3A_228 = arith.muli %scan3A_123, %mul3A_227 : i32
        %dma_wait3A_229 = tpu.memref_slice %arg7[%mul3A_228] : memref<10000xi32, #tpu.memory_space<vmem>> -> memref<40xi32, #tpu.memory_space<vmem>>
        %dma_wait3A_230 = arith.constant 0 : i32
        %dma_wait3A_231 = arith.constant 0 : i32
        %dma_wait3A_232 = tpu.memref_slice %arg2[%dma_wait3A_230, %dma_wait3A_231] : memref<40000x128xf32, #tpu.memory_space<hbm>> -> memref<40000x128xf32, #tpu.memory_space<hbm>>
        tpu.wait_indirect_dma semaphore(%arg15 : memref<!tpu.dma_semaphore, #tpu.memory_space<semaphore_mem>>) src(%dma_wait3A_232 : memref<40000x128xf32, #tpu.memory_space<hbm>>) dst(%arg9 : memref<40x128xf32, #tpu.memory_space<vmem>>)
        %mul3A_233 = arith.constant 40 : i32
        %mul3A_234 = arith.muli %scan3A_123, %mul3A_233 : i32
        %dma_start3A_235 = tpu.memref_slice %arg8[%mul3A_234] : memref<10000xi32, #tpu.memory_space<vmem>> -> memref<40xi32, #tpu.memory_space<vmem>>
        %dma_start3A_236 = arith.constant 0 : i32
        %dma_start3A_237 = arith.constant 0 : i32
        %dma_start3A_238 = tpu.memref_slice %arg14[%dma_start3A_236, %dma_start3A_237] : memref<10240x128xf32, #tpu.memory_space<vmem_shared>> -> memref<10240x128xf32, #tpu.memory_space<vmem_shared>>
        tpu.enqueue_indirect_dma source(%arg9 : memref<40x128xf32, #tpu.memory_space<vmem>>) target(%dma_start3A_238 : memref<10240x128xf32, #tpu.memory_space<vmem_shared>>) offsets(%dma_start3A_235 : memref<40xi32, #tpu.memory_space<vmem>>) semaphore(%arg20 : memref<!tpu.dma_semaphore, #tpu.memory_space<semaphore_mem>>) {add = true}
      } else {
      }
      %jit3A_136 = arith.constant 5 : i32
      %eq3A_137 = arith.constant 0 : i32
      %eq3A_138 = arith.cmpi eq, %jit3A_136, %eq3A_137 : i32
      %jit3A_139 = arith.constant 1 : i32
      %select_n3A_140 = arith.select %eq3A_138, %jit3A_139, %jit3A_136 : i32
      %rem3A_141 = arith.remsi %scan3A_123, %select_n3A_140 : i32
      %ne3A_142 = arith.constant 0 : i32
      %ne3A_143 = arith.cmpi ne, %rem3A_141, %ne3A_142 : i32
      %lt3A_144 = arith.constant 0 : i32
      %lt3A_145 = arith.cmpi slt, %rem3A_141, %lt3A_144 : i32
      %lt3A_146 = arith.constant 0 : i32
      %lt3A_147 = arith.cmpi slt, %select_n3A_140, %lt3A_146 : i32
      %ne3A_148 = arith.xori %lt3A_145, %lt3A_147 : i1
      %and3A_149 = arith.andi %ne3A_148, %ne3A_143 : i1
      %add3A_150 = arith.addi %rem3A_141, %select_n3A_140 : i32
      %select_n3A_151 = arith.select %and3A_149, %add3A_150, %rem3A_141 : i32
      %eq3A_152 = arith.constant 1 : i32
      %eq3A_153 = arith.cmpi eq, %select_n3A_151, %eq3A_152 : i32
      %convert_element_type3A_154 = arith.extui %eq3A_153 : i1 to i32
      %cond3A_155 = arith.constant 0 : i32
      %cond3A_156 = arith.cmpi ne, %convert_element_type3A_154, %cond3A_155 : i32
      scf.if %cond3A_156 {
        %add3A_220 = arith.constant 4 : i32
        %add3A_221 = arith.addi %scan3A_123, %add3A_220 : i32
        %lt3A_222 = arith.constant 250 : i32
        %lt3A_223 = arith.cmpi slt, %add3A_221, %lt3A_222 : i32
        %convert_element_type3A_224 = arith.extui %lt3A_223 : i1 to i32
        %cond3A_225 = arith.constant 0 : i32
        %cond3A_226 = arith.cmpi ne, %convert_element_type3A_224, %cond3A_225 : i32
        scf.if %cond3A_226 {
          %ge3A = arith.constant 1 : i32
          %ge3A_239 = arith.cmpi sge, %scan3A_123, %ge3A : i32
          %convert_element_type3A_240 = arith.extui %ge3A_239 : i1 to i32
          %cond3A_241 = arith.constant 0 : i32
          %cond3A_242 = arith.cmpi ne, %convert_element_type3A_240, %cond3A_241 : i32
          scf.if %cond3A_242 {
            %sub3A = arith.constant 1 : i32
            %sub3A_251 = arith.subi %scan3A_123, %sub3A : i32
            %mul3A_252 = arith.constant 40 : i32
            %mul3A_253 = arith.muli %sub3A_251, %mul3A_252 : i32
            %dma_wait3A_254 = tpu.memref_slice %arg8[%mul3A_253] : memref<10000xi32, #tpu.memory_space<vmem>> -> memref<40xi32, #tpu.memory_space<vmem>>
            %dma_wait3A_255 = arith.constant 0 : i32
            %dma_wait3A_256 = arith.constant 0 : i32
            %dma_wait3A_257 = tpu.memref_slice %arg14[%dma_wait3A_255, %dma_wait3A_256] : memref<10240x128xf32, #tpu.memory_space<vmem_shared>> -> memref<10240x128xf32, #tpu.memory_space<vmem_shared>>
            tpu.wait_indirect_dma semaphore(%arg20 : memref<!tpu.dma_semaphore, #tpu.memory_space<semaphore_mem>>) src(%arg9 : memref<40x128xf32, #tpu.memory_space<vmem>>) dst(%dma_wait3A_257 : memref<10240x128xf32, #tpu.memory_space<vmem_shared>>)
          } else {
          }
          %add3A_243 = arith.constant 4 : i32
          %add3A_244 = arith.addi %scan3A_123, %add3A_243 : i32
          %mul3A_245 = arith.constant 40 : i32
          %mul3A_246 = arith.muli %add3A_244, %mul3A_245 : i32
          %dma_start3A_247 = tpu.memref_slice %arg7[%mul3A_246] : memref<10000xi32, #tpu.memory_space<vmem>> -> memref<40xi32, #tpu.memory_space<vmem>>
          %dma_start3A_248 = arith.constant 0 : i32
          %dma_start3A_249 = arith.constant 0 : i32
          %dma_start3A_250 = tpu.memref_slice %arg2[%dma_start3A_248, %dma_start3A_249] : memref<40000x128xf32, #tpu.memory_space<hbm>> -> memref<40000x128xf32, #tpu.memory_space<hbm>>
          tpu.enqueue_indirect_dma source(%dma_start3A_250 : memref<40000x128xf32, #tpu.memory_space<hbm>>) target(%arg9 : memref<40x128xf32, #tpu.memory_space<vmem>>) offsets(%dma_start3A_247 : memref<40xi32, #tpu.memory_space<vmem>>) semaphore(%arg15 : memref<!tpu.dma_semaphore, #tpu.memory_space<semaphore_mem>>)
        } else {
        }
        %mul3A_227 = arith.constant 40 : i32
        %mul3A_228 = arith.muli %scan3A_123, %mul3A_227 : i32
        %dma_wait3A_229 = tpu.memref_slice %arg7[%mul3A_228] : memref<10000xi32, #tpu.memory_space<vmem>> -> memref<40xi32, #tpu.memory_space<vmem>>
        %dma_wait3A_230 = arith.constant 0 : i32
        %dma_wait3A_231 = arith.constant 0 : i32
        %dma_wait3A_232 = tpu.memref_slice %arg2[%dma_wait3A_230, %dma_wait3A_231] : memref<40000x128xf32, #tpu.memory_space<hbm>> -> memref<40000x128xf32, #tpu.memory_space<hbm>>
        tpu.wait_indirect_dma semaphore(%arg16 : memref<!tpu.dma_semaphore, #tpu.memory_space<semaphore_mem>>) src(%dma_wait3A_232 : memref<40000x128xf32, #tpu.memory_space<hbm>>) dst(%arg10 : memref<40x128xf32, #tpu.memory_space<vmem>>)
        %mul3A_233 = arith.constant 40 : i32
        %mul3A_234 = arith.muli %scan3A_123, %mul3A_233 : i32
        %dma_start3A_235 = tpu.memref_slice %arg8[%mul3A_234] : memref<10000xi32, #tpu.memory_space<vmem>> -> memref<40xi32, #tpu.memory_space<vmem>>
        %dma_start3A_236 = arith.constant 0 : i32
        %dma_start3A_237 = arith.constant 0 : i32
        %dma_start3A_238 = tpu.memref_slice %arg14[%dma_start3A_236, %dma_start3A_237] : memref<10240x128xf32, #tpu.memory_space<vmem_shared>> -> memref<10240x128xf32, #tpu.memory_space<vmem_shared>>
        tpu.enqueue_indirect_dma source(%arg10 : memref<40x128xf32, #tpu.memory_space<vmem>>) target(%dma_start3A_238 : memref<10240x128xf32, #tpu.memory_space<vmem_shared>>) offsets(%dma_start3A_235 : memref<40xi32, #tpu.memory_space<vmem>>) semaphore(%arg21 : memref<!tpu.dma_semaphore, #tpu.memory_space<semaphore_mem>>) {add = true}
      } else {
      }
      %jit3A_157 = arith.constant 5 : i32
      %eq3A_158 = arith.constant 0 : i32
      %eq3A_159 = arith.cmpi eq, %jit3A_157, %eq3A_158 : i32
      %jit3A_160 = arith.constant 1 : i32
      %select_n3A_161 = arith.select %eq3A_159, %jit3A_160, %jit3A_157 : i32
      %rem3A_162 = arith.remsi %scan3A_123, %select_n3A_161 : i32
      %ne3A_163 = arith.constant 0 : i32
      %ne3A_164 = arith.cmpi ne, %rem3A_162, %ne3A_163 : i32
      %lt3A_165 = arith.constant 0 : i32
      %lt3A_166 = arith.cmpi slt, %rem3A_162, %lt3A_165 : i32
      %lt3A_167 = arith.constant 0 : i32
      %lt3A_168 = arith.cmpi slt, %select_n3A_161, %lt3A_167 : i32
      %ne3A_169 = arith.xori %lt3A_166, %lt3A_168 : i1
      %and3A_170 = arith.andi %ne3A_169, %ne3A_164 : i1
      %add3A_171 = arith.addi %rem3A_162, %select_n3A_161 : i32
      %select_n3A_172 = arith.select %and3A_170, %add3A_171, %rem3A_162 : i32
      %eq3A_173 = arith.constant 2 : i32
      %eq3A_174 = arith.cmpi eq, %select_n3A_172, %eq3A_173 : i32
      %convert_element_type3A_175 = arith.extui %eq3A_174 : i1 to i32
      %cond3A_176 = arith.constant 0 : i32
      %cond3A_177 = arith.cmpi ne, %convert_element_type3A_175, %cond3A_176 : i32
      scf.if %cond3A_177 {
        %add3A_220 = arith.constant 4 : i32
        %add3A_221 = arith.addi %scan3A_123, %add3A_220 : i32
        %lt3A_222 = arith.constant 250 : i32
        %lt3A_223 = arith.cmpi slt, %add3A_221, %lt3A_222 : i32
        %convert_element_type3A_224 = arith.extui %lt3A_223 : i1 to i32
        %cond3A_225 = arith.constant 0 : i32
        %cond3A_226 = arith.cmpi ne, %convert_element_type3A_224, %cond3A_225 : i32
        scf.if %cond3A_226 {
          %ge3A = arith.constant 1 : i32
          %ge3A_239 = arith.cmpi sge, %scan3A_123, %ge3A : i32
          %convert_element_type3A_240 = arith.extui %ge3A_239 : i1 to i32
          %cond3A_241 = arith.constant 0 : i32
          %cond3A_242 = arith.cmpi ne, %convert_element_type3A_240, %cond3A_241 : i32
          scf.if %cond3A_242 {
            %sub3A = arith.constant 1 : i32
            %sub3A_251 = arith.subi %scan3A_123, %sub3A : i32
            %mul3A_252 = arith.constant 40 : i32
            %mul3A_253 = arith.muli %sub3A_251, %mul3A_252 : i32
            %dma_wait3A_254 = tpu.memref_slice %arg8[%mul3A_253] : memref<10000xi32, #tpu.memory_space<vmem>> -> memref<40xi32, #tpu.memory_space<vmem>>
            %dma_wait3A_255 = arith.constant 0 : i32
            %dma_wait3A_256 = arith.constant 0 : i32
            %dma_wait3A_257 = tpu.memref_slice %arg14[%dma_wait3A_255, %dma_wait3A_256] : memref<10240x128xf32, #tpu.memory_space<vmem_shared>> -> memref<10240x128xf32, #tpu.memory_space<vmem_shared>>
            tpu.wait_indirect_dma semaphore(%arg21 : memref<!tpu.dma_semaphore, #tpu.memory_space<semaphore_mem>>) src(%arg10 : memref<40x128xf32, #tpu.memory_space<vmem>>) dst(%dma_wait3A_257 : memref<10240x128xf32, #tpu.memory_space<vmem_shared>>)
          } else {
          }
          %add3A_243 = arith.constant 4 : i32
          %add3A_244 = arith.addi %scan3A_123, %add3A_243 : i32
          %mul3A_245 = arith.constant 40 : i32
          %mul3A_246 = arith.muli %add3A_244, %mul3A_245 : i32
          %dma_start3A_247 = tpu.memref_slice %arg7[%mul3A_246] : memref<10000xi32, #tpu.memory_space<vmem>> -> memref<40xi32, #tpu.memory_space<vmem>>
          %dma_start3A_248 = arith.constant 0 : i32
          %dma_start3A_249 = arith.constant 0 : i32
          %dma_start3A_250 = tpu.memref_slice %arg2[%dma_start3A_248, %dma_start3A_249] : memref<40000x128xf32, #tpu.memory_space<hbm>> -> memref<40000x128xf32, #tpu.memory_space<hbm>>
          tpu.enqueue_indirect_dma source(%dma_start3A_250 : memref<40000x128xf32, #tpu.memory_space<hbm>>) target(%arg10 : memref<40x128xf32, #tpu.memory_space<vmem>>) offsets(%dma_start3A_247 : memref<40xi32, #tpu.memory_space<vmem>>) semaphore(%arg16 : memref<!tpu.dma_semaphore, #tpu.memory_space<semaphore_mem>>)
        } else {
        }
        %mul3A_227 = arith.constant 40 : i32
        %mul3A_228 = arith.muli %scan3A_123, %mul3A_227 : i32
        %dma_wait3A_229 = tpu.memref_slice %arg7[%mul3A_228] : memref<10000xi32, #tpu.memory_space<vmem>> -> memref<40xi32, #tpu.memory_space<vmem>>
        %dma_wait3A_230 = arith.constant 0 : i32
        %dma_wait3A_231 = arith.constant 0 : i32
        %dma_wait3A_232 = tpu.memref_slice %arg2[%dma_wait3A_230, %dma_wait3A_231] : memref<40000x128xf32, #tpu.memory_space<hbm>> -> memref<40000x128xf32, #tpu.memory_space<hbm>>
        tpu.wait_indirect_dma semaphore(%arg17 : memref<!tpu.dma_semaphore, #tpu.memory_space<semaphore_mem>>) src(%dma_wait3A_232 : memref<40000x128xf32, #tpu.memory_space<hbm>>) dst(%arg11 : memref<40x128xf32, #tpu.memory_space<vmem>>)
        %mul3A_233 = arith.constant 40 : i32
        %mul3A_234 = arith.muli %scan3A_123, %mul3A_233 : i32
        %dma_start3A_235 = tpu.memref_slice %arg8[%mul3A_234] : memref<10000xi32, #tpu.memory_space<vmem>> -> memref<40xi32, #tpu.memory_space<vmem>>
        %dma_start3A_236 = arith.constant 0 : i32
        %dma_start3A_237 = arith.constant 0 : i32
        %dma_start3A_238 = tpu.memref_slice %arg14[%dma_start3A_236, %dma_start3A_237] : memref<10240x128xf32, #tpu.memory_space<vmem_shared>> -> memref<10240x128xf32, #tpu.memory_space<vmem_shared>>
        tpu.enqueue_indirect_dma source(%arg11 : memref<40x128xf32, #tpu.memory_space<vmem>>) target(%dma_start3A_238 : memref<10240x128xf32, #tpu.memory_space<vmem_shared>>) offsets(%dma_start3A_235 : memref<40xi32, #tpu.memory_space<vmem>>) semaphore(%arg22 : memref<!tpu.dma_semaphore, #tpu.memory_space<semaphore_mem>>) {add = true}
      } else {
      }
      %jit3A_178 = arith.constant 5 : i32
      %eq3A_179 = arith.constant 0 : i32
      %eq3A_180 = arith.cmpi eq, %jit3A_178, %eq3A_179 : i32
      %jit3A_181 = arith.constant 1 : i32
      %select_n3A_182 = arith.select %eq3A_180, %jit3A_181, %jit3A_178 : i32
      %rem3A_183 = arith.remsi %scan3A_123, %select_n3A_182 : i32
      %ne3A_184 = arith.constant 0 : i32
      %ne3A_185 = arith.cmpi ne, %rem3A_183, %ne3A_184 : i32
      %lt3A_186 = arith.constant 0 : i32
      %lt3A_187 = arith.cmpi slt, %rem3A_183, %lt3A_186 : i32
      %lt3A_188 = arith.constant 0 : i32
      %lt3A_189 = arith.cmpi slt, %select_n3A_182, %lt3A_188 : i32
      %ne3A_190 = arith.xori %lt3A_187, %lt3A_189 : i1
      %and3A_191 = arith.andi %ne3A_190, %ne3A_185 : i1
      %add3A_192 = arith.addi %rem3A_183, %select_n3A_182 : i32
      %select_n3A_193 = arith.select %and3A_191, %add3A_192, %rem3A_183 : i32
      %eq3A_194 = arith.constant 3 : i32
      %eq3A_195 = arith.cmpi eq, %select_n3A_193, %eq3A_194 : i32
      %convert_element_type3A_196 = arith.extui %eq3A_195 : i1 to i32
      %cond3A_197 = arith.constant 0 : i32
      %cond3A_198 = arith.cmpi ne, %convert_element_type3A_196, %cond3A_197 : i32
      scf.if %cond3A_198 {
        %add3A_220 = arith.constant 4 : i32
        %add3A_221 = arith.addi %scan3A_123, %add3A_220 : i32
        %lt3A_222 = arith.constant 250 : i32
        %lt3A_223 = arith.cmpi slt, %add3A_221, %lt3A_222 : i32
        %convert_element_type3A_224 = arith.extui %lt3A_223 : i1 to i32
        %cond3A_225 = arith.constant 0 : i32
        %cond3A_226 = arith.cmpi ne, %convert_element_type3A_224, %cond3A_225 : i32
        scf.if %cond3A_226 {
          %ge3A = arith.constant 1 : i32
          %ge3A_239 = arith.cmpi sge, %scan3A_123, %ge3A : i32
          %convert_element_type3A_240 = arith.extui %ge3A_239 : i1 to i32
          %cond3A_241 = arith.constant 0 : i32
          %cond3A_242 = arith.cmpi ne, %convert_element_type3A_240, %cond3A_241 : i32
          scf.if %cond3A_242 {
            %sub3A = arith.constant 1 : i32
            %sub3A_251 = arith.subi %scan3A_123, %sub3A : i32
            %mul3A_252 = arith.constant 40 : i32
            %mul3A_253 = arith.muli %sub3A_251, %mul3A_252 : i32
            %dma_wait3A_254 = tpu.memref_slice %arg8[%mul3A_253] : memref<10000xi32, #tpu.memory_space<vmem>> -> memref<40xi32, #tpu.memory_space<vmem>>
            %dma_wait3A_255 = arith.constant 0 : i32
            %dma_wait3A_256 = arith.constant 0 : i32
            %dma_wait3A_257 = tpu.memref_slice %arg14[%dma_wait3A_255, %dma_wait3A_256] : memref<10240x128xf32, #tpu.memory_space<vmem_shared>> -> memref<10240x128xf32, #tpu.memory_space<vmem_shared>>
            tpu.wait_indirect_dma semaphore(%arg22 : memref<!tpu.dma_semaphore, #tpu.memory_space<semaphore_mem>>) src(%arg11 : memref<40x128xf32, #tpu.memory_space<vmem>>) dst(%dma_wait3A_257 : memref<10240x128xf32, #tpu.memory_space<vmem_shared>>)
          } else {
          }
          %add3A_243 = arith.constant 4 : i32
          %add3A_244 = arith.addi %scan3A_123, %add3A_243 : i32
          %mul3A_245 = arith.constant 40 : i32
          %mul3A_246 = arith.muli %add3A_244, %mul3A_245 : i32
          %dma_start3A_247 = tpu.memref_slice %arg7[%mul3A_246] : memref<10000xi32, #tpu.memory_space<vmem>> -> memref<40xi32, #tpu.memory_space<vmem>>
          %dma_start3A_248 = arith.constant 0 : i32
          %dma_start3A_249 = arith.constant 0 : i32
          %dma_start3A_250 = tpu.memref_slice %arg2[%dma_start3A_248, %dma_start3A_249] : memref<40000x128xf32, #tpu.memory_space<hbm>> -> memref<40000x128xf32, #tpu.memory_space<hbm>>
          tpu.enqueue_indirect_dma source(%dma_start3A_250 : memref<40000x128xf32, #tpu.memory_space<hbm>>) target(%arg11 : memref<40x128xf32, #tpu.memory_space<vmem>>) offsets(%dma_start3A_247 : memref<40xi32, #tpu.memory_space<vmem>>) semaphore(%arg17 : memref<!tpu.dma_semaphore, #tpu.memory_space<semaphore_mem>>)
        } else {
        }
        %mul3A_227 = arith.constant 40 : i32
        %mul3A_228 = arith.muli %scan3A_123, %mul3A_227 : i32
        %dma_wait3A_229 = tpu.memref_slice %arg7[%mul3A_228] : memref<10000xi32, #tpu.memory_space<vmem>> -> memref<40xi32, #tpu.memory_space<vmem>>
        %dma_wait3A_230 = arith.constant 0 : i32
        %dma_wait3A_231 = arith.constant 0 : i32
        %dma_wait3A_232 = tpu.memref_slice %arg2[%dma_wait3A_230, %dma_wait3A_231] : memref<40000x128xf32, #tpu.memory_space<hbm>> -> memref<40000x128xf32, #tpu.memory_space<hbm>>
        tpu.wait_indirect_dma semaphore(%arg18 : memref<!tpu.dma_semaphore, #tpu.memory_space<semaphore_mem>>) src(%dma_wait3A_232 : memref<40000x128xf32, #tpu.memory_space<hbm>>) dst(%arg12 : memref<40x128xf32, #tpu.memory_space<vmem>>)
        %mul3A_233 = arith.constant 40 : i32
        %mul3A_234 = arith.muli %scan3A_123, %mul3A_233 : i32
        %dma_start3A_235 = tpu.memref_slice %arg8[%mul3A_234] : memref<10000xi32, #tpu.memory_space<vmem>> -> memref<40xi32, #tpu.memory_space<vmem>>
        %dma_start3A_236 = arith.constant 0 : i32
        %dma_start3A_237 = arith.constant 0 : i32
        %dma_start3A_238 = tpu.memref_slice %arg14[%dma_start3A_236, %dma_start3A_237] : memref<10240x128xf32, #tpu.memory_space<vmem_shared>> -> memref<10240x128xf32, #tpu.memory_space<vmem_shared>>
        tpu.enqueue_indirect_dma source(%arg12 : memref<40x128xf32, #tpu.memory_space<vmem>>) target(%dma_start3A_238 : memref<10240x128xf32, #tpu.memory_space<vmem_shared>>) offsets(%dma_start3A_235 : memref<40xi32, #tpu.memory_space<vmem>>) semaphore(%arg23 : memref<!tpu.dma_semaphore, #tpu.memory_space<semaphore_mem>>) {add = true}
      } else {
      }
      %jit3A_199 = arith.constant 5 : i32
      %eq3A_200 = arith.constant 0 : i32
      %eq3A_201 = arith.cmpi eq, %jit3A_199, %eq3A_200 : i32
      %jit3A_202 = arith.constant 1 : i32
      %select_n3A_203 = arith.select %eq3A_201, %jit3A_202, %jit3A_199 : i32
      %rem3A_204 = arith.remsi %scan3A_123, %select_n3A_203 : i32
      %ne3A_205 = arith.constant 0 : i32
      %ne3A_206 = arith.cmpi ne, %rem3A_204, %ne3A_205 : i32
      %lt3A_207 = arith.constant 0 : i32
      %lt3A_208 = arith.cmpi slt, %rem3A_204, %lt3A_207 : i32
      %lt3A_209 = arith.constant 0 : i32
      %lt3A_210 = arith.cmpi slt, %select_n3A_203, %lt3A_209 : i32
      %ne3A_211 = arith.xori %lt3A_208, %lt3A_210 : i1
      %and3A_212 = arith.andi %ne3A_211, %ne3A_206 : i1
      %add3A_213 = arith.addi %rem3A_204, %select_n3A_203 : i32
      %select_n3A_214 = arith.select %and3A_212, %add3A_213, %rem3A_204 : i32
      %eq3A_215 = arith.constant 4 : i32
      %eq3A_216 = arith.cmpi eq, %select_n3A_214, %eq3A_215 : i32
      %convert_element_type3A_217 = arith.extui %eq3A_216 : i1 to i32
      %cond3A_218 = arith.constant 0 : i32
      %cond3A_219 = arith.cmpi ne, %convert_element_type3A_217, %cond3A_218 : i32
      scf.if %cond3A_219 {
        %add3A_220 = arith.constant 4 : i32
        %add3A_221 = arith.addi %scan3A_123, %add3A_220 : i32
        %lt3A_222 = arith.constant 250 : i32
        %lt3A_223 = arith.cmpi slt, %add3A_221, %lt3A_222 : i32
        %convert_element_type3A_224 = arith.extui %lt3A_223 : i1 to i32
        %cond3A_225 = arith.constant 0 : i32
        %cond3A_226 = arith.cmpi ne, %convert_element_type3A_224, %cond3A_225 : i32
        scf.if %cond3A_226 {
          %ge3A = arith.constant 1 : i32
          %ge3A_239 = arith.cmpi sge, %scan3A_123, %ge3A : i32
          %convert_element_type3A_240 = arith.extui %ge3A_239 : i1 to i32
          %cond3A_241 = arith.constant 0 : i32
          %cond3A_242 = arith.cmpi ne, %convert_element_type3A_240, %cond3A_241 : i32
          scf.if %cond3A_242 {
            %sub3A = arith.constant 1 : i32
            %sub3A_251 = arith.subi %scan3A_123, %sub3A : i32
            %mul3A_252 = arith.constant 40 : i32
            %mul3A_253 = arith.muli %sub3A_251, %mul3A_252 : i32
            %dma_wait3A_254 = tpu.memref_slice %arg8[%mul3A_253] : memref<10000xi32, #tpu.memory_space<vmem>> -> memref<40xi32, #tpu.memory_space<vmem>>
            %dma_wait3A_255 = arith.constant 0 : i32
            %dma_wait3A_256 = arith.constant 0 : i32
            %dma_wait3A_257 = tpu.memref_slice %arg14[%dma_wait3A_255, %dma_wait3A_256] : memref<10240x128xf32, #tpu.memory_space<vmem_shared>> -> memref<10240x128xf32, #tpu.memory_space<vmem_shared>>
            tpu.wait_indirect_dma semaphore(%arg23 : memref<!tpu.dma_semaphore, #tpu.memory_space<semaphore_mem>>) src(%arg12 : memref<40x128xf32, #tpu.memory_space<vmem>>) dst(%dma_wait3A_257 : memref<10240x128xf32, #tpu.memory_space<vmem_shared>>)
          } else {
          }
          %add3A_243 = arith.constant 4 : i32
          %add3A_244 = arith.addi %scan3A_123, %add3A_243 : i32
          %mul3A_245 = arith.constant 40 : i32
          %mul3A_246 = arith.muli %add3A_244, %mul3A_245 : i32
          %dma_start3A_247 = tpu.memref_slice %arg7[%mul3A_246] : memref<10000xi32, #tpu.memory_space<vmem>> -> memref<40xi32, #tpu.memory_space<vmem>>
          %dma_start3A_248 = arith.constant 0 : i32
          %dma_start3A_249 = arith.constant 0 : i32
          %dma_start3A_250 = tpu.memref_slice %arg2[%dma_start3A_248, %dma_start3A_249] : memref<40000x128xf32, #tpu.memory_space<hbm>> -> memref<40000x128xf32, #tpu.memory_space<hbm>>
          tpu.enqueue_indirect_dma source(%dma_start3A_250 : memref<40000x128xf32, #tpu.memory_space<hbm>>) target(%arg12 : memref<40x128xf32, #tpu.memory_space<vmem>>) offsets(%dma_start3A_247 : memref<40xi32, #tpu.memory_space<vmem>>) semaphore(%arg18 : memref<!tpu.dma_semaphore, #tpu.memory_space<semaphore_mem>>)
        } else {
        }
        %mul3A_227 = arith.constant 40 : i32
        %mul3A_228 = arith.muli %scan3A_123, %mul3A_227 : i32
        %dma_wait3A_229 = tpu.memref_slice %arg7[%mul3A_228] : memref<10000xi32, #tpu.memory_space<vmem>> -> memref<40xi32, #tpu.memory_space<vmem>>
        %dma_wait3A_230 = arith.constant 0 : i32
        %dma_wait3A_231 = arith.constant 0 : i32
        %dma_wait3A_232 = tpu.memref_slice %arg2[%dma_wait3A_230, %dma_wait3A_231] : memref<40000x128xf32, #tpu.memory_space<hbm>> -> memref<40000x128xf32, #tpu.memory_space<hbm>>
        tpu.wait_indirect_dma semaphore(%arg19 : memref<!tpu.dma_semaphore, #tpu.memory_space<semaphore_mem>>) src(%dma_wait3A_232 : memref<40000x128xf32, #tpu.memory_space<hbm>>) dst(%arg13 : memref<40x128xf32, #tpu.memory_space<vmem>>)
        %mul3A_233 = arith.constant 40 : i32
        %mul3A_234 = arith.muli %scan3A_123, %mul3A_233 : i32
        %dma_start3A_235 = tpu.memref_slice %arg8[%mul3A_234] : memref<10000xi32, #tpu.memory_space<vmem>> -> memref<40xi32, #tpu.memory_space<vmem>>
        %dma_start3A_236 = arith.constant 0 : i32
        %dma_start3A_237 = arith.constant 0 : i32
        %dma_start3A_238 = tpu.memref_slice %arg14[%dma_start3A_236, %dma_start3A_237] : memref<10240x128xf32, #tpu.memory_space<vmem_shared>> -> memref<10240x128xf32, #tpu.memory_space<vmem_shared>>
        tpu.enqueue_indirect_dma source(%arg13 : memref<40x128xf32, #tpu.memory_space<vmem>>) target(%dma_start3A_238 : memref<10240x128xf32, #tpu.memory_space<vmem_shared>>) offsets(%dma_start3A_235 : memref<40xi32, #tpu.memory_space<vmem>>) semaphore(%arg24 : memref<!tpu.dma_semaphore, #tpu.memory_space<semaphore_mem>>) {add = true}
      } else {
      }
    }
    %scan3A_27 = arith.constant 250 : i32
    %dma_wait3A = arith.constant 9800 : i32
    %dma_wait3A_28 = tpu.memref_slice %arg8[%dma_wait3A] : memref<10000xi32, #tpu.memory_space<vmem>> -> memref<40xi32, #tpu.memory_space<vmem>>
    %dma_wait3A_29 = arith.constant 0 : i32
    %dma_wait3A_30 = arith.constant 0 : i32
    %dma_wait3A_31 = tpu.memref_slice %arg14[%dma_wait3A_29, %dma_wait3A_30] : memref<10240x128xf32, #tpu.memory_space<vmem_shared>> -> memref<10240x128xf32, #tpu.memory_space<vmem_shared>>
    tpu.wait_indirect_dma semaphore(%arg20 : memref<!tpu.dma_semaphore, #tpu.memory_space<semaphore_mem>>) src(%arg9 : memref<40x128xf32, #tpu.memory_space<vmem>>) dst(%dma_wait3A_31 : memref<10240x128xf32, #tpu.memory_space<vmem_shared>>)
    %dma_wait3A_32 = arith.constant 9840 : i32
    %dma_wait3A_33 = tpu.memref_slice %arg8[%dma_wait3A_32] : memref<10000xi32, #tpu.memory_space<vmem>> -> memref<40xi32, #tpu.memory_space<vmem>>
    %dma_wait3A_34 = arith.constant 0 : i32
    %dma_wait3A_35 = arith.constant 0 : i32
    %dma_wait3A_36 = tpu.memref_slice %arg14[%dma_wait3A_34, %dma_wait3A_35] : memref<10240x128xf32, #tpu.memory_space<vmem_shared>> -> memref<10240x128xf32, #tpu.memory_space<vmem_shared>>
    tpu.wait_indirect_dma semaphore(%arg21 : memref<!tpu.dma_semaphore, #tpu.memory_space<semaphore_mem>>) src(%arg10 : memref<40x128xf32, #tpu.memory_space<vmem>>) dst(%dma_wait3A_36 : memref<10240x128xf32, #tpu.memory_space<vmem_shared>>)
    %dma_wait3A_37 = arith.constant 9880 : i32
    %dma_wait3A_38 = tpu.memref_slice %arg8[%dma_wait3A_37] : memref<10000xi32, #tpu.memory_space<vmem>> -> memref<40xi32, #tpu.memory_space<vmem>>
    %dma_wait3A_39 = arith.constant 0 : i32
    %dma_wait3A_40 = arith.constant 0 : i32
    %dma_wait3A_41 = tpu.memref_slice %arg14[%dma_wait3A_39, %dma_wait3A_40] : memref<10240x128xf32, #tpu.memory_space<vmem_shared>> -> memref<10240x128xf32, #tpu.memory_space<vmem_shared>>
    tpu.wait_indirect_dma semaphore(%arg22 : memref<!tpu.dma_semaphore, #tpu.memory_space<semaphore_mem>>) src(%arg11 : memref<40x128xf32, #tpu.memory_space<vmem>>) dst(%dma_wait3A_41 : memref<10240x128xf32, #tpu.memory_space<vmem_shared>>)
    %dma_wait3A_42 = arith.constant 9920 : i32
    %dma_wait3A_43 = tpu.memref_slice %arg8[%dma_wait3A_42] : memref<10000xi32, #tpu.memory_space<vmem>> -> memref<40xi32, #tpu.memory_space<vmem>>
    %dma_wait3A_44 = arith.constant 0 : i32
    %dma_wait3A_45 = arith.constant 0 : i32
    %dma_wait3A_46 = tpu.memref_slice %arg14[%dma_wait3A_44, %dma_wait3A_45] : memref<10240x128xf32, #tpu.memory_space<vmem_shared>> -> memref<10240x128xf32, #tpu.memory_space<vmem_shared>>
    tpu.wait_indirect_dma semaphore(%arg23 : memref<!tpu.dma_semaphore, #tpu.memory_space<semaphore_mem>>) src(%arg12 : memref<40x128xf32, #tpu.memory_space<vmem>>) dst(%dma_wait3A_46 : memref<10240x128xf32, #tpu.memory_space<vmem_shared>>)
    %dma_wait3A_47 = arith.constant 9960 : i32
    %dma_wait3A_48 = tpu.memref_slice %arg8[%dma_wait3A_47] : memref<10000xi32, #tpu.memory_space<vmem>> -> memref<40xi32, #tpu.memory_space<vmem>>
    %dma_wait3A_49 = arith.constant 0 : i32
    %dma_wait3A_50 = arith.constant 0 : i32
    %dma_wait3A_51 = tpu.memref_slice %arg14[%dma_wait3A_49, %dma_wait3A_50] : memref<10240x128xf32, #tpu.memory_space<vmem_shared>> -> memref<10240x128xf32, #tpu.memory_space<vmem_shared>>
    tpu.wait_indirect_dma semaphore(%arg24 : memref<!tpu.dma_semaphore, #tpu.memory_space<semaphore_mem>>) src(%arg13 : memref<40x128xf32, #tpu.memory_space<vmem>>) dst(%dma_wait3A_51 : memref<10240x128xf32, #tpu.memory_space<vmem_shared>>)
    %barrier3A_52 = arith.constant 0 : index
    tpu.barrier barrier_id(%barrier3A_52)
    %mul3A_53 = arith.constant 640 : i32
    %mul3A_54 = arith.muli %arg1, %mul3A_53 : i32
    %mul3A_55 = arith.constant 640 : i32
    %mul3A_56 = arith.muli %arg1, %mul3A_55 : i32
    %run_scoped3A = arith.constant 0 : i32
    "tpu.region"() ({
      %run_scoped3A_123 = tpu.sem_alloc : memref<!tpu.dma_semaphore, #tpu.memory_space<semaphore_mem>>
      %dma_start3A_124 = arith.constant 0 : i32
      %dma_start3A_125 = tpu.memref_slice %arg6[%arg0, %run_scoped3A, %mul3A_56, %dma_start3A_124] : memref<2x2x10240x128xf32, #tpu.memory_space<hbm>> -> memref<1x1x640x128xf32, #tpu.memory_space<hbm>>
      %dma_start3A_126 = tpu.memref_squeeze %dma_start3A_125 : memref<1x1x640x128xf32, #tpu.memory_space<hbm>> -> memref<640x128xf32, #tpu.memory_space<hbm>>
      %dma_start3A_127 = arith.constant 0 : i32
      %dma_start3A_128 = tpu.memref_slice %arg14[%mul3A_54, %dma_start3A_127] : memref<10240x128xf32, #tpu.memory_space<vmem_shared>> -> memref<640x128xf32, #tpu.memory_space<vmem_shared>>
      tpu.enqueue_dma source(%dma_start3A_128 : memref<640x128xf32, #tpu.memory_space<vmem_shared>>) target(%dma_start3A_126 : memref<640x128xf32, #tpu.memory_space<hbm>>) target_semaphore(%run_scoped3A_123 : memref<!tpu.dma_semaphore, #tpu.memory_space<semaphore_mem>>)
      %dma_wait3A_129 = arith.constant 0 : i32
      %dma_wait3A_130 = tpu.memref_slice %arg6[%arg0, %run_scoped3A, %mul3A_56, %dma_wait3A_129] : memref<2x2x10240x128xf32, #tpu.memory_space<hbm>> -> memref<1x1x640x128xf32, #tpu.memory_space<hbm>>
      %dma_wait3A_131 = tpu.memref_squeeze %dma_wait3A_130 : memref<1x1x640x128xf32, #tpu.memory_space<hbm>> -> memref<640x128xf32, #tpu.memory_space<hbm>>
      %dma_wait3A_132 = arith.constant 0 : i32
      %dma_wait3A_133 = tpu.memref_slice %arg14[%mul3A_54, %dma_wait3A_132] : memref<10240x128xf32, #tpu.memory_space<vmem_shared>> -> memref<640x128xf32, #tpu.memory_space<vmem_shared>>
      tpu.wait_dma2 semaphore(%run_scoped3A_123 : memref<!tpu.dma_semaphore, #tpu.memory_space<semaphore_mem>>) src(%dma_wait3A_133 : memref<640x128xf32, #tpu.memory_space<vmem_shared>>) dst(%dma_wait3A_131 : memref<640x128xf32, #tpu.memory_space<hbm>>)
      tpu.yield
    }) : () -> ()
    %barrier3A_57 = arith.constant 0 : index
    tpu.barrier barrier_id(%barrier3A_57)
    %mul3A_58 = arith.constant 2 : i32
    %mul3A_59 = arith.muli %arg0, %mul3A_58 : i32
    %add3A_60 = arith.constant 1 : i32
    %add3A_61 = arith.addi %mul3A_59, %add3A_60 : i32
    "tpu.region"() ({
      %run_scoped3A_123 = tpu.sem_alloc : memref<!tpu.dma_semaphore, #tpu.memory_space<semaphore_mem>>
      %dma_start3A_124 = arith.constant 0 : i32
      %dma_start3A_125 = tpu.memref_slice %arg3[%add3A_61, %arg1, %dma_start3A_124] : memref<4x16x10000xi32, #tpu.memory_space<hbm>> -> memref<1x1x10000xi32, #tpu.memory_space<hbm>>
      %dma_start3A_126 = tpu.memref_squeeze %dma_start3A_125 : memref<1x1x10000xi32, #tpu.memory_space<hbm>> -> memref<10000xi32, #tpu.memory_space<hbm>>
      %dma_start3A_127 = arith.constant 0 : i32
      %dma_start3A_128 = tpu.memref_slice %arg3[%add3A_61, %arg1, %dma_start3A_127] : memref<4x16x10000xi32, #tpu.memory_space<hbm>> -> memref<1x1x10000xi32, #tpu.memory_space<hbm>>
      %dma_start3A_129 = tpu.memref_squeeze %dma_start3A_128 : memref<1x1x10000xi32, #tpu.memory_space<hbm>> -> memref<10000xi32, #tpu.memory_space<hbm>>
      tpu.enqueue_dma source(%dma_start3A_129 : memref<10000xi32, #tpu.memory_space<hbm>>) target(%arg7 : memref<10000xi32, #tpu.memory_space<vmem>>) target_semaphore(%run_scoped3A_123 : memref<!tpu.dma_semaphore, #tpu.memory_space<semaphore_mem>>)
      %dma_wait3A_130 = arith.constant 0 : i32
      %dma_wait3A_131 = tpu.memref_slice %arg3[%add3A_61, %arg1, %dma_wait3A_130] : memref<4x16x10000xi32, #tpu.memory_space<hbm>> -> memref<1x1x10000xi32, #tpu.memory_space<hbm>>
      %dma_wait3A_132 = tpu.memref_squeeze %dma_wait3A_131 : memref<1x1x10000xi32, #tpu.memory_space<hbm>> -> memref<10000xi32, #tpu.memory_space<hbm>>
      %dma_wait3A_133 = arith.constant 0 : i32
      %dma_wait3A_134 = tpu.memref_slice %arg3[%add3A_61, %arg1, %dma_wait3A_133] : memref<4x16x10000xi32, #tpu.memory_space<hbm>> -> memref<1x1x10000xi32, #tpu.memory_space<hbm>>
      %dma_wait3A_135 = tpu.memref_squeeze %dma_wait3A_134 : memref<1x1x10000xi32, #tpu.memory_space<hbm>> -> memref<10000xi32, #tpu.memory_space<hbm>>
      tpu.wait_dma2 semaphore(%run_scoped3A_123 : memref<!tpu.dma_semaphore, #tpu.memory_space<semaphore_mem>>) src(%dma_wait3A_135 : memref<10000xi32, #tpu.memory_space<hbm>>) dst(%arg7 : memref<10000xi32, #tpu.memory_space<vmem>>)
      tpu.yield
    }) : () -> ()
    %mul3A_62 = arith.constant 640 : i32
    %mul3A_63 = arith.muli %arg1, %mul3A_62 : i32
    "tpu.region"() ({
      %run_scoped3A_123 = tpu.sem_alloc : memref<!tpu.dma_semaphore, #tpu.memory_space<semaphore_mem>>
      %dma_start3A_124 = arith.constant 0 : i32
      %dma_start3A_125 = tpu.memref_slice %arg14[%mul3A_63, %dma_start3A_124] : memref<10240x128xf32, #tpu.memory_space<vmem_shared>> -> memref<640x128xf32, #tpu.memory_space<vmem_shared>>
      tpu.enqueue_dma source(%arg5 : memref<640x128xf32, #tpu.memory_space<hbm>>) target(%dma_start3A_125 : memref<640x128xf32, #tpu.memory_space<vmem_shared>>) target_semaphore(%run_scoped3A_123 : memref<!tpu.dma_semaphore, #tpu.memory_space<semaphore_mem>>)
      %dma_wait3A_126 = arith.constant 0 : i32
      %dma_wait3A_127 = tpu.memref_slice %arg14[%mul3A_63, %dma_wait3A_126] : memref<10240x128xf32, #tpu.memory_space<vmem_shared>> -> memref<640x128xf32, #tpu.memory_space<vmem_shared>>
      tpu.wait_dma2 semaphore(%run_scoped3A_123 : memref<!tpu.dma_semaphore, #tpu.memory_space<semaphore_mem>>) src(%arg5 : memref<640x128xf32, #tpu.memory_space<hbm>>) dst(%dma_wait3A_127 : memref<640x128xf32, #tpu.memory_space<vmem_shared>>)
      tpu.yield
    }) : () -> ()
    %barrier3A_64 = arith.constant 0 : index
    tpu.barrier barrier_id(%barrier3A_64)
    %dma_start3A_65 = arith.constant 0 : i32
    %dma_start3A_66 = tpu.memref_slice %arg7[%dma_start3A_65] : memref<10000xi32, #tpu.memory_space<vmem>> -> memref<40xi32, #tpu.memory_space<vmem>>
    %dma_start3A_67 = arith.constant 0 : i32
    %dma_start3A_68 = arith.constant 0 : i32
    %dma_start3A_69 = tpu.memref_slice %arg2[%dma_start3A_67, %dma_start3A_68] : memref<40000x128xf32, #tpu.memory_space<hbm>> -> memref<40000x128xf32, #tpu.memory_space<hbm>>
    tpu.enqueue_indirect_dma source(%dma_start3A_69 : memref<40000x128xf32, #tpu.memory_space<hbm>>) target(%arg9 : memref<40x128xf32, #tpu.memory_space<vmem>>) offsets(%dma_start3A_66 : memref<40xi32, #tpu.memory_space<vmem>>) semaphore(%arg15 : memref<!tpu.dma_semaphore, #tpu.memory_space<semaphore_mem>>)
    %dma_start3A_70 = arith.constant 40 : i32
    %dma_start3A_71 = tpu.memref_slice %arg7[%dma_start3A_70] : memref<10000xi32, #tpu.memory_space<vmem>> -> memref<40xi32, #tpu.memory_space<vmem>>
    %dma_start3A_72 = arith.constant 0 : i32
    %dma_start3A_73 = arith.constant 0 : i32
    %dma_start3A_74 = tpu.memref_slice %arg2[%dma_start3A_72, %dma_start3A_73] : memref<40000x128xf32, #tpu.memory_space<hbm>> -> memref<40000x128xf32, #tpu.memory_space<hbm>>
    tpu.enqueue_indirect_dma source(%dma_start3A_74 : memref<40000x128xf32, #tpu.memory_space<hbm>>) target(%arg10 : memref<40x128xf32, #tpu.memory_space<vmem>>) offsets(%dma_start3A_71 : memref<40xi32, #tpu.memory_space<vmem>>) semaphore(%arg16 : memref<!tpu.dma_semaphore, #tpu.memory_space<semaphore_mem>>)
    %dma_start3A_75 = arith.constant 80 : i32
    %dma_start3A_76 = tpu.memref_slice %arg7[%dma_start3A_75] : memref<10000xi32, #tpu.memory_space<vmem>> -> memref<40xi32, #tpu.memory_space<vmem>>
    %dma_start3A_77 = arith.constant 0 : i32
    %dma_start3A_78 = arith.constant 0 : i32
    %dma_start3A_79 = tpu.memref_slice %arg2[%dma_start3A_77, %dma_start3A_78] : memref<40000x128xf32, #tpu.memory_space<hbm>> -> memref<40000x128xf32, #tpu.memory_space<hbm>>
    tpu.enqueue_indirect_dma source(%dma_start3A_79 : memref<40000x128xf32, #tpu.memory_space<hbm>>) target(%arg11 : memref<40x128xf32, #tpu.memory_space<vmem>>) offsets(%dma_start3A_76 : memref<40xi32, #tpu.memory_space<vmem>>) semaphore(%arg17 : memref<!tpu.dma_semaphore, #tpu.memory_space<semaphore_mem>>)
    %dma_start3A_80 = arith.constant 120 : i32
    %dma_start3A_81 = tpu.memref_slice %arg7[%dma_start3A_80] : memref<10000xi32, #tpu.memory_space<vmem>> -> memref<40xi32, #tpu.memory_space<vmem>>
    %dma_start3A_82 = arith.constant 0 : i32
    %dma_start3A_83 = arith.constant 0 : i32
    %dma_start3A_84 = tpu.memref_slice %arg2[%dma_start3A_82, %dma_start3A_83] : memref<40000x128xf32, #tpu.memory_space<hbm>> -> memref<40000x128xf32, #tpu.memory_space<hbm>>
    tpu.enqueue_indirect_dma source(%dma_start3A_84 : memref<40000x128xf32, #tpu.memory_space<hbm>>) target(%arg12 : memref<40x128xf32, #tpu.memory_space<vmem>>) offsets(%dma_start3A_81 : memref<40xi32, #tpu.memory_space<vmem>>) semaphore(%arg18 : memref<!tpu.dma_semaphore, #tpu.memory_space<semaphore_mem>>)
    %scan3A_85 = arith.constant 0 : i32
    %scan3A_86 = arith.constant 0 : i32
    %scan3A_87 = arith.constant 250 : i32
    %scan3A_88 = arith.addi %scan3A_86, %scan3A_87 : i32
    %scan3A_89 = arith.constant 1 : i32
    scf.for %scan3A_123 = %scan3A_86 to %scan3A_88 step %scan3A_89  : i32 {
      %jit3A = arith.constant 5 : i32
      %eq3A = arith.constant 0 : i32
      %eq3A_124 = arith.cmpi eq, %jit3A, %eq3A : i32
      %jit3A_125 = arith.constant 1 : i32
      %select_n3A = arith.select %eq3A_124, %jit3A_125, %jit3A : i32
      %rem3A = arith.remsi %scan3A_123, %select_n3A : i32
      %ne3A = arith.constant 0 : i32
      %ne3A_126 = arith.cmpi ne, %rem3A, %ne3A : i32
      %lt3A = arith.constant 0 : i32
      %lt3A_127 = arith.cmpi slt, %rem3A, %lt3A : i32
      %lt3A_128 = arith.constant 0 : i32
      %lt3A_129 = arith.cmpi slt, %select_n3A, %lt3A_128 : i32
      %ne3A_130 = arith.xori %lt3A_127, %lt3A_129 : i1
      %and3A = arith.andi %ne3A_130, %ne3A_126 : i1
      %add3A_131 = arith.addi %rem3A, %select_n3A : i32
      %select_n3A_132 = arith.select %and3A, %add3A_131, %rem3A : i32
      %eq3A_133 = arith.constant 0 : i32
      %eq3A_134 = arith.cmpi eq, %select_n3A_132, %eq3A_133 : i32
      %convert_element_type3A = arith.extui %eq3A_134 : i1 to i32
      %cond3A = arith.constant 0 : i32
      %cond3A_135 = arith.cmpi ne, %convert_element_type3A, %cond3A : i32
      scf.if %cond3A_135 {
        %add3A_220 = arith.constant 4 : i32
        %add3A_221 = arith.addi %scan3A_123, %add3A_220 : i32
        %lt3A_222 = arith.constant 250 : i32
        %lt3A_223 = arith.cmpi slt, %add3A_221, %lt3A_222 : i32
        %convert_element_type3A_224 = arith.extui %lt3A_223 : i1 to i32
        %cond3A_225 = arith.constant 0 : i32
        %cond3A_226 = arith.cmpi ne, %convert_element_type3A_224, %cond3A_225 : i32
        scf.if %cond3A_226 {
          %ge3A = arith.constant 1 : i32
          %ge3A_239 = arith.cmpi sge, %scan3A_123, %ge3A : i32
          %convert_element_type3A_240 = arith.extui %ge3A_239 : i1 to i32
          %cond3A_241 = arith.constant 0 : i32
          %cond3A_242 = arith.cmpi ne, %convert_element_type3A_240, %cond3A_241 : i32
          scf.if %cond3A_242 {
            %sub3A = arith.constant 1 : i32
            %sub3A_251 = arith.subi %scan3A_123, %sub3A : i32
            %mul3A_252 = arith.constant 40 : i32
            %mul3A_253 = arith.muli %sub3A_251, %mul3A_252 : i32
            %dma_wait3A_254 = tpu.memref_slice %arg8[%mul3A_253] : memref<10000xi32, #tpu.memory_space<vmem>> -> memref<40xi32, #tpu.memory_space<vmem>>
            %dma_wait3A_255 = arith.constant 0 : i32
            %dma_wait3A_256 = arith.constant 0 : i32
            %dma_wait3A_257 = tpu.memref_slice %arg14[%dma_wait3A_255, %dma_wait3A_256] : memref<10240x128xf32, #tpu.memory_space<vmem_shared>> -> memref<10240x128xf32, #tpu.memory_space<vmem_shared>>
            tpu.wait_indirect_dma semaphore(%arg24 : memref<!tpu.dma_semaphore, #tpu.memory_space<semaphore_mem>>) src(%arg13 : memref<40x128xf32, #tpu.memory_space<vmem>>) dst(%dma_wait3A_257 : memref<10240x128xf32, #tpu.memory_space<vmem_shared>>)
          } else {
          }
          %add3A_243 = arith.constant 4 : i32
          %add3A_244 = arith.addi %scan3A_123, %add3A_243 : i32
          %mul3A_245 = arith.constant 40 : i32
          %mul3A_246 = arith.muli %add3A_244, %mul3A_245 : i32
          %dma_start3A_247 = tpu.memref_slice %arg7[%mul3A_246] : memref<10000xi32, #tpu.memory_space<vmem>> -> memref<40xi32, #tpu.memory_space<vmem>>
          %dma_start3A_248 = arith.constant 0 : i32
          %dma_start3A_249 = arith.constant 0 : i32
          %dma_start3A_250 = tpu.memref_slice %arg2[%dma_start3A_248, %dma_start3A_249] : memref<40000x128xf32, #tpu.memory_space<hbm>> -> memref<40000x128xf32, #tpu.memory_space<hbm>>
          tpu.enqueue_indirect_dma source(%dma_start3A_250 : memref<40000x128xf32, #tpu.memory_space<hbm>>) target(%arg13 : memref<40x128xf32, #tpu.memory_space<vmem>>) offsets(%dma_start3A_247 : memref<40xi32, #tpu.memory_space<vmem>>) semaphore(%arg19 : memref<!tpu.dma_semaphore, #tpu.memory_space<semaphore_mem>>)
        } else {
        }
        %mul3A_227 = arith.constant 40 : i32
        %mul3A_228 = arith.muli %scan3A_123, %mul3A_227 : i32
        %dma_wait3A_229 = tpu.memref_slice %arg7[%mul3A_228] : memref<10000xi32, #tpu.memory_space<vmem>> -> memref<40xi32, #tpu.memory_space<vmem>>
        %dma_wait3A_230 = arith.constant 0 : i32
        %dma_wait3A_231 = arith.constant 0 : i32
        %dma_wait3A_232 = tpu.memref_slice %arg2[%dma_wait3A_230, %dma_wait3A_231] : memref<40000x128xf32, #tpu.memory_space<hbm>> -> memref<40000x128xf32, #tpu.memory_space<hbm>>
        tpu.wait_indirect_dma semaphore(%arg15 : memref<!tpu.dma_semaphore, #tpu.memory_space<semaphore_mem>>) src(%dma_wait3A_232 : memref<40000x128xf32, #tpu.memory_space<hbm>>) dst(%arg9 : memref<40x128xf32, #tpu.memory_space<vmem>>)
        %mul3A_233 = arith.constant 40 : i32
        %mul3A_234 = arith.muli %scan3A_123, %mul3A_233 : i32
        %dma_start3A_235 = tpu.memref_slice %arg8[%mul3A_234] : memref<10000xi32, #tpu.memory_space<vmem>> -> memref<40xi32, #tpu.memory_space<vmem>>
        %dma_start3A_236 = arith.constant 0 : i32
        %dma_start3A_237 = arith.constant 0 : i32
        %dma_start3A_238 = tpu.memref_slice %arg14[%dma_start3A_236, %dma_start3A_237] : memref<10240x128xf32, #tpu.memory_space<vmem_shared>> -> memref<10240x128xf32, #tpu.memory_space<vmem_shared>>
        tpu.enqueue_indirect_dma source(%arg9 : memref<40x128xf32, #tpu.memory_space<vmem>>) target(%dma_start3A_238 : memref<10240x128xf32, #tpu.memory_space<vmem_shared>>) offsets(%dma_start3A_235 : memref<40xi32, #tpu.memory_space<vmem>>) semaphore(%arg20 : memref<!tpu.dma_semaphore, #tpu.memory_space<semaphore_mem>>) {add = true}
      } else {
      }
      %jit3A_136 = arith.constant 5 : i32
      %eq3A_137 = arith.constant 0 : i32
      %eq3A_138 = arith.cmpi eq, %jit3A_136, %eq3A_137 : i32
      %jit3A_139 = arith.constant 1 : i32
      %select_n3A_140 = arith.select %eq3A_138, %jit3A_139, %jit3A_136 : i32
      %rem3A_141 = arith.remsi %scan3A_123, %select_n3A_140 : i32
      %ne3A_142 = arith.constant 0 : i32
      %ne3A_143 = arith.cmpi ne, %rem3A_141, %ne3A_142 : i32
      %lt3A_144 = arith.constant 0 : i32
      %lt3A_145 = arith.cmpi slt, %rem3A_141, %lt3A_144 : i32
      %lt3A_146 = arith.constant 0 : i32
      %lt3A_147 = arith.cmpi slt, %select_n3A_140, %lt3A_146 : i32
      %ne3A_148 = arith.xori %lt3A_145, %lt3A_147 : i1
      %and3A_149 = arith.andi %ne3A_148, %ne3A_143 : i1
      %add3A_150 = arith.addi %rem3A_141, %select_n3A_140 : i32
      %select_n3A_151 = arith.select %and3A_149, %add3A_150, %rem3A_141 : i32
      %eq3A_152 = arith.constant 1 : i32
      %eq3A_153 = arith.cmpi eq, %select_n3A_151, %eq3A_152 : i32
      %convert_element_type3A_154 = arith.extui %eq3A_153 : i1 to i32
      %cond3A_155 = arith.constant 0 : i32
      %cond3A_156 = arith.cmpi ne, %convert_element_type3A_154, %cond3A_155 : i32
      scf.if %cond3A_156 {
        %add3A_220 = arith.constant 4 : i32
        %add3A_221 = arith.addi %scan3A_123, %add3A_220 : i32
        %lt3A_222 = arith.constant 250 : i32
        %lt3A_223 = arith.cmpi slt, %add3A_221, %lt3A_222 : i32
        %convert_element_type3A_224 = arith.extui %lt3A_223 : i1 to i32
        %cond3A_225 = arith.constant 0 : i32
        %cond3A_226 = arith.cmpi ne, %convert_element_type3A_224, %cond3A_225 : i32
        scf.if %cond3A_226 {
          %ge3A = arith.constant 1 : i32
          %ge3A_239 = arith.cmpi sge, %scan3A_123, %ge3A : i32
          %convert_element_type3A_240 = arith.extui %ge3A_239 : i1 to i32
          %cond3A_241 = arith.constant 0 : i32
          %cond3A_242 = arith.cmpi ne, %convert_element_type3A_240, %cond3A_241 : i32
          scf.if %cond3A_242 {
            %sub3A = arith.constant 1 : i32
            %sub3A_251 = arith.subi %scan3A_123, %sub3A : i32
            %mul3A_252 = arith.constant 40 : i32
            %mul3A_253 = arith.muli %sub3A_251, %mul3A_252 : i32
            %dma_wait3A_254 = tpu.memref_slice %arg8[%mul3A_253] : memref<10000xi32, #tpu.memory_space<vmem>> -> memref<40xi32, #tpu.memory_space<vmem>>
            %dma_wait3A_255 = arith.constant 0 : i32
            %dma_wait3A_256 = arith.constant 0 : i32
            %dma_wait3A_257 = tpu.memref_slice %arg14[%dma_wait3A_255, %dma_wait3A_256] : memref<10240x128xf32, #tpu.memory_space<vmem_shared>> -> memref<10240x128xf32, #tpu.memory_space<vmem_shared>>
            tpu.wait_indirect_dma semaphore(%arg20 : memref<!tpu.dma_semaphore, #tpu.memory_space<semaphore_mem>>) src(%arg9 : memref<40x128xf32, #tpu.memory_space<vmem>>) dst(%dma_wait3A_257 : memref<10240x128xf32, #tpu.memory_space<vmem_shared>>)
          } else {
          }
          %add3A_243 = arith.constant 4 : i32
          %add3A_244 = arith.addi %scan3A_123, %add3A_243 : i32
          %mul3A_245 = arith.constant 40 : i32
          %mul3A_246 = arith.muli %add3A_244, %mul3A_245 : i32
          %dma_start3A_247 = tpu.memref_slice %arg7[%mul3A_246] : memref<10000xi32, #tpu.memory_space<vmem>> -> memref<40xi32, #tpu.memory_space<vmem>>
          %dma_start3A_248 = arith.constant 0 : i32
          %dma_start3A_249 = arith.constant 0 : i32
          %dma_start3A_250 = tpu.memref_slice %arg2[%dma_start3A_248, %dma_start3A_249] : memref<40000x128xf32, #tpu.memory_space<hbm>> -> memref<40000x128xf32, #tpu.memory_space<hbm>>
          tpu.enqueue_indirect_dma source(%dma_start3A_250 : memref<40000x128xf32, #tpu.memory_space<hbm>>) target(%arg9 : memref<40x128xf32, #tpu.memory_space<vmem>>) offsets(%dma_start3A_247 : memref<40xi32, #tpu.memory_space<vmem>>) semaphore(%arg15 : memref<!tpu.dma_semaphore, #tpu.memory_space<semaphore_mem>>)
        } else {
        }
        %mul3A_227 = arith.constant 40 : i32
        %mul3A_228 = arith.muli %scan3A_123, %mul3A_227 : i32
        %dma_wait3A_229 = tpu.memref_slice %arg7[%mul3A_228] : memref<10000xi32, #tpu.memory_space<vmem>> -> memref<40xi32, #tpu.memory_space<vmem>>
        %dma_wait3A_230 = arith.constant 0 : i32
        %dma_wait3A_231 = arith.constant 0 : i32
        %dma_wait3A_232 = tpu.memref_slice %arg2[%dma_wait3A_230, %dma_wait3A_231] : memref<40000x128xf32, #tpu.memory_space<hbm>> -> memref<40000x128xf32, #tpu.memory_space<hbm>>
        tpu.wait_indirect_dma semaphore(%arg16 : memref<!tpu.dma_semaphore, #tpu.memory_space<semaphore_mem>>) src(%dma_wait3A_232 : memref<40000x128xf32, #tpu.memory_space<hbm>>) dst(%arg10 : memref<40x128xf32, #tpu.memory_space<vmem>>)
        %mul3A_233 = arith.constant 40 : i32
        %mul3A_234 = arith.muli %scan3A_123, %mul3A_233 : i32
        %dma_start3A_235 = tpu.memref_slice %arg8[%mul3A_234] : memref<10000xi32, #tpu.memory_space<vmem>> -> memref<40xi32, #tpu.memory_space<vmem>>
        %dma_start3A_236 = arith.constant 0 : i32
        %dma_start3A_237 = arith.constant 0 : i32
        %dma_start3A_238 = tpu.memref_slice %arg14[%dma_start3A_236, %dma_start3A_237] : memref<10240x128xf32, #tpu.memory_space<vmem_shared>> -> memref<10240x128xf32, #tpu.memory_space<vmem_shared>>
        tpu.enqueue_indirect_dma source(%arg10 : memref<40x128xf32, #tpu.memory_space<vmem>>) target(%dma_start3A_238 : memref<10240x128xf32, #tpu.memory_space<vmem_shared>>) offsets(%dma_start3A_235 : memref<40xi32, #tpu.memory_space<vmem>>) semaphore(%arg21 : memref<!tpu.dma_semaphore, #tpu.memory_space<semaphore_mem>>) {add = true}
      } else {
      }
      %jit3A_157 = arith.constant 5 : i32
      %eq3A_158 = arith.constant 0 : i32
      %eq3A_159 = arith.cmpi eq, %jit3A_157, %eq3A_158 : i32
      %jit3A_160 = arith.constant 1 : i32
      %select_n3A_161 = arith.select %eq3A_159, %jit3A_160, %jit3A_157 : i32
      %rem3A_162 = arith.remsi %scan3A_123, %select_n3A_161 : i32
      %ne3A_163 = arith.constant 0 : i32
      %ne3A_164 = arith.cmpi ne, %rem3A_162, %ne3A_163 : i32
      %lt3A_165 = arith.constant 0 : i32
      %lt3A_166 = arith.cmpi slt, %rem3A_162, %lt3A_165 : i32
      %lt3A_167 = arith.constant 0 : i32
      %lt3A_168 = arith.cmpi slt, %select_n3A_161, %lt3A_167 : i32
      %ne3A_169 = arith.xori %lt3A_166, %lt3A_168 : i1
      %and3A_170 = arith.andi %ne3A_169, %ne3A_164 : i1
      %add3A_171 = arith.addi %rem3A_162, %select_n3A_161 : i32
      %select_n3A_172 = arith.select %and3A_170, %add3A_171, %rem3A_162 : i32
      %eq3A_173 = arith.constant 2 : i32
      %eq3A_174 = arith.cmpi eq, %select_n3A_172, %eq3A_173 : i32
      %convert_element_type3A_175 = arith.extui %eq3A_174 : i1 to i32
      %cond3A_176 = arith.constant 0 : i32
      %cond3A_177 = arith.cmpi ne, %convert_element_type3A_175, %cond3A_176 : i32
      scf.if %cond3A_177 {
        %add3A_220 = arith.constant 4 : i32
        %add3A_221 = arith.addi %scan3A_123, %add3A_220 : i32
        %lt3A_222 = arith.constant 250 : i32
        %lt3A_223 = arith.cmpi slt, %add3A_221, %lt3A_222 : i32
        %convert_element_type3A_224 = arith.extui %lt3A_223 : i1 to i32
        %cond3A_225 = arith.constant 0 : i32
        %cond3A_226 = arith.cmpi ne, %convert_element_type3A_224, %cond3A_225 : i32
        scf.if %cond3A_226 {
          %ge3A = arith.constant 1 : i32
          %ge3A_239 = arith.cmpi sge, %scan3A_123, %ge3A : i32
          %convert_element_type3A_240 = arith.extui %ge3A_239 : i1 to i32
          %cond3A_241 = arith.constant 0 : i32
          %cond3A_242 = arith.cmpi ne, %convert_element_type3A_240, %cond3A_241 : i32
          scf.if %cond3A_242 {
            %sub3A = arith.constant 1 : i32
            %sub3A_251 = arith.subi %scan3A_123, %sub3A : i32
            %mul3A_252 = arith.constant 40 : i32
            %mul3A_253 = arith.muli %sub3A_251, %mul3A_252 : i32
            %dma_wait3A_254 = tpu.memref_slice %arg8[%mul3A_253] : memref<10000xi32, #tpu.memory_space<vmem>> -> memref<40xi32, #tpu.memory_space<vmem>>
            %dma_wait3A_255 = arith.constant 0 : i32
            %dma_wait3A_256 = arith.constant 0 : i32
            %dma_wait3A_257 = tpu.memref_slice %arg14[%dma_wait3A_255, %dma_wait3A_256] : memref<10240x128xf32, #tpu.memory_space<vmem_shared>> -> memref<10240x128xf32, #tpu.memory_space<vmem_shared>>
            tpu.wait_indirect_dma semaphore(%arg21 : memref<!tpu.dma_semaphore, #tpu.memory_space<semaphore_mem>>) src(%arg10 : memref<40x128xf32, #tpu.memory_space<vmem>>) dst(%dma_wait3A_257 : memref<10240x128xf32, #tpu.memory_space<vmem_shared>>)
          } else {
          }
          %add3A_243 = arith.constant 4 : i32
          %add3A_244 = arith.addi %scan3A_123, %add3A_243 : i32
          %mul3A_245 = arith.constant 40 : i32
          %mul3A_246 = arith.muli %add3A_244, %mul3A_245 : i32
          %dma_start3A_247 = tpu.memref_slice %arg7[%mul3A_246] : memref<10000xi32, #tpu.memory_space<vmem>> -> memref<40xi32, #tpu.memory_space<vmem>>
          %dma_start3A_248 = arith.constant 0 : i32
          %dma_start3A_249 = arith.constant 0 : i32
          %dma_start3A_250 = tpu.memref_slice %arg2[%dma_start3A_248, %dma_start3A_249] : memref<40000x128xf32, #tpu.memory_space<hbm>> -> memref<40000x128xf32, #tpu.memory_space<hbm>>
          tpu.enqueue_indirect_dma source(%dma_start3A_250 : memref<40000x128xf32, #tpu.memory_space<hbm>>) target(%arg10 : memref<40x128xf32, #tpu.memory_space<vmem>>) offsets(%dma_start3A_247 : memref<40xi32, #tpu.memory_space<vmem>>) semaphore(%arg16 : memref<!tpu.dma_semaphore, #tpu.memory_space<semaphore_mem>>)
        } else {
        }
        %mul3A_227 = arith.constant 40 : i32
        %mul3A_228 = arith.muli %scan3A_123, %mul3A_227 : i32
        %dma_wait3A_229 = tpu.memref_slice %arg7[%mul3A_228] : memref<10000xi32, #tpu.memory_space<vmem>> -> memref<40xi32, #tpu.memory_space<vmem>>
        %dma_wait3A_230 = arith.constant 0 : i32
        %dma_wait3A_231 = arith.constant 0 : i32
        %dma_wait3A_232 = tpu.memref_slice %arg2[%dma_wait3A_230, %dma_wait3A_231] : memref<40000x128xf32, #tpu.memory_space<hbm>> -> memref<40000x128xf32, #tpu.memory_space<hbm>>
        tpu.wait_indirect_dma semaphore(%arg17 : memref<!tpu.dma_semaphore, #tpu.memory_space<semaphore_mem>>) src(%dma_wait3A_232 : memref<40000x128xf32, #tpu.memory_space<hbm>>) dst(%arg11 : memref<40x128xf32, #tpu.memory_space<vmem>>)
        %mul3A_233 = arith.constant 40 : i32
        %mul3A_234 = arith.muli %scan3A_123, %mul3A_233 : i32
        %dma_start3A_235 = tpu.memref_slice %arg8[%mul3A_234] : memref<10000xi32, #tpu.memory_space<vmem>> -> memref<40xi32, #tpu.memory_space<vmem>>
        %dma_start3A_236 = arith.constant 0 : i32
        %dma_start3A_237 = arith.constant 0 : i32
        %dma_start3A_238 = tpu.memref_slice %arg14[%dma_start3A_236, %dma_start3A_237] : memref<10240x128xf32, #tpu.memory_space<vmem_shared>> -> memref<10240x128xf32, #tpu.memory_space<vmem_shared>>
        tpu.enqueue_indirect_dma source(%arg11 : memref<40x128xf32, #tpu.memory_space<vmem>>) target(%dma_start3A_238 : memref<10240x128xf32, #tpu.memory_space<vmem_shared>>) offsets(%dma_start3A_235 : memref<40xi32, #tpu.memory_space<vmem>>) semaphore(%arg22 : memref<!tpu.dma_semaphore, #tpu.memory_space<semaphore_mem>>) {add = true}
      } else {
      }
      %jit3A_178 = arith.constant 5 : i32
      %eq3A_179 = arith.constant 0 : i32
      %eq3A_180 = arith.cmpi eq, %jit3A_178, %eq3A_179 : i32
      %jit3A_181 = arith.constant 1 : i32
      %select_n3A_182 = arith.select %eq3A_180, %jit3A_181, %jit3A_178 : i32
      %rem3A_183 = arith.remsi %scan3A_123, %select_n3A_182 : i32
      %ne3A_184 = arith.constant 0 : i32
      %ne3A_185 = arith.cmpi ne, %rem3A_183, %ne3A_184 : i32
      %lt3A_186 = arith.constant 0 : i32
      %lt3A_187 = arith.cmpi slt, %rem3A_183, %lt3A_186 : i32
      %lt3A_188 = arith.constant 0 : i32
      %lt3A_189 = arith.cmpi slt, %select_n3A_182, %lt3A_188 : i32
      %ne3A_190 = arith.xori %lt3A_187, %lt3A_189 : i1
      %and3A_191 = arith.andi %ne3A_190, %ne3A_185 : i1
      %add3A_192 = arith.addi %rem3A_183, %select_n3A_182 : i32
      %select_n3A_193 = arith.select %and3A_191, %add3A_192, %rem3A_183 : i32
      %eq3A_194 = arith.constant 3 : i32
      %eq3A_195 = arith.cmpi eq, %select_n3A_193, %eq3A_194 : i32
      %convert_element_type3A_196 = arith.extui %eq3A_195 : i1 to i32
      %cond3A_197 = arith.constant 0 : i32
      %cond3A_198 = arith.cmpi ne, %convert_element_type3A_196, %cond3A_197 : i32
      scf.if %cond3A_198 {
        %add3A_220 = arith.constant 4 : i32
        %add3A_221 = arith.addi %scan3A_123, %add3A_220 : i32
        %lt3A_222 = arith.constant 250 : i32
        %lt3A_223 = arith.cmpi slt, %add3A_221, %lt3A_222 : i32
        %convert_element_type3A_224 = arith.extui %lt3A_223 : i1 to i32
        %cond3A_225 = arith.constant 0 : i32
        %cond3A_226 = arith.cmpi ne, %convert_element_type3A_224, %cond3A_225 : i32
        scf.if %cond3A_226 {
          %ge3A = arith.constant 1 : i32
          %ge3A_239 = arith.cmpi sge, %scan3A_123, %ge3A : i32
          %convert_element_type3A_240 = arith.extui %ge3A_239 : i1 to i32
          %cond3A_241 = arith.constant 0 : i32
          %cond3A_242 = arith.cmpi ne, %convert_element_type3A_240, %cond3A_241 : i32
          scf.if %cond3A_242 {
            %sub3A = arith.constant 1 : i32
            %sub3A_251 = arith.subi %scan3A_123, %sub3A : i32
            %mul3A_252 = arith.constant 40 : i32
            %mul3A_253 = arith.muli %sub3A_251, %mul3A_252 : i32
            %dma_wait3A_254 = tpu.memref_slice %arg8[%mul3A_253] : memref<10000xi32, #tpu.memory_space<vmem>> -> memref<40xi32, #tpu.memory_space<vmem>>
            %dma_wait3A_255 = arith.constant 0 : i32
            %dma_wait3A_256 = arith.constant 0 : i32
            %dma_wait3A_257 = tpu.memref_slice %arg14[%dma_wait3A_255, %dma_wait3A_256] : memref<10240x128xf32, #tpu.memory_space<vmem_shared>> -> memref<10240x128xf32, #tpu.memory_space<vmem_shared>>
            tpu.wait_indirect_dma semaphore(%arg22 : memref<!tpu.dma_semaphore, #tpu.memory_space<semaphore_mem>>) src(%arg11 : memref<40x128xf32, #tpu.memory_space<vmem>>) dst(%dma_wait3A_257 : memref<10240x128xf32, #tpu.memory_space<vmem_shared>>)
          } else {
          }
          %add3A_243 = arith.constant 4 : i32
          %add3A_244 = arith.addi %scan3A_123, %add3A_243 : i32
          %mul3A_245 = arith.constant 40 : i32
          %mul3A_246 = arith.muli %add3A_244, %mul3A_245 : i32
          %dma_start3A_247 = tpu.memref_slice %arg7[%mul3A_246] : memref<10000xi32, #tpu.memory_space<vmem>> -> memref<40xi32, #tpu.memory_space<vmem>>
          %dma_start3A_248 = arith.constant 0 : i32
          %dma_start3A_249 = arith.constant 0 : i32
          %dma_start3A_250 = tpu.memref_slice %arg2[%dma_start3A_248, %dma_start3A_249] : memref<40000x128xf32, #tpu.memory_space<hbm>> -> memref<40000x128xf32, #tpu.memory_space<hbm>>
          tpu.enqueue_indirect_dma source(%dma_start3A_250 : memref<40000x128xf32, #tpu.memory_space<hbm>>) target(%arg11 : memref<40x128xf32, #tpu.memory_space<vmem>>) offsets(%dma_start3A_247 : memref<40xi32, #tpu.memory_space<vmem>>) semaphore(%arg17 : memref<!tpu.dma_semaphore, #tpu.memory_space<semaphore_mem>>)
        } else {
        }
        %mul3A_227 = arith.constant 40 : i32
        %mul3A_228 = arith.muli %scan3A_123, %mul3A_227 : i32
        %dma_wait3A_229 = tpu.memref_slice %arg7[%mul3A_228] : memref<10000xi32, #tpu.memory_space<vmem>> -> memref<40xi32, #tpu.memory_space<vmem>>
        %dma_wait3A_230 = arith.constant 0 : i32
        %dma_wait3A_231 = arith.constant 0 : i32
        %dma_wait3A_232 = tpu.memref_slice %arg2[%dma_wait3A_230, %dma_wait3A_231] : memref<40000x128xf32, #tpu.memory_space<hbm>> -> memref<40000x128xf32, #tpu.memory_space<hbm>>
        tpu.wait_indirect_dma semaphore(%arg18 : memref<!tpu.dma_semaphore, #tpu.memory_space<semaphore_mem>>) src(%dma_wait3A_232 : memref<40000x128xf32, #tpu.memory_space<hbm>>) dst(%arg12 : memref<40x128xf32, #tpu.memory_space<vmem>>)
        %mul3A_233 = arith.constant 40 : i32
        %mul3A_234 = arith.muli %scan3A_123, %mul3A_233 : i32
        %dma_start3A_235 = tpu.memref_slice %arg8[%mul3A_234] : memref<10000xi32, #tpu.memory_space<vmem>> -> memref<40xi32, #tpu.memory_space<vmem>>
        %dma_start3A_236 = arith.constant 0 : i32
        %dma_start3A_237 = arith.constant 0 : i32
        %dma_start3A_238 = tpu.memref_slice %arg14[%dma_start3A_236, %dma_start3A_237] : memref<10240x128xf32, #tpu.memory_space<vmem_shared>> -> memref<10240x128xf32, #tpu.memory_space<vmem_shared>>
        tpu.enqueue_indirect_dma source(%arg12 : memref<40x128xf32, #tpu.memory_space<vmem>>) target(%dma_start3A_238 : memref<10240x128xf32, #tpu.memory_space<vmem_shared>>) offsets(%dma_start3A_235 : memref<40xi32, #tpu.memory_space<vmem>>) semaphore(%arg23 : memref<!tpu.dma_semaphore, #tpu.memory_space<semaphore_mem>>) {add = true}
      } else {
      }
      %jit3A_199 = arith.constant 5 : i32
      %eq3A_200 = arith.constant 0 : i32
      %eq3A_201 = arith.cmpi eq, %jit3A_199, %eq3A_200 : i32
      %jit3A_202 = arith.constant 1 : i32
      %select_n3A_203 = arith.select %eq3A_201, %jit3A_202, %jit3A_199 : i32
      %rem3A_204 = arith.remsi %scan3A_123, %select_n3A_203 : i32
      %ne3A_205 = arith.constant 0 : i32
      %ne3A_206 = arith.cmpi ne, %rem3A_204, %ne3A_205 : i32
      %lt3A_207 = arith.constant 0 : i32
      %lt3A_208 = arith.cmpi slt, %rem3A_204, %lt3A_207 : i32
      %lt3A_209 = arith.constant 0 : i32
      %lt3A_210 = arith.cmpi slt, %select_n3A_203, %lt3A_209 : i32
      %ne3A_211 = arith.xori %lt3A_208, %lt3A_210 : i1
      %and3A_212 = arith.andi %ne3A_211, %ne3A_206 : i1
      %add3A_213 = arith.addi %rem3A_204, %select_n3A_203 : i32
      %select_n3A_214 = arith.select %and3A_212, %add3A_213, %rem3A_204 : i32
      %eq3A_215 = arith.constant 4 : i32
      %eq3A_216 = arith.cmpi eq, %select_n3A_214, %eq3A_215 : i32
      %convert_element_type3A_217 = arith.extui %eq3A_216 : i1 to i32
      %cond3A_218 = arith.constant 0 : i32
      %cond3A_219 = arith.cmpi ne, %convert_element_type3A_217, %cond3A_218 : i32
      scf.if %cond3A_219 {
        %add3A_220 = arith.constant 4 : i32
        %add3A_221 = arith.addi %scan3A_123, %add3A_220 : i32
        %lt3A_222 = arith.constant 250 : i32
        %lt3A_223 = arith.cmpi slt, %add3A_221, %lt3A_222 : i32
        %convert_element_type3A_224 = arith.extui %lt3A_223 : i1 to i32
        %cond3A_225 = arith.constant 0 : i32
        %cond3A_226 = arith.cmpi ne, %convert_element_type3A_224, %cond3A_225 : i32
        scf.if %cond3A_226 {
          %ge3A = arith.constant 1 : i32
          %ge3A_239 = arith.cmpi sge, %scan3A_123, %ge3A : i32
          %convert_element_type3A_240 = arith.extui %ge3A_239 : i1 to i32
          %cond3A_241 = arith.constant 0 : i32
          %cond3A_242 = arith.cmpi ne, %convert_element_type3A_240, %cond3A_241 : i32
          scf.if %cond3A_242 {
            %sub3A = arith.constant 1 : i32
            %sub3A_251 = arith.subi %scan3A_123, %sub3A : i32
            %mul3A_252 = arith.constant 40 : i32
            %mul3A_253 = arith.muli %sub3A_251, %mul3A_252 : i32
            %dma_wait3A_254 = tpu.memref_slice %arg8[%mul3A_253] : memref<10000xi32, #tpu.memory_space<vmem>> -> memref<40xi32, #tpu.memory_space<vmem>>
            %dma_wait3A_255 = arith.constant 0 : i32
            %dma_wait3A_256 = arith.constant 0 : i32
            %dma_wait3A_257 = tpu.memref_slice %arg14[%dma_wait3A_255, %dma_wait3A_256] : memref<10240x128xf32, #tpu.memory_space<vmem_shared>> -> memref<10240x128xf32, #tpu.memory_space<vmem_shared>>
            tpu.wait_indirect_dma semaphore(%arg23 : memref<!tpu.dma_semaphore, #tpu.memory_space<semaphore_mem>>) src(%arg12 : memref<40x128xf32, #tpu.memory_space<vmem>>) dst(%dma_wait3A_257 : memref<10240x128xf32, #tpu.memory_space<vmem_shared>>)
          } else {
          }
          %add3A_243 = arith.constant 4 : i32
          %add3A_244 = arith.addi %scan3A_123, %add3A_243 : i32
          %mul3A_245 = arith.constant 40 : i32
          %mul3A_246 = arith.muli %add3A_244, %mul3A_245 : i32
          %dma_start3A_247 = tpu.memref_slice %arg7[%mul3A_246] : memref<10000xi32, #tpu.memory_space<vmem>> -> memref<40xi32, #tpu.memory_space<vmem>>
          %dma_start3A_248 = arith.constant 0 : i32
          %dma_start3A_249 = arith.constant 0 : i32
          %dma_start3A_250 = tpu.memref_slice %arg2[%dma_start3A_248, %dma_start3A_249] : memref<40000x128xf32, #tpu.memory_space<hbm>> -> memref<40000x128xf32, #tpu.memory_space<hbm>>
          tpu.enqueue_indirect_dma source(%dma_start3A_250 : memref<40000x128xf32, #tpu.memory_space<hbm>>) target(%arg12 : memref<40x128xf32, #tpu.memory_space<vmem>>) offsets(%dma_start3A_247 : memref<40xi32, #tpu.memory_space<vmem>>) semaphore(%arg18 : memref<!tpu.dma_semaphore, #tpu.memory_space<semaphore_mem>>)
        } else {
        }
        %mul3A_227 = arith.constant 40 : i32
        %mul3A_228 = arith.muli %scan3A_123, %mul3A_227 : i32
        %dma_wait3A_229 = tpu.memref_slice %arg7[%mul3A_228] : memref<10000xi32, #tpu.memory_space<vmem>> -> memref<40xi32, #tpu.memory_space<vmem>>
        %dma_wait3A_230 = arith.constant 0 : i32
        %dma_wait3A_231 = arith.constant 0 : i32
        %dma_wait3A_232 = tpu.memref_slice %arg2[%dma_wait3A_230, %dma_wait3A_231] : memref<40000x128xf32, #tpu.memory_space<hbm>> -> memref<40000x128xf32, #tpu.memory_space<hbm>>
        tpu.wait_indirect_dma semaphore(%arg19 : memref<!tpu.dma_semaphore, #tpu.memory_space<semaphore_mem>>) src(%dma_wait3A_232 : memref<40000x128xf32, #tpu.memory_space<hbm>>) dst(%arg13 : memref<40x128xf32, #tpu.memory_space<vmem>>)
        %mul3A_233 = arith.constant 40 : i32
        %mul3A_234 = arith.muli %scan3A_123, %mul3A_233 : i32
        %dma_start3A_235 = tpu.memref_slice %arg8[%mul3A_234] : memref<10000xi32, #tpu.memory_space<vmem>> -> memref<40xi32, #tpu.memory_space<vmem>>
        %dma_start3A_236 = arith.constant 0 : i32
        %dma_start3A_237 = arith.constant 0 : i32
        %dma_start3A_238 = tpu.memref_slice %arg14[%dma_start3A_236, %dma_start3A_237] : memref<10240x128xf32, #tpu.memory_space<vmem_shared>> -> memref<10240x128xf32, #tpu.memory_space<vmem_shared>>
        tpu.enqueue_indirect_dma source(%arg13 : memref<40x128xf32, #tpu.memory_space<vmem>>) target(%dma_start3A_238 : memref<10240x128xf32, #tpu.memory_space<vmem_shared>>) offsets(%dma_start3A_235 : memref<40xi32, #tpu.memory_space<vmem>>) semaphore(%arg24 : memref<!tpu.dma_semaphore, #tpu.memory_space<semaphore_mem>>) {add = true}
      } else {
      }
    }
    %scan3A_90 = arith.constant 250 : i32
    %dma_wait3A_91 = arith.constant 9800 : i32
    %dma_wait3A_92 = tpu.memref_slice %arg8[%dma_wait3A_91] : memref<10000xi32, #tpu.memory_space<vmem>> -> memref<40xi32, #tpu.memory_space<vmem>>
    %dma_wait3A_93 = arith.constant 0 : i32
    %dma_wait3A_94 = arith.constant 0 : i32
    %dma_wait3A_95 = tpu.memref_slice %arg14[%dma_wait3A_93, %dma_wait3A_94] : memref<10240x128xf32, #tpu.memory_space<vmem_shared>> -> memref<10240x128xf32, #tpu.memory_space<vmem_shared>>
    tpu.wait_indirect_dma semaphore(%arg20 : memref<!tpu.dma_semaphore, #tpu.memory_space<semaphore_mem>>) src(%arg9 : memref<40x128xf32, #tpu.memory_space<vmem>>) dst(%dma_wait3A_95 : memref<10240x128xf32, #tpu.memory_space<vmem_shared>>)
    %dma_wait3A_96 = arith.constant 9840 : i32
    %dma_wait3A_97 = tpu.memref_slice %arg8[%dma_wait3A_96] : memref<10000xi32, #tpu.memory_space<vmem>> -> memref<40xi32, #tpu.memory_space<vmem>>
    %dma_wait3A_98 = arith.constant 0 : i32
    %dma_wait3A_99 = arith.constant 0 : i32
    %dma_wait3A_100 = tpu.memref_slice %arg14[%dma_wait3A_98, %dma_wait3A_99] : memref<10240x128xf32, #tpu.memory_space<vmem_shared>> -> memref<10240x128xf32, #tpu.memory_space<vmem_shared>>
    tpu.wait_indirect_dma semaphore(%arg21 : memref<!tpu.dma_semaphore, #tpu.memory_space<semaphore_mem>>) src(%arg10 : memref<40x128xf32, #tpu.memory_space<vmem>>) dst(%dma_wait3A_100 : memref<10240x128xf32, #tpu.memory_space<vmem_shared>>)
    %dma_wait3A_101 = arith.constant 9880 : i32
    %dma_wait3A_102 = tpu.memref_slice %arg8[%dma_wait3A_101] : memref<10000xi32, #tpu.memory_space<vmem>> -> memref<40xi32, #tpu.memory_space<vmem>>
    %dma_wait3A_103 = arith.constant 0 : i32
    %dma_wait3A_104 = arith.constant 0 : i32
    %dma_wait3A_105 = tpu.memref_slice %arg14[%dma_wait3A_103, %dma_wait3A_104] : memref<10240x128xf32, #tpu.memory_space<vmem_shared>> -> memref<10240x128xf32, #tpu.memory_space<vmem_shared>>
    tpu.wait_indirect_dma semaphore(%arg22 : memref<!tpu.dma_semaphore, #tpu.memory_space<semaphore_mem>>) src(%arg11 : memref<40x128xf32, #tpu.memory_space<vmem>>) dst(%dma_wait3A_105 : memref<10240x128xf32, #tpu.memory_space<vmem_shared>>)
    %dma_wait3A_106 = arith.constant 9920 : i32
    %dma_wait3A_107 = tpu.memref_slice %arg8[%dma_wait3A_106] : memref<10000xi32, #tpu.memory_space<vmem>> -> memref<40xi32, #tpu.memory_space<vmem>>
    %dma_wait3A_108 = arith.constant 0 : i32
    %dma_wait3A_109 = arith.constant 0 : i32
    %dma_wait3A_110 = tpu.memref_slice %arg14[%dma_wait3A_108, %dma_wait3A_109] : memref<10240x128xf32, #tpu.memory_space<vmem_shared>> -> memref<10240x128xf32, #tpu.memory_space<vmem_shared>>
    tpu.wait_indirect_dma semaphore(%arg23 : memref<!tpu.dma_semaphore, #tpu.memory_space<semaphore_mem>>) src(%arg12 : memref<40x128xf32, #tpu.memory_space<vmem>>) dst(%dma_wait3A_110 : memref<10240x128xf32, #tpu.memory_space<vmem_shared>>)
    %dma_wait3A_111 = arith.constant 9960 : i32
    %dma_wait3A_112 = tpu.memref_slice %arg8[%dma_wait3A_111] : memref<10000xi32, #tpu.memory_space<vmem>> -> memref<40xi32, #tpu.memory_space<vmem>>
    %dma_wait3A_113 = arith.constant 0 : i32
    %dma_wait3A_114 = arith.constant 0 : i32
    %dma_wait3A_115 = tpu.memref_slice %arg14[%dma_wait3A_113, %dma_wait3A_114] : memref<10240x128xf32, #tpu.memory_space<vmem_shared>> -> memref<10240x128xf32, #tpu.memory_space<vmem_shared>>
    tpu.wait_indirect_dma semaphore(%arg24 : memref<!tpu.dma_semaphore, #tpu.memory_space<semaphore_mem>>) src(%arg13 : memref<40x128xf32, #tpu.memory_space<vmem>>) dst(%dma_wait3A_115 : memref<10240x128xf32, #tpu.memory_space<vmem_shared>>)
    %barrier3A_116 = arith.constant 0 : index
    tpu.barrier barrier_id(%barrier3A_116)
    %mul3A_117 = arith.constant 640 : i32
    %mul3A_118 = arith.muli %arg1, %mul3A_117 : i32
    %mul3A_119 = arith.constant 640 : i32
    %mul3A_120 = arith.muli %arg1, %mul3A_119 : i32
    %run_scoped3A_121 = arith.constant 1 : i32
    "tpu.region"() ({
      %run_scoped3A_123 = tpu.sem_alloc : memref<!tpu.dma_semaphore, #tpu.memory_space<semaphore_mem>>
      %dma_start3A_124 = arith.constant 0 : i32
      %dma_start3A_125 = tpu.memref_slice %arg6[%arg0, %run_scoped3A_121, %mul3A_120, %dma_start3A_124] : memref<2x2x10240x128xf32, #tpu.memory_space<hbm>> -> memref<1x1x640x128xf32, #tpu.memory_space<hbm>>
      %dma_start3A_126 = tpu.memref_squeeze %dma_start3A_125 : memref<1x1x640x128xf32, #tpu.memory_space<hbm>> -> memref<640x128xf32, #tpu.memory_space<hbm>>
      %dma_start3A_127 = arith.constant 0 : i32
      %dma_start3A_128 = tpu.memref_slice %arg14[%mul3A_118, %dma_start3A_127] : memref<10240x128xf32, #tpu.memory_space<vmem_shared>> -> memref<640x128xf32, #tpu.memory_space<vmem_shared>>
      tpu.enqueue_dma source(%dma_start3A_128 : memref<640x128xf32, #tpu.memory_space<vmem_shared>>) target(%dma_start3A_126 : memref<640x128xf32, #tpu.memory_space<hbm>>) target_semaphore(%run_scoped3A_123 : memref<!tpu.dma_semaphore, #tpu.memory_space<semaphore_mem>>)
      %dma_wait3A_129 = arith.constant 0 : i32
      %dma_wait3A_130 = tpu.memref_slice %arg6[%arg0, %run_scoped3A_121, %mul3A_120, %dma_wait3A_129] : memref<2x2x10240x128xf32, #tpu.memory_space<hbm>> -> memref<1x1x640x128xf32, #tpu.memory_space<hbm>>
      %dma_wait3A_131 = tpu.memref_squeeze %dma_wait3A_130 : memref<1x1x640x128xf32, #tpu.memory_space<hbm>> -> memref<640x128xf32, #tpu.memory_space<hbm>>
      %dma_wait3A_132 = arith.constant 0 : i32
      %dma_wait3A_133 = tpu.memref_slice %arg14[%mul3A_118, %dma_wait3A_132] : memref<10240x128xf32, #tpu.memory_space<vmem_shared>> -> memref<640x128xf32, #tpu.memory_space<vmem_shared>>
      tpu.wait_dma2 semaphore(%run_scoped3A_123 : memref<!tpu.dma_semaphore, #tpu.memory_space<semaphore_mem>>) src(%dma_wait3A_133 : memref<640x128xf32, #tpu.memory_space<vmem_shared>>) dst(%dma_wait3A_131 : memref<640x128xf32, #tpu.memory_space<hbm>>)
      tpu.yield
    }) : () -> ()
    %barrier3A_122 = arith.constant 0 : index
    tpu.barrier barrier_id(%barrier3A_122)
    return
  }
}

#map = affine_map<(d0, d1) -> (0, 0)>
#map1 = affine_map<(d0, d1) -> (0, 0, 0)>
module attributes {stable_mosaic.version = 14 : i64} {
  func.func @deg_kernel(%arg0: i32, %arg1: i32, %arg2: memref<16x10000xi32, #tpu.memory_space<hbm>>, %arg3: memref<640x128xf32, #tpu.memory_space<hbm>>, %arg4: memref<40x128xf32, #tpu.memory_space<hbm>>, %arg5: memref<2x10240x128xf32, #tpu.memory_space<hbm>>, %arg6: memref<10000xi32, #tpu.memory_space<vmem>>, %arg7: memref<40x128xf32, #tpu.memory_space<vmem>>, %arg8: memref<10240x128xf32, #tpu.memory_space<vmem_shared>>) attributes {dimension_semantics = [#tpu.dimension_semantics<core_parallel>, #tpu.dimension_semantics<subcore_parallel>], iteration_bounds = array<i64: 2, 16>, scalar_prefetch = 0 : i64, scratch_operands = 3 : i64, tpu.core_type = #tpu.core_type<sc_vector_subcore>, window_params = [{transform_indices = #map}, {transform_indices = #map}, {transform_indices = #map}, {transform_indices = #map1}]} {
    "tpu.region"() ({
      %run_scoped3A = tpu.sem_alloc : memref<!tpu.dma_semaphore, #tpu.memory_space<semaphore_mem>>
      %dma_start3A = arith.constant 0 : i32
      %dma_start3A_19 = tpu.memref_slice %arg2[%arg1, %dma_start3A] : memref<16x10000xi32, #tpu.memory_space<hbm>> -> memref<1x10000xi32, #tpu.memory_space<hbm>>
      %dma_start3A_20 = tpu.memref_squeeze %dma_start3A_19 : memref<1x10000xi32, #tpu.memory_space<hbm>> -> memref<10000xi32, #tpu.memory_space<hbm>>
      %dma_start3A_21 = arith.constant 0 : i32
      %dma_start3A_22 = tpu.memref_slice %arg2[%arg1, %dma_start3A_21] : memref<16x10000xi32, #tpu.memory_space<hbm>> -> memref<1x10000xi32, #tpu.memory_space<hbm>>
      %dma_start3A_23 = tpu.memref_squeeze %dma_start3A_22 : memref<1x10000xi32, #tpu.memory_space<hbm>> -> memref<10000xi32, #tpu.memory_space<hbm>>
      tpu.enqueue_dma source(%dma_start3A_23 : memref<10000xi32, #tpu.memory_space<hbm>>) target(%arg6 : memref<10000xi32, #tpu.memory_space<vmem>>) target_semaphore(%run_scoped3A : memref<!tpu.dma_semaphore, #tpu.memory_space<semaphore_mem>>)
      %dma_wait3A = arith.constant 0 : i32
      %dma_wait3A_24 = tpu.memref_slice %arg2[%arg1, %dma_wait3A] : memref<16x10000xi32, #tpu.memory_space<hbm>> -> memref<1x10000xi32, #tpu.memory_space<hbm>>
      %dma_wait3A_25 = tpu.memref_squeeze %dma_wait3A_24 : memref<1x10000xi32, #tpu.memory_space<hbm>> -> memref<10000xi32, #tpu.memory_space<hbm>>
      %dma_wait3A_26 = arith.constant 0 : i32
      %dma_wait3A_27 = tpu.memref_slice %arg2[%arg1, %dma_wait3A_26] : memref<16x10000xi32, #tpu.memory_space<hbm>> -> memref<1x10000xi32, #tpu.memory_space<hbm>>
      %dma_wait3A_28 = tpu.memref_squeeze %dma_wait3A_27 : memref<1x10000xi32, #tpu.memory_space<hbm>> -> memref<10000xi32, #tpu.memory_space<hbm>>
      tpu.wait_dma2 semaphore(%run_scoped3A : memref<!tpu.dma_semaphore, #tpu.memory_space<semaphore_mem>>) src(%dma_wait3A_28 : memref<10000xi32, #tpu.memory_space<hbm>>) dst(%arg6 : memref<10000xi32, #tpu.memory_space<vmem>>)
      tpu.yield
    }) : () -> ()
    "tpu.region"() ({
      %run_scoped3A = tpu.sem_alloc : memref<!tpu.dma_semaphore, #tpu.memory_space<semaphore_mem>>
      tpu.enqueue_dma source(%arg4 : memref<40x128xf32, #tpu.memory_space<hbm>>) target(%arg7 : memref<40x128xf32, #tpu.memory_space<vmem>>) target_semaphore(%run_scoped3A : memref<!tpu.dma_semaphore, #tpu.memory_space<semaphore_mem>>)
      tpu.wait_dma2 semaphore(%run_scoped3A : memref<!tpu.dma_semaphore, #tpu.memory_space<semaphore_mem>>) src(%arg4 : memref<40x128xf32, #tpu.memory_space<hbm>>) dst(%arg7 : memref<40x128xf32, #tpu.memory_space<vmem>>)
      tpu.yield
    }) : () -> ()
    %mul3A = arith.constant 640 : i32
    %mul3A_0 = arith.muli %arg1, %mul3A : i32
    "tpu.region"() ({
      %run_scoped3A = tpu.sem_alloc : memref<!tpu.dma_semaphore, #tpu.memory_space<semaphore_mem>>
      %dma_start3A = arith.constant 0 : i32
      %dma_start3A_19 = tpu.memref_slice %arg8[%mul3A_0, %dma_start3A] : memref<10240x128xf32, #tpu.memory_space<vmem_shared>> -> memref<640x128xf32, #tpu.memory_space<vmem_shared>>
      tpu.enqueue_dma source(%arg3 : memref<640x128xf32, #tpu.memory_space<hbm>>) target(%dma_start3A_19 : memref<640x128xf32, #tpu.memory_space<vmem_shared>>) target_semaphore(%run_scoped3A : memref<!tpu.dma_semaphore, #tpu.memory_space<semaphore_mem>>)
      %dma_wait3A = arith.constant 0 : i32
      %dma_wait3A_20 = tpu.memref_slice %arg8[%mul3A_0, %dma_wait3A] : memref<10240x128xf32, #tpu.memory_space<vmem_shared>> -> memref<640x128xf32, #tpu.memory_space<vmem_shared>>
      tpu.wait_dma2 semaphore(%run_scoped3A : memref<!tpu.dma_semaphore, #tpu.memory_space<semaphore_mem>>) src(%arg3 : memref<640x128xf32, #tpu.memory_space<hbm>>) dst(%dma_wait3A_20 : memref<640x128xf32, #tpu.memory_space<vmem_shared>>)
      tpu.yield
    }) : () -> ()
    %barrier3A = arith.constant 0 : index
    tpu.barrier barrier_id(%barrier3A)
    %mul3A_1 = arith.constant 125 : i32
    %mul3A_2 = arith.muli %arg0, %mul3A_1 : i32
    %mul3A_3 = arith.constant 125 : i32
    %mul3A_4 = arith.muli %arg0, %mul3A_3 : i32
    %add3A = arith.constant 125 : i32
    %add3A_5 = arith.addi %add3A, %mul3A_4 : i32
    %while3A = arith.constant 0 : i32
    %while3A_6 = arith.subi %add3A_5, %mul3A_2 : i32
    %while3A_7 = arith.addi %mul3A_2, %while3A_6 : i32
    %while3A_8 = arith.constant 1 : i32
    %while3A_9 = arith.divsi %while3A_6, %while3A_8 : i32
    %while3A_10 = arith.muli %while3A_9, %while3A_8 : i32
    %while3A_11 = arith.addi %mul3A_2, %while3A_10 : i32
    %while3A_12 = arith.constant 1 : i32
    scf.for %while3A_19 = %mul3A_2 to %while3A_11 step %while3A_12  : i32 {
      %mul3A_20 = arith.constant 40 : i32
      %mul3A_21 = arith.muli %while3A_19, %mul3A_20 : i32
      "tpu.region"() ({
        %run_scoped3A = tpu.sem_alloc : memref<!tpu.dma_semaphore, #tpu.memory_space<semaphore_mem>>
        %dma_start3A = tpu.memref_slice %arg6[%mul3A_21] : memref<10000xi32, #tpu.memory_space<vmem>> -> memref<40xi32, #tpu.memory_space<vmem>>
        %dma_start3A_22 = arith.constant 0 : i32
        %dma_start3A_23 = arith.constant 0 : i32
        %dma_start3A_24 = tpu.memref_slice %arg8[%dma_start3A_22, %dma_start3A_23] : memref<10240x128xf32, #tpu.memory_space<vmem_shared>> -> memref<10240x128xf32, #tpu.memory_space<vmem_shared>>
        tpu.enqueue_indirect_dma source(%arg7 : memref<40x128xf32, #tpu.memory_space<vmem>>) target(%dma_start3A_24 : memref<10240x128xf32, #tpu.memory_space<vmem_shared>>) offsets(%dma_start3A : memref<40xi32, #tpu.memory_space<vmem>>) semaphore(%run_scoped3A : memref<!tpu.dma_semaphore, #tpu.memory_space<semaphore_mem>>) {add = true}
        %dma_wait3A = tpu.memref_slice %arg6[%mul3A_21] : memref<10000xi32, #tpu.memory_space<vmem>> -> memref<40xi32, #tpu.memory_space<vmem>>
        %dma_wait3A_25 = arith.constant 0 : i32
        %dma_wait3A_26 = arith.constant 0 : i32
        %dma_wait3A_27 = tpu.memref_slice %arg8[%dma_wait3A_25, %dma_wait3A_26] : memref<10240x128xf32, #tpu.memory_space<vmem_shared>> -> memref<10240x128xf32, #tpu.memory_space<vmem_shared>>
        tpu.wait_indirect_dma semaphore(%run_scoped3A : memref<!tpu.dma_semaphore, #tpu.memory_space<semaphore_mem>>) src(%arg7 : memref<40x128xf32, #tpu.memory_space<vmem>>) dst(%dma_wait3A_27 : memref<10240x128xf32, #tpu.memory_space<vmem_shared>>)
        tpu.yield
      }) : () -> ()
    }
    %while3A_13 = arith.constant 1 : i32
    scf.for %while3A_19 = %while3A_11 to %while3A_7 step %while3A_13  : i32 {
      %mul3A_20 = arith.constant 40 : i32
      %mul3A_21 = arith.muli %while3A_19, %mul3A_20 : i32
      "tpu.region"() ({
        %run_scoped3A = tpu.sem_alloc : memref<!tpu.dma_semaphore, #tpu.memory_space<semaphore_mem>>
        %dma_start3A = tpu.memref_slice %arg6[%mul3A_21] : memref<10000xi32, #tpu.memory_space<vmem>> -> memref<40xi32, #tpu.memory_space<vmem>>
        %dma_start3A_22 = arith.constant 0 : i32
        %dma_start3A_23 = arith.constant 0 : i32
        %dma_start3A_24 = tpu.memref_slice %arg8[%dma_start3A_22, %dma_start3A_23] : memref<10240x128xf32, #tpu.memory_space<vmem_shared>> -> memref<10240x128xf32, #tpu.memory_space<vmem_shared>>
        tpu.enqueue_indirect_dma source(%arg7 : memref<40x128xf32, #tpu.memory_space<vmem>>) target(%dma_start3A_24 : memref<10240x128xf32, #tpu.memory_space<vmem_shared>>) offsets(%dma_start3A : memref<40xi32, #tpu.memory_space<vmem>>) semaphore(%run_scoped3A : memref<!tpu.dma_semaphore, #tpu.memory_space<semaphore_mem>>) {add = true}
        %dma_wait3A = tpu.memref_slice %arg6[%mul3A_21] : memref<10000xi32, #tpu.memory_space<vmem>> -> memref<40xi32, #tpu.memory_space<vmem>>
        %dma_wait3A_25 = arith.constant 0 : i32
        %dma_wait3A_26 = arith.constant 0 : i32
        %dma_wait3A_27 = tpu.memref_slice %arg8[%dma_wait3A_25, %dma_wait3A_26] : memref<10240x128xf32, #tpu.memory_space<vmem_shared>> -> memref<10240x128xf32, #tpu.memory_space<vmem_shared>>
        tpu.wait_indirect_dma semaphore(%run_scoped3A : memref<!tpu.dma_semaphore, #tpu.memory_space<semaphore_mem>>) src(%arg7 : memref<40x128xf32, #tpu.memory_space<vmem>>) dst(%dma_wait3A_27 : memref<10240x128xf32, #tpu.memory_space<vmem_shared>>)
        tpu.yield
      }) : () -> ()
    }
    %barrier3A_14 = arith.constant 0 : index
    tpu.barrier barrier_id(%barrier3A_14)
    %mul3A_15 = arith.constant 640 : i32
    %mul3A_16 = arith.muli %arg1, %mul3A_15 : i32
    %mul3A_17 = arith.constant 640 : i32
    %mul3A_18 = arith.muli %arg1, %mul3A_17 : i32
    "tpu.region"() ({
      %run_scoped3A = tpu.sem_alloc : memref<!tpu.dma_semaphore, #tpu.memory_space<semaphore_mem>>
      %dma_start3A = arith.constant 0 : i32
      %dma_start3A_19 = tpu.memref_slice %arg5[%arg0, %mul3A_18, %dma_start3A] : memref<2x10240x128xf32, #tpu.memory_space<hbm>> -> memref<1x640x128xf32, #tpu.memory_space<hbm>>
      %dma_start3A_20 = tpu.memref_squeeze %dma_start3A_19 : memref<1x640x128xf32, #tpu.memory_space<hbm>> -> memref<640x128xf32, #tpu.memory_space<hbm>>
      %dma_start3A_21 = arith.constant 0 : i32
      %dma_start3A_22 = tpu.memref_slice %arg8[%mul3A_16, %dma_start3A_21] : memref<10240x128xf32, #tpu.memory_space<vmem_shared>> -> memref<640x128xf32, #tpu.memory_space<vmem_shared>>
      tpu.enqueue_dma source(%dma_start3A_22 : memref<640x128xf32, #tpu.memory_space<vmem_shared>>) target(%dma_start3A_20 : memref<640x128xf32, #tpu.memory_space<hbm>>) target_semaphore(%run_scoped3A : memref<!tpu.dma_semaphore, #tpu.memory_space<semaphore_mem>>)
      %dma_wait3A = arith.constant 0 : i32
      %dma_wait3A_23 = tpu.memref_slice %arg5[%arg0, %mul3A_18, %dma_wait3A] : memref<2x10240x128xf32, #tpu.memory_space<hbm>> -> memref<1x640x128xf32, #tpu.memory_space<hbm>>
      %dma_wait3A_24 = tpu.memref_squeeze %dma_wait3A_23 : memref<1x640x128xf32, #tpu.memory_space<hbm>> -> memref<640x128xf32, #tpu.memory_space<hbm>>
      %dma_wait3A_25 = arith.constant 0 : i32
      %dma_wait3A_26 = tpu.memref_slice %arg8[%mul3A_16, %dma_wait3A_25] : memref<10240x128xf32, #tpu.memory_space<vmem_shared>> -> memref<640x128xf32, #tpu.memory_space<vmem_shared>>
      tpu.wait_dma2 semaphore(%run_scoped3A : memref<!tpu.dma_semaphore, #tpu.memory_space<semaphore_mem>>) src(%dma_wait3A_26 : memref<640x128xf32, #tpu.memory_space<vmem_shared>>) dst(%dma_wait3A_24 : memref<640x128xf32, #tpu.memory_space<hbm>>)
      tpu.yield
    }) : () -> ()
    return
  }
}

#map = affine_map<(d0, d1) -> (0, 0)>
#map1 = affine_map<(d0, d1) -> (0, 0, 0)>
#map2 = affine_map<(d0, d1) -> (0, 0, 0, 0)>
module attributes {stable_mosaic.version = 14 : i64} {
  func.func @scatter_kernel(%arg0: i32, %arg1: i32, %arg2: memref<20000x128xf32, #tpu.memory_space<hbm>>, %arg3: memref<2x16x10000xi32, #tpu.memory_space<hbm>>, %arg4: memref<16x10000xi32, #tpu.memory_space<hbm>>, %arg5: memref<640x128xf32, #tpu.memory_space<hbm>>, %arg6: memref<2x1x10240x128xf32, #tpu.memory_space<hbm>>, %arg7: memref<10000xi32, #tpu.memory_space<vmem>>, %arg8: memref<10000xi32, #tpu.memory_space<vmem>>, %arg9: memref<40x128xf32, #tpu.memory_space<vmem>>, %arg10: memref<40x128xf32, #tpu.memory_space<vmem>>, %arg11: memref<40x128xf32, #tpu.memory_space<vmem>>, %arg12: memref<40x128xf32, #tpu.memory_space<vmem>>, %arg13: memref<40x128xf32, #tpu.memory_space<vmem>>, %arg14: memref<10240x128xf32, #tpu.memory_space<vmem_shared>>, %arg15: memref<!tpu.dma_semaphore, #tpu.memory_space<semaphore_mem>>, %arg16: memref<!tpu.dma_semaphore, #tpu.memory_space<semaphore_mem>>, %arg17: memref<!tpu.dma_semaphore, #tpu.memory_space<semaphore_mem>>, %arg18: memref<!tpu.dma_semaphore, #tpu.memory_space<semaphore_mem>>, %arg19: memref<!tpu.dma_semaphore, #tpu.memory_space<semaphore_mem>>, %arg20: memref<!tpu.dma_semaphore, #tpu.memory_space<semaphore_mem>>, %arg21: memref<!tpu.dma_semaphore, #tpu.memory_space<semaphore_mem>>, %arg22: memref<!tpu.dma_semaphore, #tpu.memory_space<semaphore_mem>>, %arg23: memref<!tpu.dma_semaphore, #tpu.memory_space<semaphore_mem>>, %arg24: memref<!tpu.dma_semaphore, #tpu.memory_space<semaphore_mem>>) attributes {dimension_semantics = [#tpu.dimension_semantics<core_parallel>, #tpu.dimension_semantics<subcore_parallel>], iteration_bounds = array<i64: 2, 16>, scalar_prefetch = 0 : i64, scratch_operands = 18 : i64, tpu.core_type = #tpu.core_type<sc_vector_subcore>, window_params = [{transform_indices = #map}, {transform_indices = #map1}, {transform_indices = #map}, {transform_indices = #map}, {transform_indices = #map2}]} {
    "tpu.region"() ({
      %run_scoped3A_58 = tpu.sem_alloc : memref<!tpu.dma_semaphore, #tpu.memory_space<semaphore_mem>>
      %dma_start3A_59 = arith.constant 0 : i32
      %dma_start3A_60 = tpu.memref_slice %arg4[%arg1, %dma_start3A_59] : memref<16x10000xi32, #tpu.memory_space<hbm>> -> memref<1x10000xi32, #tpu.memory_space<hbm>>
      %dma_start3A_61 = tpu.memref_squeeze %dma_start3A_60 : memref<1x10000xi32, #tpu.memory_space<hbm>> -> memref<10000xi32, #tpu.memory_space<hbm>>
      %dma_start3A_62 = arith.constant 0 : i32
      %dma_start3A_63 = tpu.memref_slice %arg4[%arg1, %dma_start3A_62] : memref<16x10000xi32, #tpu.memory_space<hbm>> -> memref<1x10000xi32, #tpu.memory_space<hbm>>
      %dma_start3A_64 = tpu.memref_squeeze %dma_start3A_63 : memref<1x10000xi32, #tpu.memory_space<hbm>> -> memref<10000xi32, #tpu.memory_space<hbm>>
      tpu.enqueue_dma source(%dma_start3A_64 : memref<10000xi32, #tpu.memory_space<hbm>>) target(%arg8 : memref<10000xi32, #tpu.memory_space<vmem>>) target_semaphore(%run_scoped3A_58 : memref<!tpu.dma_semaphore, #tpu.memory_space<semaphore_mem>>)
      %dma_wait3A_65 = arith.constant 0 : i32
      %dma_wait3A_66 = tpu.memref_slice %arg4[%arg1, %dma_wait3A_65] : memref<16x10000xi32, #tpu.memory_space<hbm>> -> memref<1x10000xi32, #tpu.memory_space<hbm>>
      %dma_wait3A_67 = tpu.memref_squeeze %dma_wait3A_66 : memref<1x10000xi32, #tpu.memory_space<hbm>> -> memref<10000xi32, #tpu.memory_space<hbm>>
      %dma_wait3A_68 = arith.constant 0 : i32
      %dma_wait3A_69 = tpu.memref_slice %arg4[%arg1, %dma_wait3A_68] : memref<16x10000xi32, #tpu.memory_space<hbm>> -> memref<1x10000xi32, #tpu.memory_space<hbm>>
      %dma_wait3A_70 = tpu.memref_squeeze %dma_wait3A_69 : memref<1x10000xi32, #tpu.memory_space<hbm>> -> memref<10000xi32, #tpu.memory_space<hbm>>
      tpu.wait_dma2 semaphore(%run_scoped3A_58 : memref<!tpu.dma_semaphore, #tpu.memory_space<semaphore_mem>>) src(%dma_wait3A_70 : memref<10000xi32, #tpu.memory_space<hbm>>) dst(%arg8 : memref<10000xi32, #tpu.memory_space<vmem>>)
      tpu.yield
    }) : () -> ()
    %mul3A = arith.constant 1 : i32
    %mul3A_0 = arith.muli %arg0, %mul3A : i32
    %add3A = arith.constant 0 : i32
    %add3A_1 = arith.addi %mul3A_0, %add3A : i32
    "tpu.region"() ({
      %run_scoped3A_58 = tpu.sem_alloc : memref<!tpu.dma_semaphore, #tpu.memory_space<semaphore_mem>>
      %dma_start3A_59 = arith.constant 0 : i32
      %dma_start3A_60 = tpu.memref_slice %arg3[%add3A_1, %arg1, %dma_start3A_59] : memref<2x16x10000xi32, #tpu.memory_space<hbm>> -> memref<1x1x10000xi32, #tpu.memory_space<hbm>>
      %dma_start3A_61 = tpu.memref_squeeze %dma_start3A_60 : memref<1x1x10000xi32, #tpu.memory_space<hbm>> -> memref<10000xi32, #tpu.memory_space<hbm>>
      %dma_start3A_62 = arith.constant 0 : i32
      %dma_start3A_63 = tpu.memref_slice %arg3[%add3A_1, %arg1, %dma_start3A_62] : memref<2x16x10000xi32, #tpu.memory_space<hbm>> -> memref<1x1x10000xi32, #tpu.memory_space<hbm>>
      %dma_start3A_64 = tpu.memref_squeeze %dma_start3A_63 : memref<1x1x10000xi32, #tpu.memory_space<hbm>> -> memref<10000xi32, #tpu.memory_space<hbm>>
      tpu.enqueue_dma source(%dma_start3A_64 : memref<10000xi32, #tpu.memory_space<hbm>>) target(%arg7 : memref<10000xi32, #tpu.memory_space<vmem>>) target_semaphore(%run_scoped3A_58 : memref<!tpu.dma_semaphore, #tpu.memory_space<semaphore_mem>>)
      %dma_wait3A_65 = arith.constant 0 : i32
      %dma_wait3A_66 = tpu.memref_slice %arg3[%add3A_1, %arg1, %dma_wait3A_65] : memref<2x16x10000xi32, #tpu.memory_space<hbm>> -> memref<1x1x10000xi32, #tpu.memory_space<hbm>>
      %dma_wait3A_67 = tpu.memref_squeeze %dma_wait3A_66 : memref<1x1x10000xi32, #tpu.memory_space<hbm>> -> memref<10000xi32, #tpu.memory_space<hbm>>
      %dma_wait3A_68 = arith.constant 0 : i32
      %dma_wait3A_69 = tpu.memref_slice %arg3[%add3A_1, %arg1, %dma_wait3A_68] : memref<2x16x10000xi32, #tpu.memory_space<hbm>> -> memref<1x1x10000xi32, #tpu.memory_space<hbm>>
      %dma_wait3A_70 = tpu.memref_squeeze %dma_wait3A_69 : memref<1x1x10000xi32, #tpu.memory_space<hbm>> -> memref<10000xi32, #tpu.memory_space<hbm>>
      tpu.wait_dma2 semaphore(%run_scoped3A_58 : memref<!tpu.dma_semaphore, #tpu.memory_space<semaphore_mem>>) src(%dma_wait3A_70 : memref<10000xi32, #tpu.memory_space<hbm>>) dst(%arg7 : memref<10000xi32, #tpu.memory_space<vmem>>)
      tpu.yield
    }) : () -> ()
    %mul3A_2 = arith.constant 640 : i32
    %mul3A_3 = arith.muli %arg1, %mul3A_2 : i32
    "tpu.region"() ({
      %run_scoped3A_58 = tpu.sem_alloc : memref<!tpu.dma_semaphore, #tpu.memory_space<semaphore_mem>>
      %dma_start3A_59 = arith.constant 0 : i32
      %dma_start3A_60 = tpu.memref_slice %arg14[%mul3A_3, %dma_start3A_59] : memref<10240x128xf32, #tpu.memory_space<vmem_shared>> -> memref<640x128xf32, #tpu.memory_space<vmem_shared>>
      tpu.enqueue_dma source(%arg5 : memref<640x128xf32, #tpu.memory_space<hbm>>) target(%dma_start3A_60 : memref<640x128xf32, #tpu.memory_space<vmem_shared>>) target_semaphore(%run_scoped3A_58 : memref<!tpu.dma_semaphore, #tpu.memory_space<semaphore_mem>>)
      %dma_wait3A_61 = arith.constant 0 : i32
      %dma_wait3A_62 = tpu.memref_slice %arg14[%mul3A_3, %dma_wait3A_61] : memref<10240x128xf32, #tpu.memory_space<vmem_shared>> -> memref<640x128xf32, #tpu.memory_space<vmem_shared>>
      tpu.wait_dma2 semaphore(%run_scoped3A_58 : memref<!tpu.dma_semaphore, #tpu.memory_space<semaphore_mem>>) src(%arg5 : memref<640x128xf32, #tpu.memory_space<hbm>>) dst(%dma_wait3A_62 : memref<640x128xf32, #tpu.memory_space<vmem_shared>>)
      tpu.yield
    }) : () -> ()
    %barrier3A = arith.constant 0 : index
    tpu.barrier barrier_id(%barrier3A)
    %dma_start3A = arith.constant 0 : i32
    %dma_start3A_4 = tpu.memref_slice %arg7[%dma_start3A] : memref<10000xi32, #tpu.memory_space<vmem>> -> memref<40xi32, #tpu.memory_space<vmem>>
    %dma_start3A_5 = arith.constant 0 : i32
    %dma_start3A_6 = arith.constant 0 : i32
    %dma_start3A_7 = tpu.memref_slice %arg2[%dma_start3A_5, %dma_start3A_6] : memref<20000x128xf32, #tpu.memory_space<hbm>> -> memref<20000x128xf32, #tpu.memory_space<hbm>>
    tpu.enqueue_indirect_dma source(%dma_start3A_7 : memref<20000x128xf32, #tpu.memory_space<hbm>>) target(%arg9 : memref<40x128xf32, #tpu.memory_space<vmem>>) offsets(%dma_start3A_4 : memref<40xi32, #tpu.memory_space<vmem>>) semaphore(%arg15 : memref<!tpu.dma_semaphore, #tpu.memory_space<semaphore_mem>>)
    %dma_start3A_8 = arith.constant 40 : i32
    %dma_start3A_9 = tpu.memref_slice %arg7[%dma_start3A_8] : memref<10000xi32, #tpu.memory_space<vmem>> -> memref<40xi32, #tpu.memory_space<vmem>>
    %dma_start3A_10 = arith.constant 0 : i32
    %dma_start3A_11 = arith.constant 0 : i32
    %dma_start3A_12 = tpu.memref_slice %arg2[%dma_start3A_10, %dma_start3A_11] : memref<20000x128xf32, #tpu.memory_space<hbm>> -> memref<20000x128xf32, #tpu.memory_space<hbm>>
    tpu.enqueue_indirect_dma source(%dma_start3A_12 : memref<20000x128xf32, #tpu.memory_space<hbm>>) target(%arg10 : memref<40x128xf32, #tpu.memory_space<vmem>>) offsets(%dma_start3A_9 : memref<40xi32, #tpu.memory_space<vmem>>) semaphore(%arg16 : memref<!tpu.dma_semaphore, #tpu.memory_space<semaphore_mem>>)
    %dma_start3A_13 = arith.constant 80 : i32
    %dma_start3A_14 = tpu.memref_slice %arg7[%dma_start3A_13] : memref<10000xi32, #tpu.memory_space<vmem>> -> memref<40xi32, #tpu.memory_space<vmem>>
    %dma_start3A_15 = arith.constant 0 : i32
    %dma_start3A_16 = arith.constant 0 : i32
    %dma_start3A_17 = tpu.memref_slice %arg2[%dma_start3A_15, %dma_start3A_16] : memref<20000x128xf32, #tpu.memory_space<hbm>> -> memref<20000x128xf32, #tpu.memory_space<hbm>>
    tpu.enqueue_indirect_dma source(%dma_start3A_17 : memref<20000x128xf32, #tpu.memory_space<hbm>>) target(%arg11 : memref<40x128xf32, #tpu.memory_space<vmem>>) offsets(%dma_start3A_14 : memref<40xi32, #tpu.memory_space<vmem>>) semaphore(%arg17 : memref<!tpu.dma_semaphore, #tpu.memory_space<semaphore_mem>>)
    %dma_start3A_18 = arith.constant 120 : i32
    %dma_start3A_19 = tpu.memref_slice %arg7[%dma_start3A_18] : memref<10000xi32, #tpu.memory_space<vmem>> -> memref<40xi32, #tpu.memory_space<vmem>>
    %dma_start3A_20 = arith.constant 0 : i32
    %dma_start3A_21 = arith.constant 0 : i32
    %dma_start3A_22 = tpu.memref_slice %arg2[%dma_start3A_20, %dma_start3A_21] : memref<20000x128xf32, #tpu.memory_space<hbm>> -> memref<20000x128xf32, #tpu.memory_space<hbm>>
    tpu.enqueue_indirect_dma source(%dma_start3A_22 : memref<20000x128xf32, #tpu.memory_space<hbm>>) target(%arg12 : memref<40x128xf32, #tpu.memory_space<vmem>>) offsets(%dma_start3A_19 : memref<40xi32, #tpu.memory_space<vmem>>) semaphore(%arg18 : memref<!tpu.dma_semaphore, #tpu.memory_space<semaphore_mem>>)
    %scan3A = arith.constant 0 : i32
    %scan3A_23 = arith.constant 0 : i32
    %scan3A_24 = arith.constant 250 : i32
    %scan3A_25 = arith.addi %scan3A_23, %scan3A_24 : i32
    %scan3A_26 = arith.constant 1 : i32
    scf.for %scan3A_58 = %scan3A_23 to %scan3A_25 step %scan3A_26  : i32 {
      %jit3A = arith.constant 5 : i32
      %eq3A = arith.constant 0 : i32
      %eq3A_59 = arith.cmpi eq, %jit3A, %eq3A : i32
      %jit3A_60 = arith.constant 1 : i32
      %select_n3A = arith.select %eq3A_59, %jit3A_60, %jit3A : i32
      %rem3A = arith.remsi %scan3A_58, %select_n3A : i32
      %ne3A = arith.constant 0 : i32
      %ne3A_61 = arith.cmpi ne, %rem3A, %ne3A : i32
      %lt3A = arith.constant 0 : i32
      %lt3A_62 = arith.cmpi slt, %rem3A, %lt3A : i32
      %lt3A_63 = arith.constant 0 : i32
      %lt3A_64 = arith.cmpi slt, %select_n3A, %lt3A_63 : i32
      %ne3A_65 = arith.xori %lt3A_62, %lt3A_64 : i1
      %and3A = arith.andi %ne3A_65, %ne3A_61 : i1
      %add3A_66 = arith.addi %rem3A, %select_n3A : i32
      %select_n3A_67 = arith.select %and3A, %add3A_66, %rem3A : i32
      %eq3A_68 = arith.constant 0 : i32
      %eq3A_69 = arith.cmpi eq, %select_n3A_67, %eq3A_68 : i32
      %convert_element_type3A = arith.extui %eq3A_69 : i1 to i32
      %cond3A = arith.constant 0 : i32
      %cond3A_70 = arith.cmpi ne, %convert_element_type3A, %cond3A : i32
      scf.if %cond3A_70 {
        %add3A_155 = arith.constant 4 : i32
        %add3A_156 = arith.addi %scan3A_58, %add3A_155 : i32
        %lt3A_157 = arith.constant 250 : i32
        %lt3A_158 = arith.cmpi slt, %add3A_156, %lt3A_157 : i32
        %convert_element_type3A_159 = arith.extui %lt3A_158 : i1 to i32
        %cond3A_160 = arith.constant 0 : i32
        %cond3A_161 = arith.cmpi ne, %convert_element_type3A_159, %cond3A_160 : i32
        scf.if %cond3A_161 {
          %ge3A = arith.constant 1 : i32
          %ge3A_174 = arith.cmpi sge, %scan3A_58, %ge3A : i32
          %convert_element_type3A_175 = arith.extui %ge3A_174 : i1 to i32
          %cond3A_176 = arith.constant 0 : i32
          %cond3A_177 = arith.cmpi ne, %convert_element_type3A_175, %cond3A_176 : i32
          scf.if %cond3A_177 {
            %sub3A = arith.constant 1 : i32
            %sub3A_186 = arith.subi %scan3A_58, %sub3A : i32
            %mul3A_187 = arith.constant 40 : i32
            %mul3A_188 = arith.muli %sub3A_186, %mul3A_187 : i32
            %dma_wait3A_189 = tpu.memref_slice %arg8[%mul3A_188] : memref<10000xi32, #tpu.memory_space<vmem>> -> memref<40xi32, #tpu.memory_space<vmem>>
            %dma_wait3A_190 = arith.constant 0 : i32
            %dma_wait3A_191 = arith.constant 0 : i32
            %dma_wait3A_192 = tpu.memref_slice %arg14[%dma_wait3A_190, %dma_wait3A_191] : memref<10240x128xf32, #tpu.memory_space<vmem_shared>> -> memref<10240x128xf32, #tpu.memory_space<vmem_shared>>
            tpu.wait_indirect_dma semaphore(%arg24 : memref<!tpu.dma_semaphore, #tpu.memory_space<semaphore_mem>>) src(%arg13 : memref<40x128xf32, #tpu.memory_space<vmem>>) dst(%dma_wait3A_192 : memref<10240x128xf32, #tpu.memory_space<vmem_shared>>)
          } else {
          }
          %add3A_178 = arith.constant 4 : i32
          %add3A_179 = arith.addi %scan3A_58, %add3A_178 : i32
          %mul3A_180 = arith.constant 40 : i32
          %mul3A_181 = arith.muli %add3A_179, %mul3A_180 : i32
          %dma_start3A_182 = tpu.memref_slice %arg7[%mul3A_181] : memref<10000xi32, #tpu.memory_space<vmem>> -> memref<40xi32, #tpu.memory_space<vmem>>
          %dma_start3A_183 = arith.constant 0 : i32
          %dma_start3A_184 = arith.constant 0 : i32
          %dma_start3A_185 = tpu.memref_slice %arg2[%dma_start3A_183, %dma_start3A_184] : memref<20000x128xf32, #tpu.memory_space<hbm>> -> memref<20000x128xf32, #tpu.memory_space<hbm>>
          tpu.enqueue_indirect_dma source(%dma_start3A_185 : memref<20000x128xf32, #tpu.memory_space<hbm>>) target(%arg13 : memref<40x128xf32, #tpu.memory_space<vmem>>) offsets(%dma_start3A_182 : memref<40xi32, #tpu.memory_space<vmem>>) semaphore(%arg19 : memref<!tpu.dma_semaphore, #tpu.memory_space<semaphore_mem>>)
        } else {
        }
        %mul3A_162 = arith.constant 40 : i32
        %mul3A_163 = arith.muli %scan3A_58, %mul3A_162 : i32
        %dma_wait3A_164 = tpu.memref_slice %arg7[%mul3A_163] : memref<10000xi32, #tpu.memory_space<vmem>> -> memref<40xi32, #tpu.memory_space<vmem>>
        %dma_wait3A_165 = arith.constant 0 : i32
        %dma_wait3A_166 = arith.constant 0 : i32
        %dma_wait3A_167 = tpu.memref_slice %arg2[%dma_wait3A_165, %dma_wait3A_166] : memref<20000x128xf32, #tpu.memory_space<hbm>> -> memref<20000x128xf32, #tpu.memory_space<hbm>>
        tpu.wait_indirect_dma semaphore(%arg15 : memref<!tpu.dma_semaphore, #tpu.memory_space<semaphore_mem>>) src(%dma_wait3A_167 : memref<20000x128xf32, #tpu.memory_space<hbm>>) dst(%arg9 : memref<40x128xf32, #tpu.memory_space<vmem>>)
        %mul3A_168 = arith.constant 40 : i32
        %mul3A_169 = arith.muli %scan3A_58, %mul3A_168 : i32
        %dma_start3A_170 = tpu.memref_slice %arg8[%mul3A_169] : memref<10000xi32, #tpu.memory_space<vmem>> -> memref<40xi32, #tpu.memory_space<vmem>>
        %dma_start3A_171 = arith.constant 0 : i32
        %dma_start3A_172 = arith.constant 0 : i32
        %dma_start3A_173 = tpu.memref_slice %arg14[%dma_start3A_171, %dma_start3A_172] : memref<10240x128xf32, #tpu.memory_space<vmem_shared>> -> memref<10240x128xf32, #tpu.memory_space<vmem_shared>>
        tpu.enqueue_indirect_dma source(%arg9 : memref<40x128xf32, #tpu.memory_space<vmem>>) target(%dma_start3A_173 : memref<10240x128xf32, #tpu.memory_space<vmem_shared>>) offsets(%dma_start3A_170 : memref<40xi32, #tpu.memory_space<vmem>>) semaphore(%arg20 : memref<!tpu.dma_semaphore, #tpu.memory_space<semaphore_mem>>) {add = true}
      } else {
      }
      %jit3A_71 = arith.constant 5 : i32
      %eq3A_72 = arith.constant 0 : i32
      %eq3A_73 = arith.cmpi eq, %jit3A_71, %eq3A_72 : i32
      %jit3A_74 = arith.constant 1 : i32
      %select_n3A_75 = arith.select %eq3A_73, %jit3A_74, %jit3A_71 : i32
      %rem3A_76 = arith.remsi %scan3A_58, %select_n3A_75 : i32
      %ne3A_77 = arith.constant 0 : i32
      %ne3A_78 = arith.cmpi ne, %rem3A_76, %ne3A_77 : i32
      %lt3A_79 = arith.constant 0 : i32
      %lt3A_80 = arith.cmpi slt, %rem3A_76, %lt3A_79 : i32
      %lt3A_81 = arith.constant 0 : i32
      %lt3A_82 = arith.cmpi slt, %select_n3A_75, %lt3A_81 : i32
      %ne3A_83 = arith.xori %lt3A_80, %lt3A_82 : i1
      %and3A_84 = arith.andi %ne3A_83, %ne3A_78 : i1
      %add3A_85 = arith.addi %rem3A_76, %select_n3A_75 : i32
      %select_n3A_86 = arith.select %and3A_84, %add3A_85, %rem3A_76 : i32
      %eq3A_87 = arith.constant 1 : i32
      %eq3A_88 = arith.cmpi eq, %select_n3A_86, %eq3A_87 : i32
      %convert_element_type3A_89 = arith.extui %eq3A_88 : i1 to i32
      %cond3A_90 = arith.constant 0 : i32
      %cond3A_91 = arith.cmpi ne, %convert_element_type3A_89, %cond3A_90 : i32
      scf.if %cond3A_91 {
        %add3A_155 = arith.constant 4 : i32
        %add3A_156 = arith.addi %scan3A_58, %add3A_155 : i32
        %lt3A_157 = arith.constant 250 : i32
        %lt3A_158 = arith.cmpi slt, %add3A_156, %lt3A_157 : i32
        %convert_element_type3A_159 = arith.extui %lt3A_158 : i1 to i32
        %cond3A_160 = arith.constant 0 : i32
        %cond3A_161 = arith.cmpi ne, %convert_element_type3A_159, %cond3A_160 : i32
        scf.if %cond3A_161 {
          %ge3A = arith.constant 1 : i32
          %ge3A_174 = arith.cmpi sge, %scan3A_58, %ge3A : i32
          %convert_element_type3A_175 = arith.extui %ge3A_174 : i1 to i32
          %cond3A_176 = arith.constant 0 : i32
          %cond3A_177 = arith.cmpi ne, %convert_element_type3A_175, %cond3A_176 : i32
          scf.if %cond3A_177 {
            %sub3A = arith.constant 1 : i32
            %sub3A_186 = arith.subi %scan3A_58, %sub3A : i32
            %mul3A_187 = arith.constant 40 : i32
            %mul3A_188 = arith.muli %sub3A_186, %mul3A_187 : i32
            %dma_wait3A_189 = tpu.memref_slice %arg8[%mul3A_188] : memref<10000xi32, #tpu.memory_space<vmem>> -> memref<40xi32, #tpu.memory_space<vmem>>
            %dma_wait3A_190 = arith.constant 0 : i32
            %dma_wait3A_191 = arith.constant 0 : i32
            %dma_wait3A_192 = tpu.memref_slice %arg14[%dma_wait3A_190, %dma_wait3A_191] : memref<10240x128xf32, #tpu.memory_space<vmem_shared>> -> memref<10240x128xf32, #tpu.memory_space<vmem_shared>>
            tpu.wait_indirect_dma semaphore(%arg20 : memref<!tpu.dma_semaphore, #tpu.memory_space<semaphore_mem>>) src(%arg9 : memref<40x128xf32, #tpu.memory_space<vmem>>) dst(%dma_wait3A_192 : memref<10240x128xf32, #tpu.memory_space<vmem_shared>>)
          } else {
          }
          %add3A_178 = arith.constant 4 : i32
          %add3A_179 = arith.addi %scan3A_58, %add3A_178 : i32
          %mul3A_180 = arith.constant 40 : i32
          %mul3A_181 = arith.muli %add3A_179, %mul3A_180 : i32
          %dma_start3A_182 = tpu.memref_slice %arg7[%mul3A_181] : memref<10000xi32, #tpu.memory_space<vmem>> -> memref<40xi32, #tpu.memory_space<vmem>>
          %dma_start3A_183 = arith.constant 0 : i32
          %dma_start3A_184 = arith.constant 0 : i32
          %dma_start3A_185 = tpu.memref_slice %arg2[%dma_start3A_183, %dma_start3A_184] : memref<20000x128xf32, #tpu.memory_space<hbm>> -> memref<20000x128xf32, #tpu.memory_space<hbm>>
          tpu.enqueue_indirect_dma source(%dma_start3A_185 : memref<20000x128xf32, #tpu.memory_space<hbm>>) target(%arg9 : memref<40x128xf32, #tpu.memory_space<vmem>>) offsets(%dma_start3A_182 : memref<40xi32, #tpu.memory_space<vmem>>) semaphore(%arg15 : memref<!tpu.dma_semaphore, #tpu.memory_space<semaphore_mem>>)
        } else {
        }
        %mul3A_162 = arith.constant 40 : i32
        %mul3A_163 = arith.muli %scan3A_58, %mul3A_162 : i32
        %dma_wait3A_164 = tpu.memref_slice %arg7[%mul3A_163] : memref<10000xi32, #tpu.memory_space<vmem>> -> memref<40xi32, #tpu.memory_space<vmem>>
        %dma_wait3A_165 = arith.constant 0 : i32
        %dma_wait3A_166 = arith.constant 0 : i32
        %dma_wait3A_167 = tpu.memref_slice %arg2[%dma_wait3A_165, %dma_wait3A_166] : memref<20000x128xf32, #tpu.memory_space<hbm>> -> memref<20000x128xf32, #tpu.memory_space<hbm>>
        tpu.wait_indirect_dma semaphore(%arg16 : memref<!tpu.dma_semaphore, #tpu.memory_space<semaphore_mem>>) src(%dma_wait3A_167 : memref<20000x128xf32, #tpu.memory_space<hbm>>) dst(%arg10 : memref<40x128xf32, #tpu.memory_space<vmem>>)
        %mul3A_168 = arith.constant 40 : i32
        %mul3A_169 = arith.muli %scan3A_58, %mul3A_168 : i32
        %dma_start3A_170 = tpu.memref_slice %arg8[%mul3A_169] : memref<10000xi32, #tpu.memory_space<vmem>> -> memref<40xi32, #tpu.memory_space<vmem>>
        %dma_start3A_171 = arith.constant 0 : i32
        %dma_start3A_172 = arith.constant 0 : i32
        %dma_start3A_173 = tpu.memref_slice %arg14[%dma_start3A_171, %dma_start3A_172] : memref<10240x128xf32, #tpu.memory_space<vmem_shared>> -> memref<10240x128xf32, #tpu.memory_space<vmem_shared>>
        tpu.enqueue_indirect_dma source(%arg10 : memref<40x128xf32, #tpu.memory_space<vmem>>) target(%dma_start3A_173 : memref<10240x128xf32, #tpu.memory_space<vmem_shared>>) offsets(%dma_start3A_170 : memref<40xi32, #tpu.memory_space<vmem>>) semaphore(%arg21 : memref<!tpu.dma_semaphore, #tpu.memory_space<semaphore_mem>>) {add = true}
      } else {
      }
      %jit3A_92 = arith.constant 5 : i32
      %eq3A_93 = arith.constant 0 : i32
      %eq3A_94 = arith.cmpi eq, %jit3A_92, %eq3A_93 : i32
      %jit3A_95 = arith.constant 1 : i32
      %select_n3A_96 = arith.select %eq3A_94, %jit3A_95, %jit3A_92 : i32
      %rem3A_97 = arith.remsi %scan3A_58, %select_n3A_96 : i32
      %ne3A_98 = arith.constant 0 : i32
      %ne3A_99 = arith.cmpi ne, %rem3A_97, %ne3A_98 : i32
      %lt3A_100 = arith.constant 0 : i32
      %lt3A_101 = arith.cmpi slt, %rem3A_97, %lt3A_100 : i32
      %lt3A_102 = arith.constant 0 : i32
      %lt3A_103 = arith.cmpi slt, %select_n3A_96, %lt3A_102 : i32
      %ne3A_104 = arith.xori %lt3A_101, %lt3A_103 : i1
      %and3A_105 = arith.andi %ne3A_104, %ne3A_99 : i1
      %add3A_106 = arith.addi %rem3A_97, %select_n3A_96 : i32
      %select_n3A_107 = arith.select %and3A_105, %add3A_106, %rem3A_97 : i32
      %eq3A_108 = arith.constant 2 : i32
      %eq3A_109 = arith.cmpi eq, %select_n3A_107, %eq3A_108 : i32
      %convert_element_type3A_110 = arith.extui %eq3A_109 : i1 to i32
      %cond3A_111 = arith.constant 0 : i32
      %cond3A_112 = arith.cmpi ne, %convert_element_type3A_110, %cond3A_111 : i32
      scf.if %cond3A_112 {
        %add3A_155 = arith.constant 4 : i32
        %add3A_156 = arith.addi %scan3A_58, %add3A_155 : i32
        %lt3A_157 = arith.constant 250 : i32
        %lt3A_158 = arith.cmpi slt, %add3A_156, %lt3A_157 : i32
        %convert_element_type3A_159 = arith.extui %lt3A_158 : i1 to i32
        %cond3A_160 = arith.constant 0 : i32
        %cond3A_161 = arith.cmpi ne, %convert_element_type3A_159, %cond3A_160 : i32
        scf.if %cond3A_161 {
          %ge3A = arith.constant 1 : i32
          %ge3A_174 = arith.cmpi sge, %scan3A_58, %ge3A : i32
          %convert_element_type3A_175 = arith.extui %ge3A_174 : i1 to i32
          %cond3A_176 = arith.constant 0 : i32
          %cond3A_177 = arith.cmpi ne, %convert_element_type3A_175, %cond3A_176 : i32
          scf.if %cond3A_177 {
            %sub3A = arith.constant 1 : i32
            %sub3A_186 = arith.subi %scan3A_58, %sub3A : i32
            %mul3A_187 = arith.constant 40 : i32
            %mul3A_188 = arith.muli %sub3A_186, %mul3A_187 : i32
            %dma_wait3A_189 = tpu.memref_slice %arg8[%mul3A_188] : memref<10000xi32, #tpu.memory_space<vmem>> -> memref<40xi32, #tpu.memory_space<vmem>>
            %dma_wait3A_190 = arith.constant 0 : i32
            %dma_wait3A_191 = arith.constant 0 : i32
            %dma_wait3A_192 = tpu.memref_slice %arg14[%dma_wait3A_190, %dma_wait3A_191] : memref<10240x128xf32, #tpu.memory_space<vmem_shared>> -> memref<10240x128xf32, #tpu.memory_space<vmem_shared>>
            tpu.wait_indirect_dma semaphore(%arg21 : memref<!tpu.dma_semaphore, #tpu.memory_space<semaphore_mem>>) src(%arg10 : memref<40x128xf32, #tpu.memory_space<vmem>>) dst(%dma_wait3A_192 : memref<10240x128xf32, #tpu.memory_space<vmem_shared>>)
          } else {
          }
          %add3A_178 = arith.constant 4 : i32
          %add3A_179 = arith.addi %scan3A_58, %add3A_178 : i32
          %mul3A_180 = arith.constant 40 : i32
          %mul3A_181 = arith.muli %add3A_179, %mul3A_180 : i32
          %dma_start3A_182 = tpu.memref_slice %arg7[%mul3A_181] : memref<10000xi32, #tpu.memory_space<vmem>> -> memref<40xi32, #tpu.memory_space<vmem>>
          %dma_start3A_183 = arith.constant 0 : i32
          %dma_start3A_184 = arith.constant 0 : i32
          %dma_start3A_185 = tpu.memref_slice %arg2[%dma_start3A_183, %dma_start3A_184] : memref<20000x128xf32, #tpu.memory_space<hbm>> -> memref<20000x128xf32, #tpu.memory_space<hbm>>
          tpu.enqueue_indirect_dma source(%dma_start3A_185 : memref<20000x128xf32, #tpu.memory_space<hbm>>) target(%arg10 : memref<40x128xf32, #tpu.memory_space<vmem>>) offsets(%dma_start3A_182 : memref<40xi32, #tpu.memory_space<vmem>>) semaphore(%arg16 : memref<!tpu.dma_semaphore, #tpu.memory_space<semaphore_mem>>)
        } else {
        }
        %mul3A_162 = arith.constant 40 : i32
        %mul3A_163 = arith.muli %scan3A_58, %mul3A_162 : i32
        %dma_wait3A_164 = tpu.memref_slice %arg7[%mul3A_163] : memref<10000xi32, #tpu.memory_space<vmem>> -> memref<40xi32, #tpu.memory_space<vmem>>
        %dma_wait3A_165 = arith.constant 0 : i32
        %dma_wait3A_166 = arith.constant 0 : i32
        %dma_wait3A_167 = tpu.memref_slice %arg2[%dma_wait3A_165, %dma_wait3A_166] : memref<20000x128xf32, #tpu.memory_space<hbm>> -> memref<20000x128xf32, #tpu.memory_space<hbm>>
        tpu.wait_indirect_dma semaphore(%arg17 : memref<!tpu.dma_semaphore, #tpu.memory_space<semaphore_mem>>) src(%dma_wait3A_167 : memref<20000x128xf32, #tpu.memory_space<hbm>>) dst(%arg11 : memref<40x128xf32, #tpu.memory_space<vmem>>)
        %mul3A_168 = arith.constant 40 : i32
        %mul3A_169 = arith.muli %scan3A_58, %mul3A_168 : i32
        %dma_start3A_170 = tpu.memref_slice %arg8[%mul3A_169] : memref<10000xi32, #tpu.memory_space<vmem>> -> memref<40xi32, #tpu.memory_space<vmem>>
        %dma_start3A_171 = arith.constant 0 : i32
        %dma_start3A_172 = arith.constant 0 : i32
        %dma_start3A_173 = tpu.memref_slice %arg14[%dma_start3A_171, %dma_start3A_172] : memref<10240x128xf32, #tpu.memory_space<vmem_shared>> -> memref<10240x128xf32, #tpu.memory_space<vmem_shared>>
        tpu.enqueue_indirect_dma source(%arg11 : memref<40x128xf32, #tpu.memory_space<vmem>>) target(%dma_start3A_173 : memref<10240x128xf32, #tpu.memory_space<vmem_shared>>) offsets(%dma_start3A_170 : memref<40xi32, #tpu.memory_space<vmem>>) semaphore(%arg22 : memref<!tpu.dma_semaphore, #tpu.memory_space<semaphore_mem>>) {add = true}
      } else {
      }
      %jit3A_113 = arith.constant 5 : i32
      %eq3A_114 = arith.constant 0 : i32
      %eq3A_115 = arith.cmpi eq, %jit3A_113, %eq3A_114 : i32
      %jit3A_116 = arith.constant 1 : i32
      %select_n3A_117 = arith.select %eq3A_115, %jit3A_116, %jit3A_113 : i32
      %rem3A_118 = arith.remsi %scan3A_58, %select_n3A_117 : i32
      %ne3A_119 = arith.constant 0 : i32
      %ne3A_120 = arith.cmpi ne, %rem3A_118, %ne3A_119 : i32
      %lt3A_121 = arith.constant 0 : i32
      %lt3A_122 = arith.cmpi slt, %rem3A_118, %lt3A_121 : i32
      %lt3A_123 = arith.constant 0 : i32
      %lt3A_124 = arith.cmpi slt, %select_n3A_117, %lt3A_123 : i32
      %ne3A_125 = arith.xori %lt3A_122, %lt3A_124 : i1
      %and3A_126 = arith.andi %ne3A_125, %ne3A_120 : i1
      %add3A_127 = arith.addi %rem3A_118, %select_n3A_117 : i32
      %select_n3A_128 = arith.select %and3A_126, %add3A_127, %rem3A_118 : i32
      %eq3A_129 = arith.constant 3 : i32
      %eq3A_130 = arith.cmpi eq, %select_n3A_128, %eq3A_129 : i32
      %convert_element_type3A_131 = arith.extui %eq3A_130 : i1 to i32
      %cond3A_132 = arith.constant 0 : i32
      %cond3A_133 = arith.cmpi ne, %convert_element_type3A_131, %cond3A_132 : i32
      scf.if %cond3A_133 {
        %add3A_155 = arith.constant 4 : i32
        %add3A_156 = arith.addi %scan3A_58, %add3A_155 : i32
        %lt3A_157 = arith.constant 250 : i32
        %lt3A_158 = arith.cmpi slt, %add3A_156, %lt3A_157 : i32
        %convert_element_type3A_159 = arith.extui %lt3A_158 : i1 to i32
        %cond3A_160 = arith.constant 0 : i32
        %cond3A_161 = arith.cmpi ne, %convert_element_type3A_159, %cond3A_160 : i32
        scf.if %cond3A_161 {
          %ge3A = arith.constant 1 : i32
          %ge3A_174 = arith.cmpi sge, %scan3A_58, %ge3A : i32
          %convert_element_type3A_175 = arith.extui %ge3A_174 : i1 to i32
          %cond3A_176 = arith.constant 0 : i32
          %cond3A_177 = arith.cmpi ne, %convert_element_type3A_175, %cond3A_176 : i32
          scf.if %cond3A_177 {
            %sub3A = arith.constant 1 : i32
            %sub3A_186 = arith.subi %scan3A_58, %sub3A : i32
            %mul3A_187 = arith.constant 40 : i32
            %mul3A_188 = arith.muli %sub3A_186, %mul3A_187 : i32
            %dma_wait3A_189 = tpu.memref_slice %arg8[%mul3A_188] : memref<10000xi32, #tpu.memory_space<vmem>> -> memref<40xi32, #tpu.memory_space<vmem>>
            %dma_wait3A_190 = arith.constant 0 : i32
            %dma_wait3A_191 = arith.constant 0 : i32
            %dma_wait3A_192 = tpu.memref_slice %arg14[%dma_wait3A_190, %dma_wait3A_191] : memref<10240x128xf32, #tpu.memory_space<vmem_shared>> -> memref<10240x128xf32, #tpu.memory_space<vmem_shared>>
            tpu.wait_indirect_dma semaphore(%arg22 : memref<!tpu.dma_semaphore, #tpu.memory_space<semaphore_mem>>) src(%arg11 : memref<40x128xf32, #tpu.memory_space<vmem>>) dst(%dma_wait3A_192 : memref<10240x128xf32, #tpu.memory_space<vmem_shared>>)
          } else {
          }
          %add3A_178 = arith.constant 4 : i32
          %add3A_179 = arith.addi %scan3A_58, %add3A_178 : i32
          %mul3A_180 = arith.constant 40 : i32
          %mul3A_181 = arith.muli %add3A_179, %mul3A_180 : i32
          %dma_start3A_182 = tpu.memref_slice %arg7[%mul3A_181] : memref<10000xi32, #tpu.memory_space<vmem>> -> memref<40xi32, #tpu.memory_space<vmem>>
          %dma_start3A_183 = arith.constant 0 : i32
          %dma_start3A_184 = arith.constant 0 : i32
          %dma_start3A_185 = tpu.memref_slice %arg2[%dma_start3A_183, %dma_start3A_184] : memref<20000x128xf32, #tpu.memory_space<hbm>> -> memref<20000x128xf32, #tpu.memory_space<hbm>>
          tpu.enqueue_indirect_dma source(%dma_start3A_185 : memref<20000x128xf32, #tpu.memory_space<hbm>>) target(%arg11 : memref<40x128xf32, #tpu.memory_space<vmem>>) offsets(%dma_start3A_182 : memref<40xi32, #tpu.memory_space<vmem>>) semaphore(%arg17 : memref<!tpu.dma_semaphore, #tpu.memory_space<semaphore_mem>>)
        } else {
        }
        %mul3A_162 = arith.constant 40 : i32
        %mul3A_163 = arith.muli %scan3A_58, %mul3A_162 : i32
        %dma_wait3A_164 = tpu.memref_slice %arg7[%mul3A_163] : memref<10000xi32, #tpu.memory_space<vmem>> -> memref<40xi32, #tpu.memory_space<vmem>>
        %dma_wait3A_165 = arith.constant 0 : i32
        %dma_wait3A_166 = arith.constant 0 : i32
        %dma_wait3A_167 = tpu.memref_slice %arg2[%dma_wait3A_165, %dma_wait3A_166] : memref<20000x128xf32, #tpu.memory_space<hbm>> -> memref<20000x128xf32, #tpu.memory_space<hbm>>
        tpu.wait_indirect_dma semaphore(%arg18 : memref<!tpu.dma_semaphore, #tpu.memory_space<semaphore_mem>>) src(%dma_wait3A_167 : memref<20000x128xf32, #tpu.memory_space<hbm>>) dst(%arg12 : memref<40x128xf32, #tpu.memory_space<vmem>>)
        %mul3A_168 = arith.constant 40 : i32
        %mul3A_169 = arith.muli %scan3A_58, %mul3A_168 : i32
        %dma_start3A_170 = tpu.memref_slice %arg8[%mul3A_169] : memref<10000xi32, #tpu.memory_space<vmem>> -> memref<40xi32, #tpu.memory_space<vmem>>
        %dma_start3A_171 = arith.constant 0 : i32
        %dma_start3A_172 = arith.constant 0 : i32
        %dma_start3A_173 = tpu.memref_slice %arg14[%dma_start3A_171, %dma_start3A_172] : memref<10240x128xf32, #tpu.memory_space<vmem_shared>> -> memref<10240x128xf32, #tpu.memory_space<vmem_shared>>
        tpu.enqueue_indirect_dma source(%arg12 : memref<40x128xf32, #tpu.memory_space<vmem>>) target(%dma_start3A_173 : memref<10240x128xf32, #tpu.memory_space<vmem_shared>>) offsets(%dma_start3A_170 : memref<40xi32, #tpu.memory_space<vmem>>) semaphore(%arg23 : memref<!tpu.dma_semaphore, #tpu.memory_space<semaphore_mem>>) {add = true}
      } else {
      }
      %jit3A_134 = arith.constant 5 : i32
      %eq3A_135 = arith.constant 0 : i32
      %eq3A_136 = arith.cmpi eq, %jit3A_134, %eq3A_135 : i32
      %jit3A_137 = arith.constant 1 : i32
      %select_n3A_138 = arith.select %eq3A_136, %jit3A_137, %jit3A_134 : i32
      %rem3A_139 = arith.remsi %scan3A_58, %select_n3A_138 : i32
      %ne3A_140 = arith.constant 0 : i32
      %ne3A_141 = arith.cmpi ne, %rem3A_139, %ne3A_140 : i32
      %lt3A_142 = arith.constant 0 : i32
      %lt3A_143 = arith.cmpi slt, %rem3A_139, %lt3A_142 : i32
      %lt3A_144 = arith.constant 0 : i32
      %lt3A_145 = arith.cmpi slt, %select_n3A_138, %lt3A_144 : i32
      %ne3A_146 = arith.xori %lt3A_143, %lt3A_145 : i1
      %and3A_147 = arith.andi %ne3A_146, %ne3A_141 : i1
      %add3A_148 = arith.addi %rem3A_139, %select_n3A_138 : i32
      %select_n3A_149 = arith.select %and3A_147, %add3A_148, %rem3A_139 : i32
      %eq3A_150 = arith.constant 4 : i32
      %eq3A_151 = arith.cmpi eq, %select_n3A_149, %eq3A_150 : i32
      %convert_element_type3A_152 = arith.extui %eq3A_151 : i1 to i32
      %cond3A_153 = arith.constant 0 : i32
      %cond3A_154 = arith.cmpi ne, %convert_element_type3A_152, %cond3A_153 : i32
      scf.if %cond3A_154 {
        %add3A_155 = arith.constant 4 : i32
        %add3A_156 = arith.addi %scan3A_58, %add3A_155 : i32
        %lt3A_157 = arith.constant 250 : i32
        %lt3A_158 = arith.cmpi slt, %add3A_156, %lt3A_157 : i32
        %convert_element_type3A_159 = arith.extui %lt3A_158 : i1 to i32
        %cond3A_160 = arith.constant 0 : i32
        %cond3A_161 = arith.cmpi ne, %convert_element_type3A_159, %cond3A_160 : i32
        scf.if %cond3A_161 {
          %ge3A = arith.constant 1 : i32
          %ge3A_174 = arith.cmpi sge, %scan3A_58, %ge3A : i32
          %convert_element_type3A_175 = arith.extui %ge3A_174 : i1 to i32
          %cond3A_176 = arith.constant 0 : i32
          %cond3A_177 = arith.cmpi ne, %convert_element_type3A_175, %cond3A_176 : i32
          scf.if %cond3A_177 {
            %sub3A = arith.constant 1 : i32
            %sub3A_186 = arith.subi %scan3A_58, %sub3A : i32
            %mul3A_187 = arith.constant 40 : i32
            %mul3A_188 = arith.muli %sub3A_186, %mul3A_187 : i32
            %dma_wait3A_189 = tpu.memref_slice %arg8[%mul3A_188] : memref<10000xi32, #tpu.memory_space<vmem>> -> memref<40xi32, #tpu.memory_space<vmem>>
            %dma_wait3A_190 = arith.constant 0 : i32
            %dma_wait3A_191 = arith.constant 0 : i32
            %dma_wait3A_192 = tpu.memref_slice %arg14[%dma_wait3A_190, %dma_wait3A_191] : memref<10240x128xf32, #tpu.memory_space<vmem_shared>> -> memref<10240x128xf32, #tpu.memory_space<vmem_shared>>
            tpu.wait_indirect_dma semaphore(%arg23 : memref<!tpu.dma_semaphore, #tpu.memory_space<semaphore_mem>>) src(%arg12 : memref<40x128xf32, #tpu.memory_space<vmem>>) dst(%dma_wait3A_192 : memref<10240x128xf32, #tpu.memory_space<vmem_shared>>)
          } else {
          }
          %add3A_178 = arith.constant 4 : i32
          %add3A_179 = arith.addi %scan3A_58, %add3A_178 : i32
          %mul3A_180 = arith.constant 40 : i32
          %mul3A_181 = arith.muli %add3A_179, %mul3A_180 : i32
          %dma_start3A_182 = tpu.memref_slice %arg7[%mul3A_181] : memref<10000xi32, #tpu.memory_space<vmem>> -> memref<40xi32, #tpu.memory_space<vmem>>
          %dma_start3A_183 = arith.constant 0 : i32
          %dma_start3A_184 = arith.constant 0 : i32
          %dma_start3A_185 = tpu.memref_slice %arg2[%dma_start3A_183, %dma_start3A_184] : memref<20000x128xf32, #tpu.memory_space<hbm>> -> memref<20000x128xf32, #tpu.memory_space<hbm>>
          tpu.enqueue_indirect_dma source(%dma_start3A_185 : memref<20000x128xf32, #tpu.memory_space<hbm>>) target(%arg12 : memref<40x128xf32, #tpu.memory_space<vmem>>) offsets(%dma_start3A_182 : memref<40xi32, #tpu.memory_space<vmem>>) semaphore(%arg18 : memref<!tpu.dma_semaphore, #tpu.memory_space<semaphore_mem>>)
        } else {
        }
        %mul3A_162 = arith.constant 40 : i32
        %mul3A_163 = arith.muli %scan3A_58, %mul3A_162 : i32
        %dma_wait3A_164 = tpu.memref_slice %arg7[%mul3A_163] : memref<10000xi32, #tpu.memory_space<vmem>> -> memref<40xi32, #tpu.memory_space<vmem>>
        %dma_wait3A_165 = arith.constant 0 : i32
        %dma_wait3A_166 = arith.constant 0 : i32
        %dma_wait3A_167 = tpu.memref_slice %arg2[%dma_wait3A_165, %dma_wait3A_166] : memref<20000x128xf32, #tpu.memory_space<hbm>> -> memref<20000x128xf32, #tpu.memory_space<hbm>>
        tpu.wait_indirect_dma semaphore(%arg19 : memref<!tpu.dma_semaphore, #tpu.memory_space<semaphore_mem>>) src(%dma_wait3A_167 : memref<20000x128xf32, #tpu.memory_space<hbm>>) dst(%arg13 : memref<40x128xf32, #tpu.memory_space<vmem>>)
        %mul3A_168 = arith.constant 40 : i32
        %mul3A_169 = arith.muli %scan3A_58, %mul3A_168 : i32
        %dma_start3A_170 = tpu.memref_slice %arg8[%mul3A_169] : memref<10000xi32, #tpu.memory_space<vmem>> -> memref<40xi32, #tpu.memory_space<vmem>>
        %dma_start3A_171 = arith.constant 0 : i32
        %dma_start3A_172 = arith.constant 0 : i32
        %dma_start3A_173 = tpu.memref_slice %arg14[%dma_start3A_171, %dma_start3A_172] : memref<10240x128xf32, #tpu.memory_space<vmem_shared>> -> memref<10240x128xf32, #tpu.memory_space<vmem_shared>>
        tpu.enqueue_indirect_dma source(%arg13 : memref<40x128xf32, #tpu.memory_space<vmem>>) target(%dma_start3A_173 : memref<10240x128xf32, #tpu.memory_space<vmem_shared>>) offsets(%dma_start3A_170 : memref<40xi32, #tpu.memory_space<vmem>>) semaphore(%arg24 : memref<!tpu.dma_semaphore, #tpu.memory_space<semaphore_mem>>) {add = true}
      } else {
      }
    }
    %scan3A_27 = arith.constant 250 : i32
    %dma_wait3A = arith.constant 9800 : i32
    %dma_wait3A_28 = tpu.memref_slice %arg8[%dma_wait3A] : memref<10000xi32, #tpu.memory_space<vmem>> -> memref<40xi32, #tpu.memory_space<vmem>>
    %dma_wait3A_29 = arith.constant 0 : i32
    %dma_wait3A_30 = arith.constant 0 : i32
    %dma_wait3A_31 = tpu.memref_slice %arg14[%dma_wait3A_29, %dma_wait3A_30] : memref<10240x128xf32, #tpu.memory_space<vmem_shared>> -> memref<10240x128xf32, #tpu.memory_space<vmem_shared>>
    tpu.wait_indirect_dma semaphore(%arg20 : memref<!tpu.dma_semaphore, #tpu.memory_space<semaphore_mem>>) src(%arg9 : memref<40x128xf32, #tpu.memory_space<vmem>>) dst(%dma_wait3A_31 : memref<10240x128xf32, #tpu.memory_space<vmem_shared>>)
    %dma_wait3A_32 = arith.constant 9840 : i32
    %dma_wait3A_33 = tpu.memref_slice %arg8[%dma_wait3A_32] : memref<10000xi32, #tpu.memory_space<vmem>> -> memref<40xi32, #tpu.memory_space<vmem>>
    %dma_wait3A_34 = arith.constant 0 : i32
    %dma_wait3A_35 = arith.constant 0 : i32
    %dma_wait3A_36 = tpu.memref_slice %arg14[%dma_wait3A_34, %dma_wait3A_35] : memref<10240x128xf32, #tpu.memory_space<vmem_shared>> -> memref<10240x128xf32, #tpu.memory_space<vmem_shared>>
    tpu.wait_indirect_dma semaphore(%arg21 : memref<!tpu.dma_semaphore, #tpu.memory_space<semaphore_mem>>) src(%arg10 : memref<40x128xf32, #tpu.memory_space<vmem>>) dst(%dma_wait3A_36 : memref<10240x128xf32, #tpu.memory_space<vmem_shared>>)
    %dma_wait3A_37 = arith.constant 9880 : i32
    %dma_wait3A_38 = tpu.memref_slice %arg8[%dma_wait3A_37] : memref<10000xi32, #tpu.memory_space<vmem>> -> memref<40xi32, #tpu.memory_space<vmem>>
    %dma_wait3A_39 = arith.constant 0 : i32
    %dma_wait3A_40 = arith.constant 0 : i32
    %dma_wait3A_41 = tpu.memref_slice %arg14[%dma_wait3A_39, %dma_wait3A_40] : memref<10240x128xf32, #tpu.memory_space<vmem_shared>> -> memref<10240x128xf32, #tpu.memory_space<vmem_shared>>
    tpu.wait_indirect_dma semaphore(%arg22 : memref<!tpu.dma_semaphore, #tpu.memory_space<semaphore_mem>>) src(%arg11 : memref<40x128xf32, #tpu.memory_space<vmem>>) dst(%dma_wait3A_41 : memref<10240x128xf32, #tpu.memory_space<vmem_shared>>)
    %dma_wait3A_42 = arith.constant 9920 : i32
    %dma_wait3A_43 = tpu.memref_slice %arg8[%dma_wait3A_42] : memref<10000xi32, #tpu.memory_space<vmem>> -> memref<40xi32, #tpu.memory_space<vmem>>
    %dma_wait3A_44 = arith.constant 0 : i32
    %dma_wait3A_45 = arith.constant 0 : i32
    %dma_wait3A_46 = tpu.memref_slice %arg14[%dma_wait3A_44, %dma_wait3A_45] : memref<10240x128xf32, #tpu.memory_space<vmem_shared>> -> memref<10240x128xf32, #tpu.memory_space<vmem_shared>>
    tpu.wait_indirect_dma semaphore(%arg23 : memref<!tpu.dma_semaphore, #tpu.memory_space<semaphore_mem>>) src(%arg12 : memref<40x128xf32, #tpu.memory_space<vmem>>) dst(%dma_wait3A_46 : memref<10240x128xf32, #tpu.memory_space<vmem_shared>>)
    %dma_wait3A_47 = arith.constant 9960 : i32
    %dma_wait3A_48 = tpu.memref_slice %arg8[%dma_wait3A_47] : memref<10000xi32, #tpu.memory_space<vmem>> -> memref<40xi32, #tpu.memory_space<vmem>>
    %dma_wait3A_49 = arith.constant 0 : i32
    %dma_wait3A_50 = arith.constant 0 : i32
    %dma_wait3A_51 = tpu.memref_slice %arg14[%dma_wait3A_49, %dma_wait3A_50] : memref<10240x128xf32, #tpu.memory_space<vmem_shared>> -> memref<10240x128xf32, #tpu.memory_space<vmem_shared>>
    tpu.wait_indirect_dma semaphore(%arg24 : memref<!tpu.dma_semaphore, #tpu.memory_space<semaphore_mem>>) src(%arg13 : memref<40x128xf32, #tpu.memory_space<vmem>>) dst(%dma_wait3A_51 : memref<10240x128xf32, #tpu.memory_space<vmem_shared>>)
    %barrier3A_52 = arith.constant 0 : index
    tpu.barrier barrier_id(%barrier3A_52)
    %mul3A_53 = arith.constant 640 : i32
    %mul3A_54 = arith.muli %arg1, %mul3A_53 : i32
    %mul3A_55 = arith.constant 640 : i32
    %mul3A_56 = arith.muli %arg1, %mul3A_55 : i32
    %run_scoped3A = arith.constant 0 : i32
    "tpu.region"() ({
      %run_scoped3A_58 = tpu.sem_alloc : memref<!tpu.dma_semaphore, #tpu.memory_space<semaphore_mem>>
      %dma_start3A_59 = arith.constant 0 : i32
      %dma_start3A_60 = tpu.memref_slice %arg6[%arg0, %run_scoped3A, %mul3A_56, %dma_start3A_59] : memref<2x1x10240x128xf32, #tpu.memory_space<hbm>> -> memref<1x1x640x128xf32, #tpu.memory_space<hbm>>
      %dma_start3A_61 = tpu.memref_squeeze %dma_start3A_60 : memref<1x1x640x128xf32, #tpu.memory_space<hbm>> -> memref<640x128xf32, #tpu.memory_space<hbm>>
      %dma_start3A_62 = arith.constant 0 : i32
      %dma_start3A_63 = tpu.memref_slice %arg14[%mul3A_54, %dma_start3A_62] : memref<10240x128xf32, #tpu.memory_space<vmem_shared>> -> memref<640x128xf32, #tpu.memory_space<vmem_shared>>
      tpu.enqueue_dma source(%dma_start3A_63 : memref<640x128xf32, #tpu.memory_space<vmem_shared>>) target(%dma_start3A_61 : memref<640x128xf32, #tpu.memory_space<hbm>>) target_semaphore(%run_scoped3A_58 : memref<!tpu.dma_semaphore, #tpu.memory_space<semaphore_mem>>)
      %dma_wait3A_64 = arith.constant 0 : i32
      %dma_wait3A_65 = tpu.memref_slice %arg6[%arg0, %run_scoped3A, %mul3A_56, %dma_wait3A_64] : memref<2x1x10240x128xf32, #tpu.memory_space<hbm>> -> memref<1x1x640x128xf32, #tpu.memory_space<hbm>>
      %dma_wait3A_66 = tpu.memref_squeeze %dma_wait3A_65 : memref<1x1x640x128xf32, #tpu.memory_space<hbm>> -> memref<640x128xf32, #tpu.memory_space<hbm>>
      %dma_wait3A_67 = arith.constant 0 : i32
      %dma_wait3A_68 = tpu.memref_slice %arg14[%mul3A_54, %dma_wait3A_67] : memref<10240x128xf32, #tpu.memory_space<vmem_shared>> -> memref<640x128xf32, #tpu.memory_space<vmem_shared>>
      tpu.wait_dma2 semaphore(%run_scoped3A_58 : memref<!tpu.dma_semaphore, #tpu.memory_space<semaphore_mem>>) src(%dma_wait3A_68 : memref<640x128xf32, #tpu.memory_space<vmem_shared>>) dst(%dma_wait3A_66 : memref<640x128xf32, #tpu.memory_space<hbm>>)
      tpu.yield
    }) : () -> ()
    %barrier3A_57 = arith.constant 0 : index
    tpu.barrier barrier_id(%barrier3A_57)
    return
  }
}

module attributes {stable_mosaic.version = 14 : i64} {
  func.func @_mm1_body(%arg0: i32, %arg1: i32, %arg2: memref<1000x256xf32, #tpu.memory_space<vmem>>, %arg3: memref<256x128xf32, #tpu.memory_space<vmem>>, %arg4: memref<1x1000x128xf32, #tpu.memory_space<vmem>>) attributes {dimension_semantics = [#tpu.dimension_semantics<arbitrary>, #tpu.dimension_semantics<arbitrary>], iteration_bounds = array<i64: 10, 4>, scalar_prefetch = 0 : i64, scratch_operands = 0 : i64, tpu.core_type = #tpu.core_type<tc>, window_params = [{transform_indices = @transform_0, window_bounds = array<i64: 1000, 256>}, {transform_indices = @transform_1, window_bounds = array<i64: 256, 128>}, {transform_indices = @transform_2, window_bounds = array<i64: 1, 1000, 128>}]} {
    %get3A = arith.constant 0 : index
    %get3A_0 = arith.constant 0 : index
    %get3A_1 = vector.load %arg2[%get3A, %get3A_0] : memref<1000x256xf32, #tpu.memory_space<vmem>>, vector<1000x256xf32>
    %get3A_2 = arith.constant 0 : index
    %get3A_3 = arith.constant 0 : index
    %get3A_4 = vector.load %arg3[%get3A_2, %get3A_3] : memref<256x128xf32, #tpu.memory_space<vmem>>, vector<256x128xf32>
    %dot_general3A = arith.constant dense<0.000000e+00> : vector<1000x128xf32>
    %dot_general3A_5 = tpu.matmul %get3A_1, %get3A_4, %dot_general3A {dimension_numbers = #tpu.dot_dimension_numbers<[1], [0], [0], [1], [0, 0, 1, 1], [], []>, transpose_lhs_hint = false} : vector<1000x256xf32>, vector<256x128xf32>, vector<1000x128xf32> -> vector<1000x128xf32>
    %swap3A = arith.constant 0 : index
    %swap3A_6 = arith.constant 0 : index
    %swap3A_7 = arith.constant 0 : index
    %swap3A_8 = vector.load %arg4[%swap3A, %swap3A_6, %swap3A_7] : memref<1x1000x128xf32, #tpu.memory_space<vmem>>, vector<1x1000x128xf32>
    %swap3A_9 = vector.shape_cast %swap3A_8 : vector<1x1000x128xf32> to vector<1000x128xf32>
    %swap3A_10 = vector.shape_cast %dot_general3A_5 : vector<1000x128xf32> to vector<1x1000x128xf32>
    tpu.vector_store %arg4[%swap3A, %swap3A_6, %swap3A_7], %swap3A_10 {strides = array<i32>} : memref<1x1000x128xf32, #tpu.memory_space<vmem>>, vector<1x1000x128xf32>,
    return
  }
  func.func @transform_0(%arg0: i32, %arg1: i32) -> (i32, i32) {
    %c0_i32 = arith.constant 0 : i32
    %c0_i32_0 = arith.constant 0 : i32
    return %arg0, %c0_i32 : i32, i32
  }
  func.func @transform_1(%arg0: i32, %arg1: i32) -> (i32, i32) {
    %c0_i32 = arith.constant 0 : i32
    %c0_i32_0 = arith.constant 0 : i32
    return %c0_i32, %arg1 : i32, i32
  }
  func.func @transform_2(%arg0: i32, %arg1: i32) -> (i32, i32, i32) {
    %c0_i32 = arith.constant 0 : i32
    %c0_i32_0 = arith.constant 0 : i32
    return %arg1, %arg0, %c0_i32 : i32, i32, i32
  }
}

module attributes {stable_mosaic.version = 14 : i64} {
  func.func @_scale_body(%arg0: i32, %arg1: i32, %arg2: memref<1x1000x128xf32, #tpu.memory_space<vmem>>, %arg3: memref<1000x1xf32, #tpu.memory_space<vmem>>, %arg4: memref<1x1000x128xf32, #tpu.memory_space<vmem>>) attributes {dimension_semantics = [#tpu.dimension_semantics<arbitrary>, #tpu.dimension_semantics<arbitrary>], iteration_bounds = array<i64: 10, 4>, scalar_prefetch = 0 : i64, scratch_operands = 0 : i64, tpu.core_type = #tpu.core_type<tc>, window_params = [{transform_indices = @transform_0, window_bounds = array<i64: 1, 1000, 128>}, {transform_indices = @transform_1, window_bounds = array<i64: 1000, 1>}, {transform_indices = @transform_2, window_bounds = array<i64: 1, 1000, 128>}]} {
    %get3A = arith.constant 0 : index
    %get3A_0 = arith.constant 0 : index
    %get3A_1 = arith.constant 0 : index
    %get3A_2 = vector.load %arg2[%get3A, %get3A_0, %get3A_1] : memref<1x1000x128xf32, #tpu.memory_space<vmem>>, vector<1x1000x128xf32>
    %get3A_3 = vector.shape_cast %get3A_2 : vector<1x1000x128xf32> to vector<1000x128xf32>
    %get3A_4 = arith.constant 0 : index
    %get3A_5 = arith.constant 0 : index
    %get3A_6 = vector.load %arg3[%get3A_4, %get3A_5] : memref<1000x1xf32, #tpu.memory_space<vmem>>, vector<1000x1xf32>
    %mul3A = vector.broadcast %get3A_6 : vector<1000x1xf32> to vector<1000x128xf32>
    %mul3A_7 = arith.mulf %get3A_3, %mul3A : vector<1000x128xf32>
    %swap3A = arith.constant 0 : index
    %swap3A_8 = arith.constant 0 : index
    %swap3A_9 = arith.constant 0 : index
    %swap3A_10 = vector.load %arg4[%swap3A, %swap3A_8, %swap3A_9] : memref<1x1000x128xf32, #tpu.memory_space<vmem>>, vector<1x1000x128xf32>
    %swap3A_11 = vector.shape_cast %swap3A_10 : vector<1x1000x128xf32> to vector<1000x128xf32>
    %swap3A_12 = vector.shape_cast %mul3A_7 : vector<1000x128xf32> to vector<1x1000x128xf32>
    tpu.vector_store %arg4[%swap3A, %swap3A_8, %swap3A_9], %swap3A_12 {strides = array<i32>} : memref<1x1000x128xf32, #tpu.memory_space<vmem>>, vector<1x1000x128xf32>,
    return
  }
  func.func @transform_0(%arg0: i32, %arg1: i32) -> (i32, i32, i32) {
    %c0_i32 = arith.constant 0 : i32
    %c0_i32_0 = arith.constant 0 : i32
    return %arg1, %arg0, %c0_i32 : i32, i32, i32
  }
  func.func @transform_1(%arg0: i32, %arg1: i32) -> (i32, i32) {
    %c0_i32 = arith.constant 0 : i32
    %c0_i32_0 = arith.constant 0 : i32
    return %arg0, %c0_i32 : i32, i32
  }
  func.func @transform_2(%arg0: i32, %arg1: i32) -> (i32, i32, i32) {
    %c0_i32 = arith.constant 0 : i32
    %c0_i32_0 = arith.constant 0 : i32
    return %arg1, %arg0, %c0_i32 : i32, i32, i32
  }
}

module attributes {stable_mosaic.version = 14 : i64} {
  func.func @_mm2_body(%arg0: i32, %arg1: i32, %arg2: i32, %arg3: memref<1x1000x128xf32, #tpu.memory_space<vmem>>, %arg4: memref<1x1000x128xf32, #tpu.memory_space<vmem>>, %arg5: memref<1000x1xf32, #tpu.memory_space<vmem>>, %arg6: memref<128xf32, #tpu.memory_space<vmem>>, %arg7: memref<128x128xf32, #tpu.memory_space<vmem>>, %arg8: memref<1x1000x128xf32, #tpu.memory_space<vmem>>) attributes {dimension_semantics = [#tpu.dimension_semantics<arbitrary>, #tpu.dimension_semantics<arbitrary>, #tpu.dimension_semantics<arbitrary>], iteration_bounds = array<i64: 10, 2, 4>, scalar_prefetch = 0 : i64, scratch_operands = 0 : i64, tpu.core_type = #tpu.core_type<tc>, window_params = [{transform_indices = @transform_0, window_bounds = array<i64: 1, 1000, 128>}, {transform_indices = @transform_1, window_bounds = array<i64: 1, 1000, 128>}, {transform_indices = @transform_2, window_bounds = array<i64: 1000, 1>}, {transform_indices = @transform_3, window_bounds = array<i64: 128>}, {transform_indices = @transform_4, window_bounds = array<i64: 128, 128>}, {transform_indices = @transform_5, window_bounds = array<i64: 1, 1000, 128>}]} {
    %get3A = arith.constant 0 : index
    %get3A_0 = arith.constant 0 : index
    %get3A_1 = arith.constant 0 : index
    %get3A_2 = vector.load %arg3[%get3A, %get3A_0, %get3A_1] : memref<1x1000x128xf32, #tpu.memory_space<vmem>>, vector<1x1000x128xf32>
    %get3A_3 = vector.shape_cast %get3A_2 : vector<1x1000x128xf32> to vector<1000x128xf32>
    %get3A_4 = arith.constant 0 : index
    %get3A_5 = arith.constant 0 : index
    %get3A_6 = arith.constant 0 : index
    %get3A_7 = vector.load %arg4[%get3A_4, %get3A_5, %get3A_6] : memref<1x1000x128xf32, #tpu.memory_space<vmem>>, vector<1x1000x128xf32>
    %get3A_8 = vector.shape_cast %get3A_7 : vector<1x1000x128xf32> to vector<1000x128xf32>
    %add3A = arith.addf %get3A_3, %get3A_8 : vector<1000x128xf32>
    %get3A_9 = arith.constant 0 : index
    %get3A_10 = arith.constant 0 : index
    %get3A_11 = vector.load %arg5[%get3A_9, %get3A_10] : memref<1000x1xf32, #tpu.memory_space<vmem>>, vector<1000x1xf32>
    %mul3A = vector.broadcast %get3A_11 : vector<1000x1xf32> to vector<1000x128xf32>
    %mul3A_12 = arith.mulf %add3A, %mul3A : vector<1000x128xf32>
    %get3A_13 = arith.constant 0 : index
    %get3A_14 = vector.load %arg6[%get3A_13] : memref<128xf32, #tpu.memory_space<vmem>>, vector<128xf32>
    %broadcast_in_dim3A = vector.shape_cast %get3A_14 : vector<128xf32> to vector<1x128xf32>
    %add3A_15 = vector.broadcast %broadcast_in_dim3A : vector<1x128xf32> to vector<1000x128xf32>
    %add3A_16 = arith.addf %mul3A_12, %add3A_15 : vector<1000x128xf32>
    %get3A_17 = arith.constant 0 : index
    %get3A_18 = arith.constant 0 : index
    %get3A_19 = vector.load %arg7[%get3A_17, %get3A_18] : memref<128x128xf32, #tpu.memory_space<vmem>>, vector<128x128xf32>
    %dot_general3A = arith.constant dense<0.000000e+00> : vector<1000x128xf32>
    %dot_general3A_20 = tpu.matmul %add3A_16, %get3A_19, %dot_general3A {dimension_numbers = #tpu.dot_dimension_numbers<[1], [0], [0], [1], [0, 0, 1, 1], [], []>, transpose_lhs_hint = false} : vector<1000x128xf32>, vector<128x128xf32>, vector<1000x128xf32> -> vector<1000x128xf32>
    %eq3A = arith.constant 0 : i32
    %eq3A_21 = arith.cmpi eq, %arg2, %eq3A : i32
    %convert_element_type3A = arith.extui %eq3A_21 : i1 to i32
    %cond3A = arith.constant 0 : i32
    %cond3A_22 = arith.cmpi ne, %convert_element_type3A, %cond3A : i32
    scf.if %cond3A_22 {
      %swap3A = arith.constant 0 : index
      %swap3A_32 = arith.constant 0 : index
      %swap3A_33 = arith.constant 0 : index
      %swap3A_34 = vector.load %arg8[%swap3A, %swap3A_32, %swap3A_33] : memref<1x1000x128xf32, #tpu.memory_space<vmem>>, vector<1x1000x128xf32>
      %swap3A_35 = vector.shape_cast %swap3A_34 : vector<1x1000x128xf32> to vector<1000x128xf32>
      %swap3A_36 = vector.shape_cast %dot_general3A_20 : vector<1000x128xf32> to vector<1x1000x128xf32>
      tpu.vector_store %arg8[%swap3A, %swap3A_32, %swap3A_33], %swap3A_36 {strides = array<i32>} : memref<1x1000x128xf32, #tpu.memory_space<vmem>>, vector<1x1000x128xf32>,
    } else {
    }
    %gt3A = arith.constant 0 : i32
    %gt3A_23 = arith.cmpi sgt, %arg2, %gt3A : i32
    %convert_element_type3A_24 = arith.extui %gt3A_23 : i1 to i32
    %cond3A_25 = arith.constant 0 : i32
    %cond3A_26 = arith.cmpi ne, %convert_element_type3A_24, %cond3A_25 : i32
    scf.if %cond3A_26 {
      %get3A_32 = arith.constant 0 : index
      %get3A_33 = arith.constant 0 : index
      %get3A_34 = arith.constant 0 : index
      %get3A_35 = vector.load %arg8[%get3A_32, %get3A_33, %get3A_34] : memref<1x1000x128xf32, #tpu.memory_space<vmem>>, vector<1x1000x128xf32>
      %get3A_36 = vector.shape_cast %get3A_35 : vector<1x1000x128xf32> to vector<1000x128xf32>
      %add3A_37 = arith.addf %get3A_36, %dot_general3A_20 : vector<1000x128xf32>
      %swap3A = arith.constant 0 : index
      %swap3A_38 = arith.constant 0 : index
      %swap3A_39 = arith.constant 0 : index
      %swap3A_40 = vector.load %arg8[%swap3A, %swap3A_38, %swap3A_39] : memref<1x1000x128xf32, #tpu.memory_space<vmem>>, vector<1x1000x128xf32>
      %swap3A_41 = vector.shape_cast %swap3A_40 : vector<1x1000x128xf32> to vector<1000x128xf32>
      %swap3A_42 = vector.shape_cast %add3A_37 : vector<1000x128xf32> to vector<1x1000x128xf32>
      tpu.vector_store %arg8[%swap3A, %swap3A_38, %swap3A_39], %swap3A_42 {strides = array<i32>} : memref<1x1000x128xf32, #tpu.memory_space<vmem>>, vector<1x1000x128xf32>,
    } else {
    }
    %eq3A_27 = arith.constant 3 : i32
    %eq3A_28 = arith.cmpi eq, %arg2, %eq3A_27 : i32
    %convert_element_type3A_29 = arith.extui %eq3A_28 : i1 to i32
    %cond3A_30 = arith.constant 0 : i32
    %cond3A_31 = arith.cmpi ne, %convert_element_type3A_29, %cond3A_30 : i32
    scf.if %cond3A_31 {
      %get3A_32 = arith.constant 0 : index
      %get3A_33 = arith.constant 0 : index
      %get3A_34 = arith.constant 0 : index
      %get3A_35 = vector.load %arg8[%get3A_32, %get3A_33, %get3A_34] : memref<1x1000x128xf32, #tpu.memory_space<vmem>>, vector<1x1000x128xf32>
      %get3A_36 = vector.shape_cast %get3A_35 : vector<1x1000x128xf32> to vector<1000x128xf32>
      %get3A_37 = arith.constant 0 : index
      %get3A_38 = arith.constant 0 : index
      %get3A_39 = vector.load %arg5[%get3A_37, %get3A_38] : memref<1000x1xf32, #tpu.memory_space<vmem>>, vector<1000x1xf32>
      %mul3A_40 = vector.broadcast %get3A_39 : vector<1000x1xf32> to vector<1000x128xf32>
      %mul3A_41 = arith.mulf %get3A_36, %mul3A_40 : vector<1000x128xf32>
      %swap3A = arith.constant 0 : index
      %swap3A_42 = arith.constant 0 : index
      %swap3A_43 = arith.constant 0 : index
      %swap3A_44 = vector.load %arg8[%swap3A, %swap3A_42, %swap3A_43] : memref<1x1000x128xf32, #tpu.memory_space<vmem>>, vector<1x1000x128xf32>
      %swap3A_45 = vector.shape_cast %swap3A_44 : vector<1x1000x128xf32> to vector<1000x128xf32>
      %swap3A_46 = vector.shape_cast %mul3A_41 : vector<1000x128xf32> to vector<1x1000x128xf32>
      tpu.vector_store %arg8[%swap3A, %swap3A_42, %swap3A_43], %swap3A_46 {strides = array<i32>} : memref<1x1000x128xf32, #tpu.memory_space<vmem>>, vector<1x1000x128xf32>,
    } else {
    }
    return
  }
  func.func @transform_0(%arg0: i32, %arg1: i32, %arg2: i32) -> (i32, i32, i32) {
    %c0_i32 = arith.constant 0 : i32
    %c0_i32_0 = arith.constant 0 : i32
    return %arg2, %arg0, %c0_i32 : i32, i32, i32
  }
  func.func @transform_1(%arg0: i32, %arg1: i32, %arg2: i32) -> (i32, i32, i32) {
    %c0_i32 = arith.constant 0 : i32
    %c0_i32_0 = arith.constant 0 : i32
    return %arg2, %arg0, %c0_i32 : i32, i32, i32
  }
  func.func @transform_2(%arg0: i32, %arg1: i32, %arg2: i32) -> (i32, i32) {
    %c0_i32 = arith.constant 0 : i32
    %c0_i32_0 = arith.constant 0 : i32
    return %arg0, %c0_i32 : i32, i32
  }
  func.func @transform_3(%arg0: i32, %arg1: i32, %arg2: i32) -> i32 {
    %c0_i32 = arith.constant 0 : i32
    return %arg2 : i32
  }
  func.func @transform_4(%arg0: i32, %arg1: i32, %arg2: i32) -> (i32, i32) {
    %c0_i32 = arith.constant 0 : i32
    return %arg2, %arg1 : i32, i32
  }
  func.func @transform_5(%arg0: i32, %arg1: i32, %arg2: i32) -> (i32, i32, i32) {
    %c0_i32 = arith.constant 0 : i32
    %c0_i32_0 = arith.constant 0 : i32
    return %arg1, %arg0, %c0_i32 : i32, i32, i32
  }
}

module attributes {stable_mosaic.version = 14 : i64} {
  func.func @_fin_body(%arg0: i32, %arg1: i32, %arg2: memref<1x1000x128xf32, #tpu.memory_space<vmem>>, %arg3: memref<1x1000x128xf32, #tpu.memory_space<vmem>>, %arg4: memref<1000x1xf32, #tpu.memory_space<vmem>>, %arg5: memref<128xf32, #tpu.memory_space<vmem>>, %arg6: memref<1000x128xf32, #tpu.memory_space<vmem>>) attributes {dimension_semantics = [#tpu.dimension_semantics<arbitrary>, #tpu.dimension_semantics<arbitrary>], iteration_bounds = array<i64: 10, 2>, scalar_prefetch = 0 : i64, scratch_operands = 0 : i64, tpu.core_type = #tpu.core_type<tc>, window_params = [{transform_indices = @transform_0, window_bounds = array<i64: 1, 1000, 128>}, {transform_indices = @transform_1, window_bounds = array<i64: 1, 1000, 128>}, {transform_indices = @transform_2, window_bounds = array<i64: 1000, 1>}, {transform_indices = @transform_3, window_bounds = array<i64: 128>}, {transform_indices = @transform_4, window_bounds = array<i64: 1000, 128>}]} {
    %get3A = arith.constant 0 : index
    %get3A_0 = arith.constant 0 : index
    %get3A_1 = arith.constant 0 : index
    %get3A_2 = vector.load %arg2[%get3A, %get3A_0, %get3A_1] : memref<1x1000x128xf32, #tpu.memory_space<vmem>>, vector<1x1000x128xf32>
    %get3A_3 = vector.shape_cast %get3A_2 : vector<1x1000x128xf32> to vector<1000x128xf32>
    %get3A_4 = arith.constant 0 : index
    %get3A_5 = arith.constant 0 : index
    %get3A_6 = arith.constant 0 : index
    %get3A_7 = vector.load %arg3[%get3A_4, %get3A_5, %get3A_6] : memref<1x1000x128xf32, #tpu.memory_space<vmem>>, vector<1x1000x128xf32>
    %get3A_8 = vector.shape_cast %get3A_7 : vector<1x1000x128xf32> to vector<1000x128xf32>
    %add3A = arith.addf %get3A_3, %get3A_8 : vector<1000x128xf32>
    %get3A_9 = arith.constant 0 : index
    %get3A_10 = arith.constant 0 : index
    %get3A_11 = vector.load %arg4[%get3A_9, %get3A_10] : memref<1000x1xf32, #tpu.memory_space<vmem>>, vector<1000x1xf32>
    %mul3A = vector.broadcast %get3A_11 : vector<1000x1xf32> to vector<1000x128xf32>
    %mul3A_12 = arith.mulf %add3A, %mul3A : vector<1000x128xf32>
    %get3A_13 = arith.constant 0 : index
    %get3A_14 = vector.load %arg5[%get3A_13] : memref<128xf32, #tpu.memory_space<vmem>>, vector<128xf32>
    %broadcast_in_dim3A = vector.shape_cast %get3A_14 : vector<128xf32> to vector<1x128xf32>
    %add3A_15 = vector.broadcast %broadcast_in_dim3A : vector<1x128xf32> to vector<1000x128xf32>
    %add3A_16 = arith.addf %mul3A_12, %add3A_15 : vector<1000x128xf32>
    %swap3A = arith.constant 0 : index
    %swap3A_17 = arith.constant 0 : index
    %swap3A_18 = vector.load %arg6[%swap3A, %swap3A_17] : memref<1000x128xf32, #tpu.memory_space<vmem>>, vector<1000x128xf32>
    tpu.vector_store %arg6[%swap3A, %swap3A_17], %add3A_16 {strides = array<i32>} : memref<1000x128xf32, #tpu.memory_space<vmem>>, vector<1000x128xf32>,
    return
  }
  func.func @transform_0(%arg0: i32, %arg1: i32) -> (i32, i32, i32) {
    %c0_i32 = arith.constant 0 : i32
    %c0_i32_0 = arith.constant 0 : i32
    return %arg1, %arg0, %c0_i32 : i32, i32, i32
  }
  func.func @transform_1(%arg0: i32, %arg1: i32) -> (i32, i32, i32) {
    %c0_i32 = arith.constant 0 : i32
    %c0_i32_0 = arith.constant 0 : i32
    return %arg1, %arg0, %c0_i32 : i32, i32, i32
  }
  func.func @transform_2(%arg0: i32, %arg1: i32) -> (i32, i32) {
    %c0_i32 = arith.constant 0 : i32
    %c0_i32_0 = arith.constant 0 : i32
    return %arg0, %c0_i32 : i32, i32
  }
  func.func @transform_3(%arg0: i32, %arg1: i32) -> i32 {
    %c0_i32 = arith.constant 0 : i32
    return %arg1 : i32
  }
  func.func @transform_4(%arg0: i32, %arg1: i32) -> (i32, i32) {
    %c0_i32 = arith.constant 0 : i32
    return %arg0, %arg1 : i32, i32
  }
}

</mosaic_0001>

<sc_bundles>
// kernel: kernel.12.cloned.1.call-start
scs
__scs_entry_jumppad:
0x0: {  	(pc) =	sbr.rel $0x88, $3  }
0x1: {  	(tag) =	ssettag $0x0;
	lr =	simm.s32 $0x1  }
0x2: {  	[smem:$0x3F9B] =	sst lr;
	_ =	strace $0xD0000000  }
0x3: {  	_ = 	snop  }
0x4: {  	_ = 	snop  }
0x5: {  	_ = 	snop  }
0x6: {  	_ = 	snop  }
0x7: {  	_ = 	snop  }
__scs_overlays_trampoline_lowered:
0x8: {  	[smem:$0x3FAA] =	sst s0  }
0x9: {  	[smem:$0x3FAB] =	sst s1  }
0xa: {  	[smem:$0x3FAC] =	sst s2  }
0xb: {  	[smem:$0x3FAD] =	sst s3  }
0xc: {  	[smem:$0x3FAE] =	sst s4  }
0xd: {  	[smem:$0x3FAF] =	sst s5  }
0xe: {  	[smem:$0x3FB0] =	sst s6  }
0xf: {  	[smem:$0x3FB1] =	sst s7  }
0x10: {  	[smem:$0x3FB2] =	sst s8  }
0x11: {  	[smem:$0x3FB3] =	sst s9;
	s0 =	simm.s32 @!p0 $0x0  }
0x12: {  	s1 =	sld [smem:$0x3F99];
	s0 =	simm.s32 @p0 $0x1  }
0x13: {  	[smem:$0x3FB4] =	sst s0;
	s0 =	simm.s32 @!p1 $0x0  }
0x14: {  	s2 =	sld [smem:$0x3F98];
	s0 =	simm.s32 @p1 $0x1  }
0x15: {  	[smem:$0x3FB5] =	sst s0;
	s0 =	simm.s32 @!p2 $0x0  }
0x16: {  	s3 =	sld [smem:$0x3FDB];
	s0 =	simm.s32 @p2 $0x1  }
0x17: {  	s4 =	simm.s32 $0x1BF5;
	[smem:$0x3FB7] =	sst s0  }
0x18: {  	s0 =	sld [smem:$0x3F9A];
	_ =	swait.ge [sflag:s4], $0x0  }
0x19: {  	s7 =	sld [smem:$0x3F9B]  }
0x1a: {  	s8 =	sadd.s32 $0xFFFFE003, lr  }
0x1b: {  	s9 =	sadd.s32 $0xFFFFFEF7, lr;
	s5 =	simm.s32 $0xFFFFFFFF;
	p2 =	slt.u32 s8, $0xFFFFF086  }
0x1c: {  	p1 =	slt.u32 s9, $0xF7A;
	s5 =	simm.s32 @!p2 $0x0  }
0x1d: {  	s5 =	simm.s32 @p1 $0x1;
	p0 =	seq.s32 s7, s2  }
0x1e: {  	s7 =	smul.u32 @!p0 $0xF7A, s2;
	p2 =	seq.s32 @!p0 s5, $0x0  }
0x1f: {  	s9 =	smul.u32 $0xF7A, s1;
	s8 =	simm.s32 @!p0 $0x1BF5;
	p2 =	por !p2, p0  }
0x20: {  	[sflag:s8] =	ssyncset.s32 @!p0 $0xFFFFF086;
	s6 =	sadd.s32 @!p0 s3, s7;
	s7 =	simm.s32 @!p0 $0x108  }
0x21: {  	s3 =	sadd.s32 s3, s9;
	s6 =	sadd.s32 @!p0 $0x88, s6;
	s7 =	simm.s32 @p2 $0x1082  }
0x22: {  	[simem:s7], [sflag:s8] =	dma.local @!p0 [hbm:s6], $0xF7A  }
0x23: {  	s9 =	sor.u32 $0xD0000000, s2;
	s6 =	simm.s32 $0x108;
	_ =	swait.ge @!p0 [sflag:s8], $0x0  }
0x24: {  	s3 =	sadd.s32 $0x88, s3;
	s6 =	simm.s32 @!p1 $0x1082;
	[sflag:s4] =	ssyncset.s32 $0xFFFFF086  }
0x25: {  	[simem:s6], [sflag:s4] =	dma.local [hbm:s3], $0xF7A  }
0x26: {  	[smem:$0x3F9B] =	sst s1;
	(tag) =	ssettag s2;
	_ =	strace s9  }
0x27: {  	s1 =	sld [smem:$0x3FAB]  }
0x28: {  	s2 =	sld [smem:$0x3FAC]  }
0x29: {  	s4 =	sld [smem:$0x3FAE]  }
0x2a: {  	p0 =	seq.s32 s5, $0x0;
	s5 =	sld [smem:$0x3FAF]  }
0x2b: {  	s6 =	sld [smem:$0x3FB0]  }
0x2c: {  	s7 =	sld [smem:$0x3FB1]  }
0x2d: {  	s3 =	simm.s32 $0x108;
	s8 =	sld [smem:$0x3FB2]  }
0x2e: {  	s3 =	simm.s32 @!p0 $0x1082;
	s9 =	sld [smem:$0x3FB3]  }
0x2f: {  	lr =	sadd.s32 s0, s3;
	s0 =	sld [smem:$0x3FAA]  }
0x30: {  	s3 =	sld [smem:$0x3FAD]  }
0x31: {  	[smem:$0x3FB6] =	sst s10  }
0x32: {  	s10 =	sld [smem:$0x3FB4];
	_ =	sdelay $0x3  }
0x33: {  	p0 =	seq.s32 s10, $0x1;
	s10 =	sld [smem:$0x3FB6];
	_ =	sdelay $0x3  }
0x34: {  	[smem:$0x3FB6] =	sst s10  }
0x35: {  	s10 =	sld [smem:$0x3FB5];
	_ =	sdelay $0x3  }
0x36: {  	p1 =	seq.s32 s10, $0x1;
	s10 =	sld [smem:$0x3FB6];
	_ =	sdelay $0x3  }
0x37: {  	[smem:$0x3FB6] =	sst s10  }
0x38: {  	s10 =	sld [smem:$0x3FB7]  }
0x39: {  	_ = 	snop;
	(pc) =	sbr.ind lr, $3  }
0x3a: {  	_ = 	snop  }
0x3b: {  	_ = 	snop  }
0x3c: {  	p2 =	seq.s32 s10, $0x1;
	s10 =	sld [smem:$0x3FB6]  }
0x3d: {  	_ =	shalt  }
0x3e: {  	_ =	shalt  }
0x3f: {  	_ =	shalt  }
0x40: {  	_ =	shalt  }
0x41: {  	_ =	shalt  }
0x42: {  	_ =	shalt  }
0x43: {  	_ =	shalt  }
0x44: {  	_ =	shalt  }
0x45: {  	_ =	shalt  }
0x46: {  	_ =	shalt  }
0x47: {  	_ =	shalt  }
0x48: {  	_ =	shalt  }
0x49: {  	_ =	shalt  }
0x4a: {  	_ =	shalt  }
0x4b: {  	_ =	shalt  }
0x4c: {  	_ =	shalt  }
0x4d: {  	_ =	shalt  }
0x4e: {  	_ =	shalt  }
0x4f: {  	_ =	shalt  }
0x50: {  	_ =	shalt  }
0x51: {  	_ =	shalt  }
0x52: {  	_ =	shalt  }
0x53: {  	_ =	shalt  }
0x54: {  	_ =	shalt  }
0x55: {  	_ =	shalt  }
0x56: {  	_ =	shalt  }
0x57: {  	_ =	shalt  }
0x58: {  	_ =	shalt  }
0x59: {  	_ =	shalt  }
0x5a: {  	_ =	shalt  }
0x5b: {  	_ =	shalt  }
0x5c: {  	_ =	shalt  }
0x5d: {  	_ =	shalt  }
0x5e: {  	_ =	shalt  }
0x5f: {  	_ =	shalt  }
0x60: {  	_ =	shalt  }
0x61: {  	_ =	shalt  }
0x62: {  	_ =	shalt  }
0x63: {  	_ =	shalt  }
0x64: {  	_ =	shalt  }
0x65: {  	_ =	shalt  }
0x66: {  	_ =	shalt  }
0x67: {  	_ =	shalt  }
0x68: {  	_ =	shalt  }
0x69: {  	_ =	shalt  }
0x6a: {  	_ =	shalt  }
0x6b: {  	_ =	shalt  }
0x6c: {  	_ =	shalt  }
0x6d: {  	_ =	shalt  }
0x6e: {  	_ =	shalt  }
0x6f: {  	_ =	shalt  }
0x70: {  	_ =	shalt  }
0x71: {  	_ =	shalt  }
0x72: {  	_ =	shalt  }
0x73: {  	_ =	shalt  }
0x74: {  	_ =	shalt  }
0x75: {  	_ =	shalt  }
0x76: {  	_ =	shalt  }
0x77: {  	_ =	shalt  }
0x78: {  	_ =	shalt  }
0x79: {  	_ =	shalt  }
0x7a: {  	_ =	shalt  }
0x7b: {  	_ =	shalt  }
0x7c: {  	_ =	shalt  }
0x7d: {  	_ =	shalt  }
0x7e: {  	_ =	shalt  }
0x7f: {  	_ =	shalt  }
0x80: {  	_ =	shalt  }
0x81: {  	_ =	shalt  }
0x82: {  	_ =	shalt  }
0x83: {  	_ =	shalt  }
0x84: {  	_ =	shalt  }
0x85: {  	_ =	shalt  }
0x86: {  	_ =	shalt  }
0x87: {  	_ =	shalt  }
.Lfunc_end0:
.L_simem_size_0:
called_computation.1_lowered:
.L_overlay_start_0:
0x88: {  	s2 =	sld [smem:$0x3FD9]  }
0x89: {  	s3 =	sld [smem:$0x3FFE];
	_ =	sdelay $0x1  }
0x8a: {  	s1 =	srdreg.scid  }
0x8b: {  	s0 =	sand.u32 $0x1, s1  }
0x8c: {  	s17 =	sshll.u32 s0, $0xA;
	s2 =	sadd.s32 s3, s2  }
0x8d: {  	s2 =	sadd.s32 s2, s17  }
0x8e: {  	[smem:$0x3FC2] =	sst s2  }
0x8f: {  	_ = 	snop  }
0x90: {  	s2 =	sld [smem:$0x3FD0];
	(tm) =	ssettm $0x1  }
0x91: {  	s18 =	sld [smem:$0x3FFB];
	_ =	sdelay $0x3  }
0x92: {  	_ =	strace s18  }
0x93: {  	s3 =	sld [smem:$0x3FFC];
	_ =	sdelay $0x3  }
0x94: {  	_ =	strace s3  }
0x95: {  	s3 =	sld [smem:$0x3FFD];
	_ =	sdelay $0x3  }
0x96: {  	_ =	strace s3  }
0x97: {  	_ =	strace $0x8FFFFFFF  }
0x98: {  	s19 =	sld [smem:$0x3FDB];
	_ =	sdelay $0x1  }
0x99: {  	s4 =	simm.s32 $_scs_section_size  }
0x9a: {  	s5 =	simm.s32 $_size__tile_overlayer_lowered;
	s6 =	simm.s32 $_tile_overlayer_lowered  }
0x9b: {  	s22 =	simm.s32 $0x1BFF;
	s21 =	sshll.u32 s6, $0x1;
	s3 =	sadd.s32 s4, s19  }
0x9c: {  	s7 =	simm.s32 $0x0;
	s20 =	sshll.u32 s5, $0x1;
	s5 =	sadd.s32 s21, s3  }
0x9d: {  	[timem:s7], [sflag:s22] =	dma.local [hbm:s5], s20  }
0x9e: {  	_ =	swait.ge [sflag:s22], s20  }
0x9f: {  	s4 =	ssub.s32 $0x0, s20;
	[sflag:s22] =	ssyncset.done $0x0  }
0xa0: {  	[sflag:s22] =	ssyncadd.s32 s4;
	_ =	sdelay $0x1  }
0xa1: {  	s23 =	simm.s32 $0x1B8B  }
0xa2: {  	_ =	swait.ge [sflag:s23], $0x1  }
0xa3: {  	[sflag:s23] =	ssyncset.done $0x0  }
0xa4: {  	s25 =	simm.s32 $0x1B8E;
	s24 =	sld [smem:$0x3FFE];
	[sflag:s23] =	ssyncadd.s32 $0xFFFFFFFF  }
0xa5: {  	s26 =	simm.s32 $execute0_lowered;
	[smem:$0x3FD2] =	sst s25  }
0xa6: {  	s5 =	sshll.u32 s26, $0x1;
	_ =	strace $0x80000049;
	[dreg:$0x1] =	wrdreg $0xFFFFFFFF  }
0xa7: {  	s28 =	simm.s32 $_size_execute0_lowered;
	s3 =	sadd.s32 s3, s5;
	[dreg:$0x0] =	wrdreg $0x0  }
0xa8: {  	s5 =	sshll.u32 s28, $0x1;
	[dreg:$0x2] =	wrdreg s3  }
0xa9: {  	[dreg:$0x3] =	wrdreg s5  }
0xaa: {  	[dreg:$0x4] =	wrdreg $0xC0  }
0xab: {  	_ =	task [dreg:s7], $0x5FFFF  }
0xac: {  	[dreg:$0x1] =	wrdreg $0xFFFFFFFF  }
0xad: {  	[dreg:$0x0] =	wrdreg $0x60  }
0xae: {  	[dreg:$0x2] =	wrdreg s24  }
0xaf: {  	[dreg:$0x3] =	wrdreg s2  }
0xb0: {  	[dreg:$0x4] =	wrdreg $0xB3000  }
0xb1: {  	[dreg:$0x5] =	wrdreg $0x9  }
0xb2: {  	_ =	task.clear_ibuf [dreg:s7], $0x6FFFF;
	_ =	strace $0x90000049  }
0xb3: {  	s29 =	simm.s32 $0x9;
	_ =	strace $0x8000004B  }
0xb4: {  	_ =	swait.ge [sflag:s29], $0x1  }
0xb5: {  	[sflag:s29] =	ssyncadd.s32 $0xFFFFFFFF  }
0xb6: {  	_ =	strace $0x9000004B  }
0xb7: {  	_ =	sfence  }
0xb8: {  	s30 =	sld [smem:$0x0];
	_ =	sdelay $0x2  }
0xb9: {  	s31 =	sshll.u32 s1, $0xD;
	s1 =	sshrl.u32 s1, $0x2  }
0xba: {  	s3 =	sand.u32 $0x4000, s31;
	s1 =	sadd.s32 s1, s30  }
0xbb: {  	s0 =	sor.u32 s3, s0;
	s1 =	sshll.u32 s1, $0x11  }
0xbc: {  	s0 =	sor.u32 s1, s0  }
0xbd: {  	s0 =	sadd.s32 $0x8F2B, s0  }
0xbe: {  	[sflag:s0] =	ssyncadd.remote.s32 $0x1  }
0xbf: {  	_ =	sfence.sel $0xFFFF  }
0xc0: {  	[dreg:$0x0] =	wrdreg $0xFFFFFFFF;
	(pc) =	sbr.abs _section_cstart, $3  }
0xc1: {  	[dreg:$0x1] =	wrdreg $0xFFFFFFFF  }
0xc2: {  	_ =	task.clear_ibuf [dreg:s7], $0x2FFFF;
	_ =	strace $0x9FFFFFFF  }
0xc3: {  	(tm) =	ssettm $0x7FFFFFFF  }
tec
execute0_lowered:
.L_overlay_start_1:
0x0: {  	(tag) =	ssettag $0x1  }
0x1: {  	s0 =	rddreg [dreg:$0x0]  }
0x2: {  	s1 =	rddreg [dreg:$0x1]  }
0x3: {  	s2 =	rddreg [dreg:$0x2]  }
0x4: {  	s15 =	stileid.u32;
	s4 =	srdreg.scid;
	s20 =	simm.s32 $0x0  }
0x5: {  	s12 =	simm.s32 $0x80;
	s13 =	simm.s32 $0x400;
	s14 =	simm.s32 $0xB  }
0x6: {  	s17 =	simm.s32 $0x28;
	s18 =	simm.s32 $0x4F00;
	s19 =	simm.s32 $0x6300  }
0x7: {  	s28 =	simm.s32 $0x9;
	s29 =	simm.s32 $0xA;
	s30 =	simm.s32 $0x0  }
0x8: {  	s3 =	sshrl.u32 s15, $0x3;
	s5 =	sshll.u32 s15, $0x7;
	s9 =	smul.u32 $0x14000, s15  }
0x9: {  	s6 =	sand.u32 $0x1, s4;
	[smem:$0x7FF] =	sst s20;
	s23 =	smul.u32 $0x50000, s15  }
0xa: {  	s4 =	sadd.s32 $0xF6600, s0;
	s31 =	sshll.u32 s15, $0x6;
	s3 =	smul.u32 $0x13C00, s3  }
0xb: {  	s20 =	simm.s32 $0x50;
	s7 =	sand.u32 $0x380, s5;
	s21 =	smul.u32 $0x280000, s6  }
0xc: {  	_ =	strace $0x8000004A;
	s10 =	smul.u32 $0x4F000, s6;
	s6 =	ssub.s32 $0x2, s6  }
0xd: {  	s5 =	sadd.s32 $0x7600, s0;
	s15 =	sor.u32 $0x1C0B, s31;
	s22 =	sshrl.u32 s6, $0x1  }
0xe: {  	s26 =	sshrl.u32 s23, $0x2;
	s23 =	simm.s32 $0x8B00;
	s8 =	sor.u32 s7, s3  }
0xf: {  	s9 =	sadd.s32 s9, s21;
	s3 =	sadd.s32 s10, s3;
	s11 =	ssub.s32 s6, s22  }
0x10: {  	s16 =	sadd.s32 s26, s2;
	s21 =	simm.s32 $0x7700;
	s22 =	simm.s32 $0x78  }
0x11: {  	s26 =	simm.s32 $0x8;
	s8 =	sshrl.u32 s8, $0x3;
	s9 =	sshrl.u32 s9, $0x3  }
0x12: {  	s3 =	sor.u32 s7, s3;
	s11 =	smax.u32 s11, $0x1;
	s16 =	sshrl.u32 s16, $0x3  }
.Ltmp0:
0x13: {  	s8 =	sadd.s32 s8, s0;
	s0 =	sadd.s32 s9, s0;
	(pc) =	sbr.rel .LBB2_1-.Ltmp0, $4  }
0x14: {  	s7 =	sshrl.u32 s3, $0x3;
	s3 =	sadd.s32 $0x27800, s3;
	s24 =	sadd.s32 $0x2600, s8  }
0x15: {  	s25 =	sadd.s32 s1, s7;
	s3 =	sshrl.u32 s3, $0x3;
	[dreg:$0x4] =	wrdreg s24  }
0x16: {  	s8 =	sadd.s32 $0x9E00, s0;
	s10 =	sadd.s32 $0x31E00, s0;
	[dreg:$0x5] =	wrdreg s25  }
0x17: {  	s9 =	sadd.s32 s1, s3;
	s24 =	simm.s32 $0x6;
	s25 =	simm.s32 $0x7  }
.LBB2_11:
0x18: {  	_ =	swait.ge [sflag:s24], $0x1400  }
0x19: {  	[sflag:s24] =	ssyncset.done $0x0  }
0x1a: {  	[sflag:s24] =	ssyncadd.s32 $0xFFFFEC00  }
0x1b: {  	_ =	swait.ge [sflag:s25], $0x1400  }
0x1c: {  	[sflag:s25] =	ssyncset.done $0x0  }
0x1d: {  	[sflag:s25] =	ssyncadd.s32 $0xFFFFEC00  }
0x1e: {  	_ =	swait.ge [sflag:s26], $0x1400  }
0x1f: {  	[sflag:s26] =	ssyncset.done $0x0  }
0x20: {  	[sflag:s26] =	ssyncadd.s32 $0xFFFFEC00  }
0x21: {  	_ =	swait.ge [sflag:s28], $0x1400  }
0x22: {  	[sflag:s28] =	ssyncset.done $0x0  }
0x23: {  	[sflag:s28] =	ssyncadd.s32 $0xFFFFEC00  }
0x24: {  	_ =	swait.ge [sflag:s29], $0x1400  }
0x25: {  	[sflag:s29] =	ssyncset.done $0x0  }
0x26: {  	s30 =	sadd.s32 $0x1, s30;
	[sflag:s29] =	ssyncadd.s32 $0xFFFFEC00  }
0x27: {  	p0 =	sne.s32 s30, s11;
	[bflag:$0x0] =	sbarrier.arrive $0xFFFF  }
0x28: {  	[hbm:s10], [sflag:s15] =	dma.local [spmem:s16], $0x2800  }
.Ltmp1:
0x29: {  	_ =	swait.ge [sflag:s14], $0x2800;
	(pc) =	sbr.rel @!p0 .LBB2_12-.Ltmp1, $3  }
0x2a: {  	[sflag:s14] =	ssyncset.done $0x0  }
0x2b: {  	[sflag:s14] =	ssyncadd.s32 $0xFFFFD800  }
0x2c: {  	[bflag:$0x0] =	sbarrier.arrive $0xFFFF;
	_ =	sdelay $0x1  }
.LBB2_1:
0x2d: {  	s31 =	simm.s32 $0x2780;
	s0 =	rddreg [dreg:$0x4]  }
0x2e: {  	[tilespmem:s31], [sflag:$0xB] =	stream.strided.gather [hbm4b:s0+s12], $0x2780, s13, s12, $0x38;
	[tilespmem:$0x1F300] =	vst v63  }
0x2f: {  	_ =	swait.ge [sflag:s14], $0x2780  }
0x30: {  	[sflag:s14] =	ssyncset.done $0x0  }
0x31: {  	s7 =	simm.s32 $0x0;
	s1 =	rddreg [dreg:$0x5];
	[sflag:s14] =	ssyncadd.s32 $0xFFFFD880  }
0x32: {  	[tilespmem:s7], [sflag:$0xB] =	stream.strided.gather [hbm4b:s1+s12], $0x2780, s13, s12, $0x38;
	[tilespmem:$0x1F300] =	vst v63  }
0x33: {  	_ =	swait.ge [sflag:s14], $0x2780  }
0x34: {  	[sflag:s14] =	ssyncset.done $0x0  }
0x35: {  	[sflag:s14] =	ssyncadd.s32 $0xFFFFD880  }
0x36: {  	[spmem:s16], [sflag:s15] =	dma.local [hbm:s5], $0x2800  }
0x37: {  	_ =	swait.ge [sflag:s14], $0x2800  }
0x38: {  	[sflag:s14] =	ssyncset.done $0x0  }
0x39: {  	[sflag:s14] =	ssyncadd.s32 $0xFFFFD800  }
0x3a: {  	[bflag:$0x0] =	sbarrier.arrive $0xFFFF  }
0x3b: {  	[tilespmem:s18], [sflag:$0x1] =	stream.indirect.gather [hbm4b:s4+s17], $0x80, s7, s17, $0xb8;
	[tilespmem:$0x1F300] =	vst v63  }
0x3c: {  	_ = 	snop  }
0x3d: {  	[tilespmem:s19], [sflag:$0x2] =	stream.indirect.gather [hbm4b:s4+s17], $0x80, s17, s17, $0xb8;
	[tilespmem:$0x1F300] =	vst v63  }
.Ltmp2:
0x3e: {  	_ = 	snop;
	(pc) =	sbr.rel .LBB2_2-.Ltmp2, $4  }
0x3f: {  	_ = 	snop  }
0x40: {  	[tilespmem:s21], [sflag:$0x3] =	stream.indirect.gather [hbm4b:s4+s17], $0x80, s20, s17, $0xb8;
	[tilespmem:$0x1F300] =	vst v63  }
0x41: {  	s0 =	simm.s32 $0xA0;
	s1 =	simm.s32 $0x0  }
0x42: {  	[tilespmem:s23], [sflag:$0x4] =	stream.indirect.gather [hbm4b:s4+s17], $0x80, s22, s17, $0xb8;
	[tilespmem:$0x1F300] =	vst v63  }
.LBB2_4:
0x43: {  	p0 =	seq.s32 s3, $0x2  }
0x44: {  	p1 =	slt.u32 @p0 s1, $0xF6  }
0x45: {  	p2 =	por !p1, !p0  }
0x46: {  	s6 =	simm.s32 @!p2 $0x7  }
0x47: {  	_ =	swait.ge @!p2 [sflag:s6], $0x1400  }
0x48: {  	[sflag:s6] =	ssyncset.done @!p2 $0x0  }
0x49: {  	s7 =	simm.s32 @!p2 $0x6300;
	[sflag:s6] =	ssyncadd.s32 @!p2 $0xFFFFEC00;
	s6 =	simm.s32 @!p2 $0x28  }
0x4a: {  	[tilespmem:s7], [sflag:$0x2] =	stream.indirect.gather @!p2 [hbm4b:s4+s6], $0x80, s0, s6, $0xb8;
	[tilespmem:$0x1F300] =	vst v63  }
0x4b: {  	s7 =	simm.s32 @!p2 $0x3  }
0x4c: {  	_ =	swait.ge @!p2 [sflag:s7], $0x1400  }
0x4d: {  	[sflag:s7] =	ssyncset.done @!p2 $0x0  }
0x4e: {  	p1 =	por p1, !p0;
	[sflag:s7] =	ssyncadd.s32 @!p2 $0xFFFFEC00;
	s7 =	simm.s32 @!p2 $0x7700  }
0x4f: {  	[spmem:s2] =	stream.indirect.scatter.add.f32 @!p2 [tilespmem:s7], [sflag:$0x8], $0x80, s31, s6, $0xb8;
	[tilespmem:$0x1F300] =	vst v63  }
0x50: {  	s6 =	simm.s32 @!p1 $0x3  }
0x51: {  	_ =	swait.ge @!p1 [sflag:s6], $0x1400  }
0x52: {  	[sflag:s6] =	ssyncset.done @!p1 $0x0  }
0x53: {  	s7 =	simm.s32 @!p1 $0x7700;
	[sflag:s6] =	ssyncadd.s32 @!p1 $0xFFFFEC00;
	s6 =	simm.s32 @!p1 $0x28  }
0x54: {  	[spmem:s2] =	stream.indirect.scatter.add.f32 @!p1 [tilespmem:s7], [sflag:$0x8], $0x80, s31, s6, $0xb8;
	[tilespmem:$0x1F300] =	vst v63  }
0x55: {  	p1 =	seq.s32 @!p0 s3, $0x3  }
0x56: {  	p2 =	por !p1, p0  }
0x57: {  	p3 =	sgt.u32 @!p2 s1, $0xF5  }
0x58: {  	p3 =	por @!p0 p3, !p1  }
0x59: {  	p3 =	por p3, p0  }
0x5a: {  	s3 =	simm.s32 @!p3 $0x8  }
0x5b: {  	_ =	swait.ge @!p3 [sflag:s3], $0x1400  }
0x5c: {  	[sflag:s3] =	ssyncset.done @!p3 $0x0  }
0x5d: {  	s6 =	simm.s32 @!p3 $0x7700;
	[sflag:s3] =	ssyncadd.s32 @!p3 $0xFFFFEC00;
	s3 =	simm.s32 @!p3 $0x28  }
0x5e: {  	[tilespmem:s6], [sflag:$0x3] =	stream.indirect.gather @!p3 [hbm4b:s4+s3], $0x80, s0, s3, $0xb8;
	[tilespmem:$0x1F300] =	vst v63  }
0x5f: {  	s3 =	simm.s32 @!p2 $0x4  }
0x60: {  	_ =	swait.ge @!p2 [sflag:s3], $0x1400  }
0x61: {  	[sflag:s3] =	ssyncset.done @!p2 $0x0  }
0x62: {  	s6 =	simm.s32 @!p2 $0x8B00;
	[sflag:s3] =	ssyncadd.s32 @!p2 $0xFFFFEC00;
	s3 =	simm.s32 @!p2 $0x28  }
0x63: {  	[spmem:s2] =	stream.indirect.scatter.add.f32 @!p2 [tilespmem:s6], [sflag:$0x9], $0x80, s31, s3, $0xb8;
	[tilespmem:$0x1F300] =	vst v63  }
0x64: {  	p2 =	por p1, p0  }
0x65: {  	p3 =	sgt.u32 @!p2 s1, $0xF5  }
0x66: {  	p1 =	por @!p0 p3, p1  }
0x67: {  	p0 =	por p1, p0  }
0x68: {  	s3 =	simm.s32 @!p0 $0x9  }
0x69: {  	_ =	swait.ge @!p0 [sflag:s3], $0x1400  }
0x6a: {  	[sflag:s3] =	ssyncset.done @!p0 $0x0  }
0x6b: {  	s6 =	simm.s32 @!p0 $0x8B00;
	[sflag:s3] =	ssyncadd.s32 @!p0 $0xFFFFEC00;
	s3 =	simm.s32 @!p0 $0x28  }
0x6c: {  	[tilespmem:s6], [sflag:$0x4] =	stream.indirect.gather @!p0 [hbm4b:s4+s3], $0x80, s0, s3, $0xb8;
	[tilespmem:$0x1F300] =	vst v63  }
0x6d: {  	s3 =	simm.s32 @!p2 $0x5  }
0x6e: {  	_ =	swait.ge @!p2 [sflag:s3], $0x1400  }
0x6f: {  	[sflag:s3] =	ssyncset.done @!p2 $0x0  }
0x70: {  	s6 =	simm.s32 @!p2 $0x9F00;
	[sflag:s3] =	ssyncadd.s32 @!p2 $0xFFFFEC00;
	s3 =	simm.s32 @!p2 $0x28  }
0x71: {  	[spmem:s2] =	stream.indirect.scatter.add.f32 @!p2 [tilespmem:s6], [sflag:$0xA], $0x80, s31, s3, $0xb8;
	[tilespmem:$0x1F300] =	vst v63  }
.LBB2_5:
0x72: {  	s1 =	sadd.s32 $0x1, s1  }
0x73: {  	p0 =	sne.s32 s1, $0xFA  }
.Ltmp3:
0x74: {  	_ = 	snop;
	(pc) =	sbr.rel @!p0 .LBB2_6-.Ltmp3, $2  }
0x75: {  	_ =	sdelay $0x2  }
0x76: {  	s31 =	sadd.s32 $0x28, s31;
	s0 =	sadd.s32 $0x28, s0  }
.LBB2_2:
0x77: {  	s3 =	smul.u32 $0xCD, s1;
	_ =	sdelay $0x1  }
0x78: {  	s3 =	sshrl.u32 s3, $0xA  }
0x79: {  	s3 =	sand.u32 $0x3F, s3  }
0x7a: {  	s3 =	smul.u32 $0x5, s3;
	_ =	sdelay $0x1  }
0x7b: {  	s3 =	ssub.s32 s1, s3  }
0x7c: {  	s3 =	sand.u32 $0xFF, s3  }
0x7d: {  	p0 =	sgt.s32 s3, $0x1  }
.Ltmp4:
0x7e: {  	_ = 	snop;
	(pc) =	sbr.rel @p0 .LBB2_4-.Ltmp4, $1  }
0x7f: {  	_ =	sdelay $0x3  }
0x80: {  	p0 =	seq.s32 s3, $0x0  }
0x81: {  	p1 =	sgt.u32 @p0 s1, $0xF5  }
0x82: {  	p2 =	por p1, !p0  }
0x83: {  	p3 =	seq.s32 @!p2 s1, $0x0  }
0x84: {  	p1 =	por @p0 p3, p1  }
0x85: {  	p1 =	por p1, !p0  }
0x86: {  	s3 =	simm.s32 @!p1 $0xA  }
0x87: {  	_ =	swait.ge @!p1 [sflag:s3], $0x1400  }
0x88: {  	[sflag:s3] =	ssyncset.done @!p1 $0x0  }
0x89: {  	s6 =	simm.s32 @!p2 $0x9F00;
	[sflag:s3] =	ssyncadd.s32 @!p1 $0xFFFFEC00;
	s3 =	simm.s32 @!p2 $0x28  }
0x8a: {  	[tilespmem:s6], [sflag:$0x5] =	stream.indirect.gather @!p2 [hbm4b:s4+s3], $0x80, s0, s3, $0xb8;
	[tilespmem:$0x1F300] =	vst v63  }
0x8b: {  	s3 =	simm.s32 @p0 $0x1  }
0x8c: {  	_ =	swait.ge @p0 [sflag:s3], $0x1400  }
0x8d: {  	p1 =	slt.u32 @!p0 s1, $0xF6;
	s6 =	simm.s32 @p0 $0x4F00;
	[sflag:s3] =	ssyncset.done @p0 $0x0  }
0x8e: {  	p2 =	por !p1, p0;
	[sflag:s3] =	ssyncadd.s32 @p0 $0xFFFFEC00;
	s3 =	simm.s32 @p0 $0x28  }
0x8f: {  	[spmem:s2] =	stream.indirect.scatter.add.f32 @p0 [tilespmem:s6], [sflag:$0x6], $0x80, s31, s3, $0xb8;
	[tilespmem:$0x1F300] =	vst v63  }
0x90: {  	s3 =	simm.s32 @!p2 $0x6  }
0x91: {  	_ =	swait.ge @!p2 [sflag:s3], $0x1400  }
0x92: {  	[sflag:s3] =	ssyncset.done @!p2 $0x0  }
0x93: {  	s6 =	simm.s32 @!p2 $0x4F00;
	[sflag:s3] =	ssyncadd.s32 @!p2 $0xFFFFEC00;
	s3 =	simm.s32 @!p2 $0x28  }
0x94: {  	[tilespmem:s6], [sflag:$0x1] =	stream.indirect.gather @!p2 [hbm4b:s4+s3], $0x80, s0, s3, $0xb8;
	[tilespmem:$0x1F300] =	vst v63  }
0x95: {  	s6 =	simm.s32 @!p2 $0x2  }
0x96: {  	_ =	swait.ge @!p2 [sflag:s6], $0x1400  }
0x97: {  	[sflag:s6] =	ssyncset.done @!p2 $0x0  }
0x98: {  	p0 =	por p1, p0;
	[sflag:s6] =	ssyncadd.s32 @!p2 $0xFFFFEC00;
	s6 =	simm.s32 @!p2 $0x6300  }
0x99: {  	[spmem:s2] =	stream.indirect.scatter.add.f32 @!p2 [tilespmem:s6], [sflag:$0x7], $0x80, s31, s3, $0xb8;
	[tilespmem:$0x1F300] =	vst v63  }
.Ltmp5:
0x9a: {  	s3 =	simm.s32 @!p0 $0x2;
	(pc) =	sbr.rel .LBB2_5-.Ltmp5, $4  }
0x9b: {  	_ =	swait.ge @!p0 [sflag:s3], $0x1400  }
0x9c: {  	[sflag:s3] =	ssyncset.done @!p0 $0x0  }
0x9d: {  	s6 =	simm.s32 @!p0 $0x6300;
	[sflag:s3] =	ssyncadd.s32 @!p0 $0xFFFFEC00;
	s3 =	simm.s32 @!p0 $0x28  }
0x9e: {  	[spmem:s2] =	stream.indirect.scatter.add.f32 @!p0 [tilespmem:s6], [sflag:$0x7], $0x80, s31, s3, $0xb8;
	[tilespmem:$0x1F300] =	vst v63  }
.LBB2_6:
0x9f: {  	_ =	swait.ge [sflag:s24], $0x1400  }
0xa0: {  	[sflag:s24] =	ssyncset.done $0x0  }
0xa1: {  	[sflag:s24] =	ssyncadd.s32 $0xFFFFEC00  }
0xa2: {  	_ =	swait.ge [sflag:s25], $0x1400  }
0xa3: {  	[sflag:s25] =	ssyncset.done $0x0  }
0xa4: {  	[sflag:s25] =	ssyncadd.s32 $0xFFFFEC00  }
0xa5: {  	_ =	swait.ge [sflag:s26], $0x1400  }
0xa6: {  	[sflag:s26] =	ssyncset.done $0x0  }
0xa7: {  	[sflag:s26] =	ssyncadd.s32 $0xFFFFEC00  }
0xa8: {  	_ =	swait.ge [sflag:s28], $0x1400  }
0xa9: {  	[sflag:s28] =	ssyncset.done $0x0  }
0xaa: {  	[sflag:s28] =	ssyncadd.s32 $0xFFFFEC00  }
0xab: {  	_ =	swait.ge [sflag:s29], $0x1400  }
0xac: {  	[sflag:s29] =	ssyncset.done $0x0  }
0xad: {  	[sflag:s29] =	ssyncadd.s32 $0xFFFFEC00  }
0xae: {  	[bflag:$0x0] =	sbarrier.arrive $0xFFFF  }
0xaf: {  	[hbm:s8], [sflag:s15] =	dma.local [spmem:s16], $0x2800  }
0xb0: {  	_ =	swait.ge [sflag:s14], $0x2800  }
0xb1: {  	[sflag:s14] =	ssyncset.done $0x0  }
0xb2: {  	[sflag:s14] =	ssyncadd.s32 $0xFFFFD800  }
0xb3: {  	s31 =	simm.s32 $0x0;
	[bflag:$0x0] =	sbarrier.arrive $0xFFFF  }
0xb4: {  	[tilespmem:s31], [sflag:$0xB] =	stream.strided.gather [hbm4b:s9+s12], $0x2780, s13, s12, $0x38;
	[tilespmem:$0x1F300] =	vst v63  }
0xb5: {  	_ =	swait.ge [sflag:s14], $0x2780  }
0xb6: {  	[sflag:s14] =	ssyncset.done $0x0  }
0xb7: {  	[sflag:s14] =	ssyncadd.s32 $0xFFFFD880  }
0xb8: {  	[spmem:s16], [sflag:s15] =	dma.local [hbm:s5], $0x2800  }
0xb9: {  	_ =	swait.ge [sflag:s14], $0x2800  }
0xba: {  	[sflag:s14] =	ssyncset.done $0x0  }
0xbb: {  	[sflag:s14] =	ssyncadd.s32 $0xFFFFD800  }
0xbc: {  	[bflag:$0x0] =	sbarrier.arrive $0xFFFF  }
0xbd: {  	[tilespmem:s18], [sflag:$0x1] =	stream.indirect.gather [hbm4b:s4+s17], $0x80, s31, s17, $0xb8;
	[tilespmem:$0x1F300] =	vst v63  }
0xbe: {  	_ = 	snop  }
0xbf: {  	[tilespmem:s19], [sflag:$0x2] =	stream.indirect.gather [hbm4b:s4+s17], $0x80, s17, s17, $0xb8;
	[tilespmem:$0x1F300] =	vst v63  }
.Ltmp6:
0xc0: {  	_ = 	snop;
	(pc) =	sbr.rel .LBB2_7-.Ltmp6, $4  }
0xc1: {  	_ = 	snop  }
0xc2: {  	[tilespmem:s21], [sflag:$0x3] =	stream.indirect.gather [hbm4b:s4+s17], $0x80, s20, s17, $0xb8;
	[tilespmem:$0x1F300] =	vst v63  }
0xc3: {  	s0 =	simm.s32 $0x2780;
	s1 =	simm.s32 $0xA0  }
0xc4: {  	[tilespmem:s23], [sflag:$0x4] =	stream.indirect.gather [hbm4b:s4+s17], $0x80, s22, s17, $0xb8;
	[tilespmem:$0x1F300] =	vst v63  }
.LBB2_9:
0xc5: {  	p0 =	seq.s32 s3, $0x2  }
0xc6: {  	p1 =	slt.u32 @p0 s31, $0xF6  }
0xc7: {  	p2 =	por !p1, !p0  }
0xc8: {  	s6 =	simm.s32 @!p2 $0x7  }
0xc9: {  	_ =	swait.ge @!p2 [sflag:s6], $0x1400  }
0xca: {  	[sflag:s6] =	ssyncset.done @!p2 $0x0  }
0xcb: {  	s7 =	simm.s32 @!p2 $0x6300;
	[sflag:s6] =	ssyncadd.s32 @!p2 $0xFFFFEC00;
	s6 =	simm.s32 @!p2 $0x28  }
0xcc: {  	[tilespmem:s7], [sflag:$0x2] =	stream.indirect.gather @!p2 [hbm4b:s4+s6], $0x80, s1, s6, $0xb8;
	[tilespmem:$0x1F300] =	vst v63  }
0xcd: {  	s7 =	simm.s32 @!p2 $0x3  }
0xce: {  	_ =	swait.ge @!p2 [sflag:s7], $0x1400  }
0xcf: {  	[sflag:s7] =	ssyncset.done @!p2 $0x0  }
0xd0: {  	p1 =	por p1, !p0;
	[sflag:s7] =	ssyncadd.s32 @!p2 $0xFFFFEC00;
	s7 =	simm.s32 @!p2 $0x7700  }
0xd1: {  	[spmem:s2] =	stream.indirect.scatter.add.f32 @!p2 [tilespmem:s7], [sflag:$0x8], $0x80, s0, s6, $0xb8;
	[tilespmem:$0x1F300] =	vst v63  }
0xd2: {  	s6 =	simm.s32 @!p1 $0x3  }
0xd3: {  	_ =	swait.ge @!p1 [sflag:s6], $0x1400  }
0xd4: {  	[sflag:s6] =	ssyncset.done @!p1 $0x0  }
0xd5: {  	s7 =	simm.s32 @!p1 $0x7700;
	[sflag:s6] =	ssyncadd.s32 @!p1 $0xFFFFEC00;
	s6 =	simm.s32 @!p1 $0x28  }
0xd6: {  	[spmem:s2] =	stream.indirect.scatter.add.f32 @!p1 [tilespmem:s7], [sflag:$0x8], $0x80, s0, s6, $0xb8;
	[tilespmem:$0x1F300] =	vst v63  }
0xd7: {  	p1 =	seq.s32 @!p0 s3, $0x3  }
0xd8: {  	p2 =	por !p1, p0  }
0xd9: {  	p3 =	sgt.u32 @!p2 s31, $0xF5  }
0xda: {  	p3 =	por @!p0 p3, !p1  }
0xdb: {  	p3 =	por p3, p0  }
0xdc: {  	s3 =	simm.s32 @!p3 $0x8  }
0xdd: {  	_ =	swait.ge @!p3 [sflag:s3], $0x1400  }
0xde: {  	[sflag:s3] =	ssyncset.done @!p3 $0x0  }
0xdf: {  	s6 =	simm.s32 @!p3 $0x7700;
	[sflag:s3] =	ssyncadd.s32 @!p3 $0xFFFFEC00;
	s3 =	simm.s32 @!p3 $0x28  }
0xe0: {  	[tilespmem:s6], [sflag:$0x3] =	stream.indirect.gather @!p3 [hbm4b:s4+s3], $0x80, s1, s3, $0xb8;
	[tilespmem:$0x1F300] =	vst v63  }
0xe1: {  	s3 =	simm.s32 @!p2 $0x4  }
0xe2: {  	_ =	swait.ge @!p2 [sflag:s3], $0x1400  }
0xe3: {  	[sflag:s3] =	ssyncset.done @!p2 $0x0  }
0xe4: {  	s6 =	simm.s32 @!p2 $0x8B00;
	[sflag:s3] =	ssyncadd.s32 @!p2 $0xFFFFEC00;
	s3 =	simm.s32 @!p2 $0x28  }
0xe5: {  	[spmem:s2] =	stream.indirect.scatter.add.f32 @!p2 [tilespmem:s6], [sflag:$0x9], $0x80, s0, s3, $0xb8;
	[tilespmem:$0x1F300] =	vst v63  }
0xe6: {  	p2 =	por p1, p0  }
0xe7: {  	p3 =	sgt.u32 @!p2 s31, $0xF5  }
0xe8: {  	p1 =	por @!p0 p3, p1  }
0xe9: {  	p0 =	por p1, p0  }
0xea: {  	s3 =	simm.s32 @!p0 $0x9  }
0xeb: {  	_ =	swait.ge @!p0 [sflag:s3], $0x1400  }
0xec: {  	[sflag:s3] =	ssyncset.done @!p0 $0x0  }
0xed: {  	s6 =	simm.s32 @!p0 $0x8B00;
	[sflag:s3] =	ssyncadd.s32 @!p0 $0xFFFFEC00;
	s3 =	simm.s32 @!p0 $0x28  }
0xee: {  	[tilespmem:s6], [sflag:$0x4] =	stream.indirect.gather @!p0 [hbm4b:s4+s3], $0x80, s1, s3, $0xb8;
	[tilespmem:$0x1F300] =	vst v63  }
0xef: {  	s3 =	simm.s32 @!p2 $0x5  }
0xf0: {  	_ =	swait.ge @!p2 [sflag:s3], $0x1400  }
0xf1: {  	[sflag:s3] =	ssyncset.done @!p2 $0x0  }
0xf2: {  	s6 =	simm.s32 @!p2 $0x9F00;
	[sflag:s3] =	ssyncadd.s32 @!p2 $0xFFFFEC00;
	s3 =	simm.s32 @!p2 $0x28  }
0xf3: {  	[spmem:s2] =	stream.indirect.scatter.add.f32 @!p2 [tilespmem:s6], [sflag:$0xA], $0x80, s0, s3, $0xb8;
	[tilespmem:$0x1F300] =	vst v63  }
.LBB2_10:
0xf4: {  	s31 =	sadd.s32 $0x1, s31  }
0xf5: {  	p0 =	sne.s32 s31, $0xFA  }
.Ltmp7:
0xf6: {  	_ = 	snop;
	(pc) =	sbr.rel @!p0 .LBB2_11-.Ltmp7, $2  }
0xf7: {  	_ =	sdelay $0x2  }
0xf8: {  	s0 =	sadd.s32 $0x28, s0;
	s1 =	sadd.s32 $0x28, s1  }
.LBB2_7:
0xf9: {  	s3 =	smul.u32 $0xCD, s31;
	_ =	sdelay $0x1  }
0xfa: {  	s3 =	sshrl.u32 s3, $0xA  }
0xfb: {  	s3 =	sand.u32 $0x3F, s3  }
0xfc: {  	s3 =	smul.u32 $0x5, s3;
	_ =	sdelay $0x1  }
0xfd: {  	s3 =	ssub.s32 s31, s3  }
0xfe: {  	s3 =	sand.u32 $0xFF, s3  }
0xff: {  	p0 =	sgt.s32 s3, $0x1  }
.Ltmp8:
0x100: {  	_ = 	snop;
	(pc) =	sbr.rel @p0 .LBB2_9-.Ltmp8, $1  }
0x101: {  	_ =	sdelay $0x3  }
0x102: {  	p0 =	seq.s32 s3, $0x0  }
0x103: {  	p1 =	sgt.u32 @p0 s31, $0xF5  }
0x104: {  	p2 =	por p1, !p0  }
0x105: {  	p3 =	seq.s32 @!p2 s31, $0x0  }
0x106: {  	p1 =	por @p0 p3, p1  }
0x107: {  	p1 =	por p1, !p0  }
0x108: {  	s3 =	simm.s32 @!p1 $0xA  }
0x109: {  	_ =	swait.ge @!p1 [sflag:s3], $0x1400  }
0x10a: {  	[sflag:s3] =	ssyncset.done @!p1 $0x0  }
0x10b: {  	s6 =	simm.s32 @!p2 $0x9F00;
	[sflag:s3] =	ssyncadd.s32 @!p1 $0xFFFFEC00;
	s3 =	simm.s32 @!p2 $0x28  }
0x10c: {  	[tilespmem:s6], [sflag:$0x5] =	stream.indirect.gather @!p2 [hbm4b:s4+s3], $0x80, s1, s3, $0xb8;
	[tilespmem:$0x1F300] =	vst v63  }
0x10d: {  	s3 =	simm.s32 @p0 $0x1  }
0x10e: {  	_ =	swait.ge @p0 [sflag:s3], $0x1400  }
0x10f: {  	p1 =	slt.u32 @!p0 s31, $0xF6;
	s6 =	simm.s32 @p0 $0x4F00;
	[sflag:s3] =	ssyncset.done @p0 $0x0  }
0x110: {  	p2 =	por !p1, p0;
	[sflag:s3] =	ssyncadd.s32 @p0 $0xFFFFEC00;
	s3 =	simm.s32 @p0 $0x28  }
0x111: {  	[spmem:s2] =	stream.indirect.scatter.add.f32 @p0 [tilespmem:s6], [sflag:$0x6], $0x80, s0, s3, $0xb8;
	[tilespmem:$0x1F300] =	vst v63  }
0x112: {  	s3 =	simm.s32 @!p2 $0x6  }
0x113: {  	_ =	swait.ge @!p2 [sflag:s3], $0x1400  }
0x114: {  	[sflag:s3] =	ssyncset.done @!p2 $0x0  }
0x115: {  	s6 =	simm.s32 @!p2 $0x4F00;
	[sflag:s3] =	ssyncadd.s32 @!p2 $0xFFFFEC00;
	s3 =	simm.s32 @!p2 $0x28  }
0x116: {  	[tilespmem:s6], [sflag:$0x1] =	stream.indirect.gather @!p2 [hbm4b:s4+s3], $0x80, s1, s3, $0xb8;
	[tilespmem:$0x1F300] =	vst v63  }
0x117: {  	s6 =	simm.s32 @!p2 $0x2  }
0x118: {  	_ =	swait.ge @!p2 [sflag:s6], $0x1400  }
0x119: {  	[sflag:s6] =	ssyncset.done @!p2 $0x0  }
0x11a: {  	p0 =	por p1, p0;
	[sflag:s6] =	ssyncadd.s32 @!p2 $0xFFFFEC00;
	s6 =	simm.s32 @!p2 $0x6300  }
0x11b: {  	[spmem:s2] =	stream.indirect.scatter.add.f32 @!p2 [tilespmem:s6], [sflag:$0x7], $0x80, s0, s3, $0xb8;
	[tilespmem:$0x1F300] =	vst v63  }
.Ltmp9:
0x11c: {  	s3 =	simm.s32 @!p0 $0x2;
	(pc) =	sbr.rel .LBB2_10-.Ltmp9, $4  }
0x11d: {  	_ =	swait.ge @!p0 [sflag:s3], $0x1400  }
0x11e: {  	[sflag:s3] =	ssyncset.done @!p0 $0x0  }
0x11f: {  	s6 =	simm.s32 @!p0 $0x6300;
	[sflag:s3] =	ssyncadd.s32 @!p0 $0xFFFFEC00;
	s3 =	simm.s32 @!p0 $0x28  }
0x120: {  	[spmem:s2] =	stream.indirect.scatter.add.f32 @!p0 [tilespmem:s6], [sflag:$0x7], $0x80, s0, s3, $0xb8;
	[tilespmem:$0x1F300] =	vst v63  }
.LBB2_12:
0x121: {  	_ =	sfence.sel $0x180000  }
0x122: {  	[bflag:$0x0] =	sbarrier.arrive $0xFFFF  }
0x123: {  	_ =	strace $0x9000004A  }
0x124: {  	s0 =	stileid.u32;
	[bflag:$0x2] =	sbarrier.arrive $0xFFFF  }
0x125: {  	p0 =	sne.s32 s0, $0x0;
	s0 =	rddreg [dreg:$0x3]  }
0x126: {  	s0 =	sadd.s32 @!p0 $0x100000, s0  }
0x127: {  	[sflag:s0] =	ssyncadd.tile.s32 @!p0 $0x1;
	_ =	shalt  }
.Lfunc_end2:
_tile_overlayer_lowered:
.L_overlay_start_2:
0x128: {  	(tag) =	ssettag $0x2  }
0x129: {  	s0 =	rddreg [dreg:$0x0];
	s2 =	stileid.u32  }
0x12a: {  	s1 =	rddreg [dreg:$0x1];
	p0 =	sne.s32 s2, $0x0  }
0x12b: {  	s3 =	rddreg [dreg:$0x2];
	[bflag:$0x3] =	sbarrier.arrive $0xFFFF;
	s2 =	simm.s32 @!p0 $0x1C0B  }
0x12c: {  	[timem:s3], [sflag:s2] =	dma.local @!p0 [hbm:s0], s1  }
0x12d: {  	s0 =	simm.s32 @!p0 $0xB  }
0x12e: {  	_ =	swait.ge @!p0 [sflag:s0], s1  }
0x12f: {  	s1 =	ssub.s32 @!p0 $0x0, s1;
	[sflag:s0] =	ssyncset.done @!p0 $0x0  }
0x130: {  	[sflag:s0] =	ssyncadd.s32 @!p0 s1  }
0x131: {  	[bflag:$0x3] =	sbarrier.arrive $0xFFFF  }
0x132: {  	_ =	shalt  }

// kernel: kernel.15.cloned.1.call-start
scs
__scs_entry_jumppad:
0x0: {  	(pc) =	sbr.rel $0x88, $3  }
0x1: {  	(tag) =	ssettag $0x0;
	lr =	simm.s32 $0x1  }
0x2: {  	[smem:$0x3F9B] =	sst lr;
	_ =	strace $0xD0000000  }
0x3: {  	_ = 	snop  }
0x4: {  	_ = 	snop  }
0x5: {  	_ = 	snop  }
0x6: {  	_ = 	snop  }
0x7: {  	_ = 	snop  }
__scs_overlays_trampoline_lowered:
0x8: {  	[smem:$0x3FAA] =	sst s0  }
0x9: {  	[smem:$0x3FAB] =	sst s1  }
0xa: {  	[smem:$0x3FAC] =	sst s2  }
0xb: {  	[smem:$0x3FAD] =	sst s3  }
0xc: {  	[smem:$0x3FAE] =	sst s4  }
0xd: {  	[smem:$0x3FAF] =	sst s5  }
0xe: {  	[smem:$0x3FB0] =	sst s6  }
0xf: {  	[smem:$0x3FB1] =	sst s7  }
0x10: {  	[smem:$0x3FB2] =	sst s8  }
0x11: {  	[smem:$0x3FB3] =	sst s9;
	s0 =	simm.s32 @!p0 $0x0  }
0x12: {  	s1 =	sld [smem:$0x3F99];
	s0 =	simm.s32 @p0 $0x1  }
0x13: {  	[smem:$0x3FB4] =	sst s0;
	s0 =	simm.s32 @!p1 $0x0  }
0x14: {  	s2 =	sld [smem:$0x3F98];
	s0 =	simm.s32 @p1 $0x1  }
0x15: {  	[smem:$0x3FB5] =	sst s0;
	s0 =	simm.s32 @!p2 $0x0  }
0x16: {  	s3 =	sld [smem:$0x3FDB];
	s0 =	simm.s32 @p2 $0x1  }
0x17: {  	s4 =	simm.s32 $0x1BF5;
	[smem:$0x3FB7] =	sst s0  }
0x18: {  	s0 =	sld [smem:$0x3F9A];
	_ =	swait.ge [sflag:s4], $0x0  }
0x19: {  	s7 =	sld [smem:$0x3F9B]  }
0x1a: {  	s8 =	sadd.s32 $0xFFFFE003, lr  }
0x1b: {  	s9 =	sadd.s32 $0xFFFFFEF7, lr;
	s5 =	simm.s32 $0xFFFFFFFF;
	p2 =	slt.u32 s8, $0xFFFFF086  }
0x1c: {  	p1 =	slt.u32 s9, $0xF7A;
	s5 =	simm.s32 @!p2 $0x0  }
0x1d: {  	s5 =	simm.s32 @p1 $0x1;
	p0 =	seq.s32 s7, s2  }
0x1e: {  	s7 =	smul.u32 @!p0 $0xF7A, s2;
	p2 =	seq.s32 @!p0 s5, $0x0  }
0x1f: {  	s9 =	smul.u32 $0xF7A, s1;
	s8 =	simm.s32 @!p0 $0x1BF5;
	p2 =	por !p2, p0  }
0x20: {  	[sflag:s8] =	ssyncset.s32 @!p0 $0xFFFFF086;
	s6 =	sadd.s32 @!p0 s3, s7;
	s7 =	simm.s32 @!p0 $0x108  }
0x21: {  	s3 =	sadd.s32 s3, s9;
	s6 =	sadd.s32 @!p0 $0x88, s6;
	s7 =	simm.s32 @p2 $0x1082  }
0x22: {  	[simem:s7], [sflag:s8] =	dma.local @!p0 [hbm:s6], $0xF7A  }
0x23: {  	s9 =	sor.u32 $0xD0000000, s2;
	s6 =	simm.s32 $0x108;
	_ =	swait.ge @!p0 [sflag:s8], $0x0  }
0x24: {  	s3 =	sadd.s32 $0x88, s3;
	s6 =	simm.s32 @!p1 $0x1082;
	[sflag:s4] =	ssyncset.s32 $0xFFFFF086  }
0x25: {  	[simem:s6], [sflag:s4] =	dma.local [hbm:s3], $0xF7A  }
0x26: {  	[smem:$0x3F9B] =	sst s1;
	(tag) =	ssettag s2;
	_ =	strace s9  }
0x27: {  	s1 =	sld [smem:$0x3FAB]  }
0x28: {  	s2 =	sld [smem:$0x3FAC]  }
0x29: {  	s4 =	sld [smem:$0x3FAE]  }
0x2a: {  	p0 =	seq.s32 s5, $0x0;
	s5 =	sld [smem:$0x3FAF]  }
0x2b: {  	s6 =	sld [smem:$0x3FB0]  }
0x2c: {  	s7 =	sld [smem:$0x3FB1]  }
0x2d: {  	s3 =	simm.s32 $0x108;
	s8 =	sld [smem:$0x3FB2]  }
0x2e: {  	s3 =	simm.s32 @!p0 $0x1082;
	s9 =	sld [smem:$0x3FB3]  }
0x2f: {  	lr =	sadd.s32 s0, s3;
	s0 =	sld [smem:$0x3FAA]  }
0x30: {  	s3 =	sld [smem:$0x3FAD]  }
0x31: {  	[smem:$0x3FB6] =	sst s10  }
0x32: {  	s10 =	sld [smem:$0x3FB4];
	_ =	sdelay $0x3  }
0x33: {  	p0 =	seq.s32 s10, $0x1;
	s10 =	sld [smem:$0x3FB6];
	_ =	sdelay $0x3  }
0x34: {  	[smem:$0x3FB6] =	sst s10  }
0x35: {  	s10 =	sld [smem:$0x3FB5];
	_ =	sdelay $0x3  }
0x36: {  	p1 =	seq.s32 s10, $0x1;
	s10 =	sld [smem:$0x3FB6];
	_ =	sdelay $0x3  }
0x37: {  	[smem:$0x3FB6] =	sst s10  }
0x38: {  	s10 =	sld [smem:$0x3FB7]  }
0x39: {  	_ = 	snop;
	(pc) =	sbr.ind lr, $3  }
0x3a: {  	_ = 	snop  }
0x3b: {  	_ = 	snop  }
0x3c: {  	p2 =	seq.s32 s10, $0x1;
	s10 =	sld [smem:$0x3FB6]  }
0x3d: {  	_ =	shalt  }
0x3e: {  	_ =	shalt  }
0x3f: {  	_ =	shalt  }
0x40: {  	_ =	shalt  }
0x41: {  	_ =	shalt  }
0x42: {  	_ =	shalt  }
0x43: {  	_ =	shalt  }
0x44: {  	_ =	shalt  }
0x45: {  	_ =	shalt  }
0x46: {  	_ =	shalt  }
0x47: {  	_ =	shalt  }
0x48: {  	_ =	shalt  }
0x49: {  	_ =	shalt  }
0x4a: {  	_ =	shalt  }
0x4b: {  	_ =	shalt  }
0x4c: {  	_ =	shalt  }
0x4d: {  	_ =	shalt  }
0x4e: {  	_ =	shalt  }
0x4f: {  	_ =	shalt  }
0x50: {  	_ =	shalt  }
0x51: {  	_ =	shalt  }
0x52: {  	_ =	shalt  }
0x53: {  	_ =	shalt  }
0x54: {  	_ =	shalt  }
0x55: {  	_ =	shalt  }
0x56: {  	_ =	shalt  }
0x57: {  	_ =	shalt  }
0x58: {  	_ =	shalt  }
0x59: {  	_ =	shalt  }
0x5a: {  	_ =	shalt  }
0x5b: {  	_ =	shalt  }
0x5c: {  	_ =	shalt  }
0x5d: {  	_ =	shalt  }
0x5e: {  	_ =	shalt  }
0x5f: {  	_ =	shalt  }
0x60: {  	_ =	shalt  }
0x61: {  	_ =	shalt  }
0x62: {  	_ =	shalt  }
0x63: {  	_ =	shalt  }
0x64: {  	_ =	shalt  }
0x65: {  	_ =	shalt  }
0x66: {  	_ =	shalt  }
0x67: {  	_ =	shalt  }
0x68: {  	_ =	shalt  }
0x69: {  	_ =	shalt  }
0x6a: {  	_ =	shalt  }
0x6b: {  	_ =	shalt  }
0x6c: {  	_ =	shalt  }
0x6d: {  	_ =	shalt  }
0x6e: {  	_ =	shalt  }
0x6f: {  	_ =	shalt  }
0x70: {  	_ =	shalt  }
0x71: {  	_ =	shalt  }
0x72: {  	_ =	shalt  }
0x73: {  	_ =	shalt  }
0x74: {  	_ =	shalt  }
0x75: {  	_ =	shalt  }
0x76: {  	_ =	shalt  }
0x77: {  	_ =	shalt  }
0x78: {  	_ =	shalt  }
0x79: {  	_ =	shalt  }
0x7a: {  	_ =	shalt  }
0x7b: {  	_ =	shalt  }
0x7c: {  	_ =	shalt  }
0x7d: {  	_ =	shalt  }
0x7e: {  	_ =	shalt  }
0x7f: {  	_ =	shalt  }
0x80: {  	_ =	shalt  }
0x81: {  	_ =	shalt  }
0x82: {  	_ =	shalt  }
0x83: {  	_ =	shalt  }
0x84: {  	_ =	shalt  }
0x85: {  	_ =	shalt  }
0x86: {  	_ =	shalt  }
0x87: {  	_ =	shalt  }
.Lfunc_end0:
.L_simem_size_0:
called_computation.2_lowered:
.L_overlay_start_0:
0x88: {  	s2 =	sld [smem:$0x3FD9]  }
0x89: {  	s3 =	sld [smem:$0x3FFE];
	_ =	sdelay $0x1  }
0x8a: {  	s1 =	srdreg.scid  }
0x8b: {  	s0 =	sand.u32 $0x1, s1  }
0x8c: {  	s17 =	sshll.u32 s0, $0xA;
	s2 =	sadd.s32 s3, s2  }
0x8d: {  	s2 =	sadd.s32 s2, s17  }
0x8e: {  	[smem:$0x3FC2] =	sst s2  }
0x8f: {  	_ = 	snop  }
0x90: {  	s2 =	sld [smem:$0x3FD0];
	(tm) =	ssettm $0x1  }
0x91: {  	s18 =	sld [smem:$0x3FFB];
	_ =	sdelay $0x3  }
0x92: {  	_ =	strace s18  }
0x93: {  	s3 =	sld [smem:$0x3FFC];
	_ =	sdelay $0x3  }
0x94: {  	_ =	strace s3  }
0x95: {  	s3 =	sld [smem:$0x3FFD];
	_ =	sdelay $0x3  }
0x96: {  	_ =	strace s3  }
0x97: {  	_ =	strace $0x8FFFFFFF  }
0x98: {  	s19 =	sld [smem:$0x3FDB];
	_ =	sdelay $0x1  }
0x99: {  	s4 =	simm.s32 $_scs_section_size  }
0x9a: {  	s5 =	simm.s32 $_size__tile_overlayer_lowered;
	s6 =	simm.s32 $_tile_overlayer_lowered  }
0x9b: {  	s22 =	simm.s32 $0x1BFF;
	s21 =	sshll.u32 s6, $0x1;
	s3 =	sadd.s32 s4, s19  }
0x9c: {  	s7 =	simm.s32 $0x0;
	s20 =	sshll.u32 s5, $0x1;
	s5 =	sadd.s32 s21, s3  }
0x9d: {  	[timem:s7], [sflag:s22] =	dma.local [hbm:s5], s20  }
0x9e: {  	_ =	swait.ge [sflag:s22], s20  }
0x9f: {  	s4 =	ssub.s32 $0x0, s20;
	[sflag:s22] =	ssyncset.done $0x0  }
0xa0: {  	[sflag:s22] =	ssyncadd.s32 s4;
	_ =	sdelay $0x1  }
0xa1: {  	s23 =	simm.s32 $0x1B8B  }
0xa2: {  	_ =	swait.ge [sflag:s23], $0x1  }
0xa3: {  	[sflag:s23] =	ssyncset.done $0x0  }
0xa4: {  	s25 =	simm.s32 $0x1B8E;
	s24 =	sld [smem:$0x3FFE];
	[sflag:s23] =	ssyncadd.s32 $0xFFFFFFFF  }
0xa5: {  	s26 =	simm.s32 $execute0_lowered;
	[smem:$0x3FD2] =	sst s25  }
0xa6: {  	s5 =	sshll.u32 s26, $0x1;
	_ =	strace $0x8000004C;
	[dreg:$0x1] =	wrdreg $0xFFFFFFFF  }
0xa7: {  	s28 =	simm.s32 $_size_execute0_lowered;
	s3 =	sadd.s32 s3, s5;
	[dreg:$0x0] =	wrdreg $0x0  }
0xa8: {  	s5 =	sshll.u32 s28, $0x1;
	[dreg:$0x2] =	wrdreg s3  }
0xa9: {  	[dreg:$0x3] =	wrdreg s5  }
0xaa: {  	[dreg:$0x4] =	wrdreg $0xC0  }
0xab: {  	_ =	task [dreg:s7], $0x5FFFF  }
0xac: {  	[dreg:$0x1] =	wrdreg $0xFFFFFFFF  }
0xad: {  	[dreg:$0x0] =	wrdreg $0x60  }
0xae: {  	[dreg:$0x2] =	wrdreg s2  }
0xaf: {  	[dreg:$0x3] =	wrdreg s24  }
0xb0: {  	[dreg:$0x4] =	wrdreg $0xB3000  }
0xb1: {  	[dreg:$0x5] =	wrdreg $0x9  }
0xb2: {  	_ =	task.clear_ibuf [dreg:s7], $0x6FFFF;
	_ =	strace $0x9000004C  }
0xb3: {  	s29 =	simm.s32 $0x9;
	_ =	strace $0x8000004E  }
0xb4: {  	_ =	swait.ge [sflag:s29], $0x1  }
0xb5: {  	[sflag:s29] =	ssyncadd.s32 $0xFFFFFFFF  }
0xb6: {  	_ =	strace $0x9000004E  }
0xb7: {  	_ =	sfence  }
0xb8: {  	s30 =	sld [smem:$0x0];
	_ =	sdelay $0x2  }
0xb9: {  	s31 =	sshll.u32 s1, $0xD;
	s1 =	sshrl.u32 s1, $0x2  }
0xba: {  	s3 =	sand.u32 $0x4000, s31;
	s1 =	sadd.s32 s1, s30  }
0xbb: {  	s0 =	sor.u32 s3, s0;
	s1 =	sshll.u32 s1, $0x11  }
0xbc: {  	s0 =	sor.u32 s1, s0  }
0xbd: {  	s0 =	sadd.s32 $0x8F2B, s0  }
0xbe: {  	[sflag:s0] =	ssyncadd.remote.s32 $0x1  }
0xbf: {  	_ =	sfence.sel $0xFFFF  }
0xc0: {  	[dreg:$0x0] =	wrdreg $0xFFFFFFFF;
	(pc) =	sbr.abs _section_cstart, $3  }
0xc1: {  	[dreg:$0x1] =	wrdreg $0xFFFFFFFF  }
0xc2: {  	_ =	task.clear_ibuf [dreg:s7], $0x2FFFF;
	_ =	strace $0x9FFFFFFF  }
0xc3: {  	(tm) =	ssettm $0x7FFFFFFF  }
tec
execute0_lowered:
.L_overlay_start_1:
0x0: {  	(tag) =	ssettag $0x1  }
0x1: {  	s0 =	stileid.u32;
	s1 =	rddreg [dreg:$0x0]  }
0x2: {  	s2 =	srdreg.scid;
	s6 =	rddreg [dreg:$0x1];
	s4 =	simm.s32 $0x0  }
0x3: {  	s12 =	simm.s32 $0xB;
	s15 =	simm.s32 $0x28;
	s17 =	simm.s32 $0x6300  }
0x4: {  	s18 =	simm.s32 $0x50;
	s19 =	simm.s32 $0x7700;
	s20 =	simm.s32 $0x78  }
0x5: {  	s21 =	simm.s32 $0x8B00;
	s22 =	simm.s32 $0x6;
	s23 =	simm.s32 $0x7  }
0x6: {  	s24 =	simm.s32 $0x8;
	s25 =	simm.s32 $0x9;
	s26 =	simm.s32 $0xA  }
0x7: {  	s28 =	simm.s32 $0x0;
	s3 =	sshrl.u32 s0, $0x3;
	s9 =	smul.u32 $0x14000, s0  }
0x8: {  	s2 =	sand.u32 $0x1, s2;
	s8 =	sshll.u32 s0, $0x7;
	s30 =	smul.u32 $0x50000, s0  }
0x9: {  	[smem:$0x7FF] =	sst s4;
	s31 =	sshll.u32 s0, $0x6;
	s5 =	smul.u32 $0x13C00, s3  }
0xa: {  	s3 =	rddreg [dreg:$0x2];
	s7 =	smul.u32 $0x27800, s2;
	s8 =	sand.u32 $0x380, s8  }
0xb: {  	s29 =	smul.u32 $0x140000, s2;
	_ =	strace $0x8000004D;
	s2 =	ssub.s32 $0x2, s2  }
0xc: {  	s13 =	sor.u32 $0x1C0B, s31;
	s11 =	sshrl.u32 s2, $0x1;
	s7 =	sadd.s32 s7, s5  }
0xd: {  	s5 =	sor.u32 s8, s5;
	s2 =	ssub.s32 s2, s11;
	s11 =	simm.s32 $0x400  }
0xe: {  	s7 =	sor.u32 s8, s7;
	s5 =	sshrl.u32 s5, $0x3;
	s8 =	sadd.s32 s9, s29  }
.Ltmp0:
0xf: {  	s9 =	sshrl.u32 s30, $0x2;
	s7 =	sshrl.u32 s7, $0x3;
	(pc) =	sbr.rel .LBB2_1-.Ltmp0, $4  }
0x10: {  	s10 =	sadd.s32 s5, s6;
	s5 =	sadd.s32 $0x7600, s6;
	s8 =	sshrl.u32 s8, $0x3  }
0x11: {  	s14 =	sadd.s32 s9, s3;
	s9 =	smax.u32 s2, $0x1;
	s7 =	sadd.s32 s7, s6  }
0x12: {  	s8 =	sadd.s32 s8, s6;
	s6 =	sadd.s32 $0x2600, s10;
	s10 =	simm.s32 $0x80  }
0x13: {  	s14 =	sshrl.u32 s14, $0x3;
	s7 =	sadd.s32 $0xA9E00, s7;
	s8 =	sadd.s32 $0x9E00, s8  }
.LBB2_6:
0x14: {  	_ =	swait.ge [sflag:s22], $0x1400  }
0x15: {  	[sflag:s22] =	ssyncset.done $0x0  }
0x16: {  	[sflag:s22] =	ssyncadd.s32 $0xFFFFEC00  }
0x17: {  	_ =	swait.ge [sflag:s23], $0x1400  }
0x18: {  	[sflag:s23] =	ssyncset.done $0x0  }
0x19: {  	[sflag:s23] =	ssyncadd.s32 $0xFFFFEC00  }
0x1a: {  	_ =	swait.ge [sflag:s24], $0x1400  }
0x1b: {  	[sflag:s24] =	ssyncset.done $0x0  }
0x1c: {  	[sflag:s24] =	ssyncadd.s32 $0xFFFFEC00  }
0x1d: {  	_ =	swait.ge [sflag:s25], $0x1400  }
0x1e: {  	[sflag:s25] =	ssyncset.done $0x0  }
0x1f: {  	[sflag:s25] =	ssyncadd.s32 $0xFFFFEC00  }
0x20: {  	_ =	swait.ge [sflag:s26], $0x1400  }
0x21: {  	[sflag:s26] =	ssyncset.done $0x0  }
0x22: {  	s28 =	sadd.s32 $0x1, s28;
	[sflag:s26] =	ssyncadd.s32 $0xFFFFEC00  }
0x23: {  	p0 =	sne.s32 s28, s9;
	[bflag:$0x0] =	sbarrier.arrive $0xFFFF  }
0x24: {  	[hbm:s8], [sflag:s13] =	dma.local [spmem:s14], $0x2800  }
.Ltmp1:
0x25: {  	_ =	swait.ge [sflag:s12], $0x2800;
	(pc) =	sbr.rel @!p0 .LBB2_7-.Ltmp1, $3  }
0x26: {  	[sflag:s12] =	ssyncset.done $0x0  }
0x27: {  	[sflag:s12] =	ssyncadd.s32 $0xFFFFD800  }
0x28: {  	[bflag:$0x0] =	sbarrier.arrive $0xFFFF;
	_ =	sdelay $0x1  }
.LBB2_1:
0x29: {  	s29 =	simm.s32 $0x2780  }
0x2a: {  	[tilespmem:s29], [sflag:$0xB] =	stream.strided.gather [hbm4b:s6+s10], $0x2780, s11, s10, $0x38;
	[tilespmem:$0x1F300] =	vst v63  }
0x2b: {  	_ =	swait.ge [sflag:s12], $0x2780  }
0x2c: {  	[sflag:s12] =	ssyncset.done $0x0  }
0x2d: {  	[sflag:s12] =	ssyncadd.s32 $0xFFFFD880  }
0x2e: {  	[tilespmem:s4], [sflag:$0xB] =	stream.strided.gather [hbm4b:s7+s10], $0x2780, s11, s10, $0x38;
	[tilespmem:$0x1F300] =	vst v63  }
0x2f: {  	_ =	swait.ge [sflag:s12], $0x2780  }
0x30: {  	[sflag:s12] =	ssyncset.done $0x0  }
0x31: {  	[sflag:s12] =	ssyncadd.s32 $0xFFFFD880  }
0x32: {  	[spmem:s14], [sflag:s13] =	dma.local [hbm:s5], $0x2800  }
0x33: {  	_ =	swait.ge [sflag:s12], $0x2800  }
0x34: {  	[sflag:s12] =	ssyncset.done $0x0  }
0x35: {  	[sflag:s12] =	ssyncadd.s32 $0xFFFFD800  }
0x36: {  	s0 =	simm.s32 $0x4F00;
	[bflag:$0x0] =	sbarrier.arrive $0xFFFF  }
0x37: {  	[tilespmem:s0], [sflag:$0x1] =	stream.indirect.gather [hbm4b:s1+s15], $0x80, s4, s15, $0xb8;
	[tilespmem:$0x1F300] =	vst v63  }
0x38: {  	_ = 	snop  }
0x39: {  	[tilespmem:s17], [sflag:$0x2] =	stream.indirect.gather [hbm4b:s1+s15], $0x80, s15, s15, $0xb8;
	[tilespmem:$0x1F300] =	vst v63  }
.Ltmp2:
0x3a: {  	_ = 	snop;
	(pc) =	sbr.rel .LBB2_2-.Ltmp2, $4  }
0x3b: {  	_ = 	snop  }
0x3c: {  	[tilespmem:s19], [sflag:$0x3] =	stream.indirect.gather [hbm4b:s1+s15], $0x80, s18, s15, $0xb8;
	[tilespmem:$0x1F300] =	vst v63  }
0x3d: {  	s30 =	simm.s32 $0xA0;
	s31 =	simm.s32 $0x0  }
0x3e: {  	[tilespmem:s21], [sflag:$0x4] =	stream.indirect.gather [hbm4b:s1+s15], $0x80, s20, s15, $0xb8;
	[tilespmem:$0x1F300] =	vst v63  }
.LBB2_4:
0x3f: {  	p0 =	seq.s32 s2, $0x2  }
0x40: {  	p1 =	slt.u32 @p0 s31, $0xF6  }
0x41: {  	p2 =	por !p1, !p0  }
0x42: {  	s0 =	simm.s32 @!p2 $0x7  }
0x43: {  	_ =	swait.ge @!p2 [sflag:s0], $0x1400  }
0x44: {  	[sflag:s0] =	ssyncset.done @!p2 $0x0  }
0x45: {  	s16 =	simm.s32 @!p2 $0x6300;
	[sflag:s0] =	ssyncadd.s32 @!p2 $0xFFFFEC00;
	s0 =	simm.s32 @!p2 $0x28  }
0x46: {  	[tilespmem:s16], [sflag:$0x2] =	stream.indirect.gather @!p2 [hbm4b:s1+s0], $0x80, s30, s0, $0xb8;
	[tilespmem:$0x1F300] =	vst v63  }
0x47: {  	s16 =	simm.s32 @!p2 $0x3  }
0x48: {  	_ =	swait.ge @!p2 [sflag:s16], $0x1400  }
0x49: {  	[sflag:s16] =	ssyncset.done @!p2 $0x0  }
0x4a: {  	p1 =	por p1, !p0;
	[sflag:s16] =	ssyncadd.s32 @!p2 $0xFFFFEC00;
	s16 =	simm.s32 @!p2 $0x7700  }
0x4b: {  	[spmem:s3] =	stream.indirect.scatter.add.f32 @!p2 [tilespmem:s16], [sflag:$0x8], $0x80, s29, s0, $0xb8;
	[tilespmem:$0x1F300] =	vst v63  }
0x4c: {  	s0 =	simm.s32 @!p1 $0x3  }
0x4d: {  	_ =	swait.ge @!p1 [sflag:s0], $0x1400  }
0x4e: {  	[sflag:s0] =	ssyncset.done @!p1 $0x0  }
0x4f: {  	s16 =	simm.s32 @!p1 $0x7700;
	[sflag:s0] =	ssyncadd.s32 @!p1 $0xFFFFEC00;
	s0 =	simm.s32 @!p1 $0x28  }
0x50: {  	[spmem:s3] =	stream.indirect.scatter.add.f32 @!p1 [tilespmem:s16], [sflag:$0x8], $0x80, s29, s0, $0xb8;
	[tilespmem:$0x1F300] =	vst v63  }
0x51: {  	p1 =	seq.s32 @!p0 s2, $0x3  }
0x52: {  	p2 =	por !p1, p0  }
0x53: {  	p3 =	sgt.u32 @!p2 s31, $0xF5  }
0x54: {  	p3 =	por @!p0 p3, !p1  }
0x55: {  	p3 =	por p3, p0  }
0x56: {  	s0 =	simm.s32 @!p3 $0x8  }
0x57: {  	_ =	swait.ge @!p3 [sflag:s0], $0x1400  }
0x58: {  	[sflag:s0] =	ssyncset.done @!p3 $0x0  }
0x59: {  	s2 =	simm.s32 @!p3 $0x7700;
	[sflag:s0] =	ssyncadd.s32 @!p3 $0xFFFFEC00;
	s0 =	simm.s32 @!p3 $0x28  }
0x5a: {  	[tilespmem:s2], [sflag:$0x3] =	stream.indirect.gather @!p3 [hbm4b:s1+s0], $0x80, s30, s0, $0xb8;
	[tilespmem:$0x1F300] =	vst v63  }
0x5b: {  	s0 =	simm.s32 @!p2 $0x4  }
0x5c: {  	_ =	swait.ge @!p2 [sflag:s0], $0x1400  }
0x5d: {  	[sflag:s0] =	ssyncset.done @!p2 $0x0  }
0x5e: {  	s2 =	simm.s32 @!p2 $0x8B00;
	[sflag:s0] =	ssyncadd.s32 @!p2 $0xFFFFEC00;
	s0 =	simm.s32 @!p2 $0x28  }
0x5f: {  	[spmem:s3] =	stream.indirect.scatter.add.f32 @!p2 [tilespmem:s2], [sflag:$0x9], $0x80, s29, s0, $0xb8;
	[tilespmem:$0x1F300] =	vst v63  }
0x60: {  	p2 =	por p1, p0  }
0x61: {  	p3 =	sgt.u32 @!p2 s31, $0xF5  }
0x62: {  	p1 =	por @!p0 p3, p1  }
0x63: {  	p0 =	por p1, p0  }
0x64: {  	s0 =	simm.s32 @!p0 $0x9  }
0x65: {  	_ =	swait.ge @!p0 [sflag:s0], $0x1400  }
0x66: {  	[sflag:s0] =	ssyncset.done @!p0 $0x0  }
0x67: {  	s2 =	simm.s32 @!p0 $0x8B00;
	[sflag:s0] =	ssyncadd.s32 @!p0 $0xFFFFEC00;
	s0 =	simm.s32 @!p0 $0x28  }
0x68: {  	[tilespmem:s2], [sflag:$0x4] =	stream.indirect.gather @!p0 [hbm4b:s1+s0], $0x80, s30, s0, $0xb8;
	[tilespmem:$0x1F300] =	vst v63  }
0x69: {  	s0 =	simm.s32 @!p2 $0x5  }
0x6a: {  	_ =	swait.ge @!p2 [sflag:s0], $0x1400  }
0x6b: {  	[sflag:s0] =	ssyncset.done @!p2 $0x0  }
0x6c: {  	s2 =	simm.s32 @!p2 $0x9F00;
	[sflag:s0] =	ssyncadd.s32 @!p2 $0xFFFFEC00;
	s0 =	simm.s32 @!p2 $0x28  }
0x6d: {  	[spmem:s3] =	stream.indirect.scatter.add.f32 @!p2 [tilespmem:s2], [sflag:$0xA], $0x80, s29, s0, $0xb8;
	[tilespmem:$0x1F300] =	vst v63  }
.LBB2_5:
0x6e: {  	s31 =	sadd.s32 $0x1, s31  }
0x6f: {  	p0 =	sne.s32 s31, $0xFA  }
.Ltmp3:
0x70: {  	_ = 	snop;
	(pc) =	sbr.rel @!p0 .LBB2_6-.Ltmp3, $2  }
0x71: {  	_ =	sdelay $0x2  }
0x72: {  	s29 =	sadd.s32 $0x28, s29;
	s30 =	sadd.s32 $0x28, s30  }
.LBB2_2:
0x73: {  	s2 =	smul.u32 $0xCD, s31;
	_ =	sdelay $0x1  }
0x74: {  	s2 =	sshrl.u32 s2, $0xA  }
0x75: {  	s2 =	sand.u32 $0x3F, s2  }
0x76: {  	s2 =	smul.u32 $0x5, s2;
	_ =	sdelay $0x1  }
0x77: {  	s2 =	ssub.s32 s31, s2  }
0x78: {  	s2 =	sand.u32 $0xFF, s2  }
0x79: {  	p0 =	sgt.s32 s2, $0x1  }
.Ltmp4:
0x7a: {  	_ = 	snop;
	(pc) =	sbr.rel @p0 .LBB2_4-.Ltmp4, $1  }
0x7b: {  	_ =	sdelay $0x3  }
0x7c: {  	p0 =	seq.s32 s2, $0x0  }
0x7d: {  	p1 =	sgt.u32 @p0 s31, $0xF5  }
0x7e: {  	p2 =	por p1, !p0  }
0x7f: {  	p3 =	seq.s32 @!p2 s31, $0x0  }
0x80: {  	p1 =	por @p0 p3, p1  }
0x81: {  	p1 =	por p1, !p0  }
0x82: {  	s2 =	simm.s32 @!p1 $0xA  }
0x83: {  	_ =	swait.ge @!p1 [sflag:s2], $0x1400  }
0x84: {  	[sflag:s2] =	ssyncset.done @!p1 $0x0  }
0x85: {  	s0 =	simm.s32 @!p2 $0x9F00;
	[sflag:s2] =	ssyncadd.s32 @!p1 $0xFFFFEC00;
	s2 =	simm.s32 @!p2 $0x28  }
0x86: {  	[tilespmem:s0], [sflag:$0x5] =	stream.indirect.gather @!p2 [hbm4b:s1+s2], $0x80, s30, s2, $0xb8;
	[tilespmem:$0x1F300] =	vst v63  }
0x87: {  	s0 =	simm.s32 @p0 $0x1  }
0x88: {  	_ =	swait.ge @p0 [sflag:s0], $0x1400  }
0x89: {  	p1 =	slt.u32 @!p0 s31, $0xF6;
	s2 =	simm.s32 @p0 $0x4F00;
	[sflag:s0] =	ssyncset.done @p0 $0x0  }
0x8a: {  	p2 =	por !p1, p0;
	[sflag:s0] =	ssyncadd.s32 @p0 $0xFFFFEC00;
	s0 =	simm.s32 @p0 $0x28  }
0x8b: {  	[spmem:s3] =	stream.indirect.scatter.add.f32 @p0 [tilespmem:s2], [sflag:$0x6], $0x80, s29, s0, $0xb8;
	[tilespmem:$0x1F300] =	vst v63  }
0x8c: {  	s0 =	simm.s32 @!p2 $0x6  }
0x8d: {  	_ =	swait.ge @!p2 [sflag:s0], $0x1400  }
0x8e: {  	[sflag:s0] =	ssyncset.done @!p2 $0x0  }
0x8f: {  	s2 =	simm.s32 @!p2 $0x4F00;
	[sflag:s0] =	ssyncadd.s32 @!p2 $0xFFFFEC00;
	s0 =	simm.s32 @!p2 $0x28  }
0x90: {  	[tilespmem:s2], [sflag:$0x1] =	stream.indirect.gather @!p2 [hbm4b:s1+s0], $0x80, s30, s0, $0xb8;
	[tilespmem:$0x1F300] =	vst v63  }
0x91: {  	s2 =	simm.s32 @!p2 $0x2  }
0x92: {  	_ =	swait.ge @!p2 [sflag:s2], $0x1400  }
0x93: {  	[sflag:s2] =	ssyncset.done @!p2 $0x0  }
0x94: {  	p0 =	por p1, p0;
	[sflag:s2] =	ssyncadd.s32 @!p2 $0xFFFFEC00;
	s2 =	simm.s32 @!p2 $0x6300  }
0x95: {  	[spmem:s3] =	stream.indirect.scatter.add.f32 @!p2 [tilespmem:s2], [sflag:$0x7], $0x80, s29, s0, $0xb8;
	[tilespmem:$0x1F300] =	vst v63  }
.Ltmp5:
0x96: {  	s0 =	simm.s32 @!p0 $0x2;
	(pc) =	sbr.rel .LBB2_5-.Ltmp5, $4  }
0x97: {  	_ =	swait.ge @!p0 [sflag:s0], $0x1400  }
0x98: {  	[sflag:s0] =	ssyncset.done @!p0 $0x0  }
0x99: {  	s2 =	simm.s32 @!p0 $0x6300;
	[sflag:s0] =	ssyncadd.s32 @!p0 $0xFFFFEC00;
	s0 =	simm.s32 @!p0 $0x28  }
0x9a: {  	[spmem:s3] =	stream.indirect.scatter.add.f32 @!p0 [tilespmem:s2], [sflag:$0x7], $0x80, s29, s0, $0xb8;
	[tilespmem:$0x1F300] =	vst v63  }
.LBB2_7:
0x9b: {  	_ =	sfence.sel $0x180000  }
0x9c: {  	[bflag:$0x0] =	sbarrier.arrive $0xFFFF  }
0x9d: {  	_ =	strace $0x9000004D  }
0x9e: {  	s0 =	stileid.u32;
	[bflag:$0x2] =	sbarrier.arrive $0xFFFF  }
0x9f: {  	p0 =	sne.s32 s0, $0x0;
	s0 =	rddreg [dreg:$0x3]  }
0xa0: {  	s0 =	sadd.s32 @!p0 $0x100000, s0  }
0xa1: {  	[sflag:s0] =	ssyncadd.tile.s32 @!p0 $0x1;
	_ =	shalt  }
.Lfunc_end2:
_tile_overlayer_lowered:
.L_overlay_start_2:
0xa2: {  	(tag) =	ssettag $0x2  }
0xa3: {  	s0 =	rddreg [dreg:$0x0];
	s2 =	stileid.u32  }
0xa4: {  	s1 =	rddreg [dreg:$0x1];
	p0 =	sne.s32 s2, $0x0  }
0xa5: {  	s3 =	rddreg [dreg:$0x2];
	[bflag:$0x3] =	sbarrier.arrive $0xFFFF;
	s2 =	simm.s32 @!p0 $0x1C0B  }
0xa6: {  	[timem:s3], [sflag:s2] =	dma.local @!p0 [hbm:s0], s1  }
0xa7: {  	s0 =	simm.s32 @!p0 $0xB  }
0xa8: {  	_ =	swait.ge @!p0 [sflag:s0], s1  }
0xa9: {  	s1 =	ssub.s32 @!p0 $0x0, s1;
	[sflag:s0] =	ssyncset.done @!p0 $0x0  }
0xaa: {  	[sflag:s0] =	ssyncadd.s32 @!p0 s1  }
0xab: {  	[bflag:$0x3] =	sbarrier.arrive $0xFFFF  }
0xac: {  	_ =	shalt  }

// kernel: kernel.9.cloned.1.call-start
scs
__scs_entry_jumppad:
0x0: {  	(pc) =	sbr.rel $0x88, $3  }
0x1: {  	(tag) =	ssettag $0x0;
	lr =	simm.s32 $0x1  }
0x2: {  	[smem:$0x3F9B] =	sst lr;
	_ =	strace $0xD0000000  }
0x3: {  	_ = 	snop  }
0x4: {  	_ = 	snop  }
0x5: {  	_ = 	snop  }
0x6: {  	_ = 	snop  }
0x7: {  	_ = 	snop  }
__scs_overlays_trampoline_lowered:
0x8: {  	[smem:$0x3FAA] =	sst s0  }
0x9: {  	[smem:$0x3FAB] =	sst s1  }
0xa: {  	[smem:$0x3FAC] =	sst s2  }
0xb: {  	[smem:$0x3FAD] =	sst s3  }
0xc: {  	[smem:$0x3FAE] =	sst s4  }
0xd: {  	[smem:$0x3FAF] =	sst s5  }
0xe: {  	[smem:$0x3FB0] =	sst s6  }
0xf: {  	[smem:$0x3FB1] =	sst s7  }
0x10: {  	[smem:$0x3FB2] =	sst s8  }
0x11: {  	[smem:$0x3FB3] =	sst s9;
	s0 =	simm.s32 @!p0 $0x0  }
0x12: {  	s1 =	sld [smem:$0x3F99];
	s0 =	simm.s32 @p0 $0x1  }
0x13: {  	[smem:$0x3FB4] =	sst s0;
	s0 =	simm.s32 @!p1 $0x0  }
0x14: {  	s2 =	sld [smem:$0x3F98];
	s0 =	simm.s32 @p1 $0x1  }
0x15: {  	[smem:$0x3FB5] =	sst s0;
	s0 =	simm.s32 @!p2 $0x0  }
0x16: {  	s3 =	sld [smem:$0x3FDB];
	s0 =	simm.s32 @p2 $0x1  }
0x17: {  	s4 =	simm.s32 $0x1BF5;
	[smem:$0x3FB7] =	sst s0  }
0x18: {  	s0 =	sld [smem:$0x3F9A];
	_ =	swait.ge [sflag:s4], $0x0  }
0x19: {  	s7 =	sld [smem:$0x3F9B]  }
0x1a: {  	s8 =	sadd.s32 $0xFFFFE003, lr  }
0x1b: {  	s9 =	sadd.s32 $0xFFFFFEF7, lr;
	s5 =	simm.s32 $0xFFFFFFFF;
	p2 =	slt.u32 s8, $0xFFFFF086  }
0x1c: {  	p1 =	slt.u32 s9, $0xF7A;
	s5 =	simm.s32 @!p2 $0x0  }
0x1d: {  	s5 =	simm.s32 @p1 $0x1;
	p0 =	seq.s32 s7, s2  }
0x1e: {  	s7 =	smul.u32 @!p0 $0xF7A, s2;
	p2 =	seq.s32 @!p0 s5, $0x0  }
0x1f: {  	s9 =	smul.u32 $0xF7A, s1;
	s8 =	simm.s32 @!p0 $0x1BF5;
	p2 =	por !p2, p0  }
0x20: {  	[sflag:s8] =	ssyncset.s32 @!p0 $0xFFFFF086;
	s6 =	sadd.s32 @!p0 s3, s7;
	s7 =	simm.s32 @!p0 $0x108  }
0x21: {  	s3 =	sadd.s32 s3, s9;
	s6 =	sadd.s32 @!p0 $0x88, s6;
	s7 =	simm.s32 @p2 $0x1082  }
0x22: {  	[simem:s7], [sflag:s8] =	dma.local @!p0 [hbm:s6], $0xF7A  }
0x23: {  	s9 =	sor.u32 $0xD0000000, s2;
	s6 =	simm.s32 $0x108;
	_ =	swait.ge @!p0 [sflag:s8], $0x0  }
0x24: {  	s3 =	sadd.s32 $0x88, s3;
	s6 =	simm.s32 @!p1 $0x1082;
	[sflag:s4] =	ssyncset.s32 $0xFFFFF086  }
0x25: {  	[simem:s6], [sflag:s4] =	dma.local [hbm:s3], $0xF7A  }
0x26: {  	[smem:$0x3F9B] =	sst s1;
	(tag) =	ssettag s2;
	_ =	strace s9  }
0x27: {  	s1 =	sld [smem:$0x3FAB]  }
0x28: {  	s2 =	sld [smem:$0x3FAC]  }
0x29: {  	s4 =	sld [smem:$0x3FAE]  }
0x2a: {  	p0 =	seq.s32 s5, $0x0;
	s5 =	sld [smem:$0x3FAF]  }
0x2b: {  	s6 =	sld [smem:$0x3FB0]  }
0x2c: {  	s7 =	sld [smem:$0x3FB1]  }
0x2d: {  	s3 =	simm.s32 $0x108;
	s8 =	sld [smem:$0x3FB2]  }
0x2e: {  	s3 =	simm.s32 @!p0 $0x1082;
	s9 =	sld [smem:$0x3FB3]  }
0x2f: {  	lr =	sadd.s32 s0, s3;
	s0 =	sld [smem:$0x3FAA]  }
0x30: {  	s3 =	sld [smem:$0x3FAD]  }
0x31: {  	[smem:$0x3FB6] =	sst s10  }
0x32: {  	s10 =	sld [smem:$0x3FB4];
	_ =	sdelay $0x3  }
0x33: {  	p0 =	seq.s32 s10, $0x1;
	s10 =	sld [smem:$0x3FB6];
	_ =	sdelay $0x3  }
0x34: {  	[smem:$0x3FB6] =	sst s10  }
0x35: {  	s10 =	sld [smem:$0x3FB5];
	_ =	sdelay $0x3  }
0x36: {  	p1 =	seq.s32 s10, $0x1;
	s10 =	sld [smem:$0x3FB6];
	_ =	sdelay $0x3  }
0x37: {  	[smem:$0x3FB6] =	sst s10  }
0x38: {  	s10 =	sld [smem:$0x3FB7]  }
0x39: {  	_ = 	snop;
	(pc) =	sbr.ind lr, $3  }
0x3a: {  	_ = 	snop  }
0x3b: {  	_ = 	snop  }
0x3c: {  	p2 =	seq.s32 s10, $0x1;
	s10 =	sld [smem:$0x3FB6]  }
0x3d: {  	_ =	shalt  }
0x3e: {  	_ =	shalt  }
0x3f: {  	_ =	shalt  }
0x40: {  	_ =	shalt  }
0x41: {  	_ =	shalt  }
0x42: {  	_ =	shalt  }
0x43: {  	_ =	shalt  }
0x44: {  	_ =	shalt  }
0x45: {  	_ =	shalt  }
0x46: {  	_ =	shalt  }
0x47: {  	_ =	shalt  }
0x48: {  	_ =	shalt  }
0x49: {  	_ =	shalt  }
0x4a: {  	_ =	shalt  }
0x4b: {  	_ =	shalt  }
0x4c: {  	_ =	shalt  }
0x4d: {  	_ =	shalt  }
0x4e: {  	_ =	shalt  }
0x4f: {  	_ =	shalt  }
0x50: {  	_ =	shalt  }
0x51: {  	_ =	shalt  }
0x52: {  	_ =	shalt  }
0x53: {  	_ =	shalt  }
0x54: {  	_ =	shalt  }
0x55: {  	_ =	shalt  }
0x56: {  	_ =	shalt  }
0x57: {  	_ =	shalt  }
0x58: {  	_ =	shalt  }
0x59: {  	_ =	shalt  }
0x5a: {  	_ =	shalt  }
0x5b: {  	_ =	shalt  }
0x5c: {  	_ =	shalt  }
0x5d: {  	_ =	shalt  }
0x5e: {  	_ =	shalt  }
0x5f: {  	_ =	shalt  }
0x60: {  	_ =	shalt  }
0x61: {  	_ =	shalt  }
0x62: {  	_ =	shalt  }
0x63: {  	_ =	shalt  }
0x64: {  	_ =	shalt  }
0x65: {  	_ =	shalt  }
0x66: {  	_ =	shalt  }
0x67: {  	_ =	shalt  }
0x68: {  	_ =	shalt  }
0x69: {  	_ =	shalt  }
0x6a: {  	_ =	shalt  }
0x6b: {  	_ =	shalt  }
0x6c: {  	_ =	shalt  }
0x6d: {  	_ =	shalt  }
0x6e: {  	_ =	shalt  }
0x6f: {  	_ =	shalt  }
0x70: {  	_ =	shalt  }
0x71: {  	_ =	shalt  }
0x72: {  	_ =	shalt  }
0x73: {  	_ =	shalt  }
0x74: {  	_ =	shalt  }
0x75: {  	_ =	shalt  }
0x76: {  	_ =	shalt  }
0x77: {  	_ =	shalt  }
0x78: {  	_ =	shalt  }
0x79: {  	_ =	shalt  }
0x7a: {  	_ =	shalt  }
0x7b: {  	_ =	shalt  }
0x7c: {  	_ =	shalt  }
0x7d: {  	_ =	shalt  }
0x7e: {  	_ =	shalt  }
0x7f: {  	_ =	shalt  }
0x80: {  	_ =	shalt  }
0x81: {  	_ =	shalt  }
0x82: {  	_ =	shalt  }
0x83: {  	_ =	shalt  }
0x84: {  	_ =	shalt  }
0x85: {  	_ =	shalt  }
0x86: {  	_ =	shalt  }
0x87: {  	_ =	shalt  }
.Lfunc_end0:
.L_simem_size_0:
called_computation_lowered:
.L_overlay_start_0:
0x88: {  	s2 =	sld [smem:$0x3FD9]  }
0x89: {  	s3 =	sld [smem:$0x3FFE];
	_ =	sdelay $0x1  }
0x8a: {  	s1 =	srdreg.scid  }
0x8b: {  	s0 =	sand.u32 $0x1, s1  }
0x8c: {  	s16 =	sshll.u32 s0, $0xA;
	s2 =	sadd.s32 s3, s2  }
0x8d: {  	s2 =	sadd.s32 s2, s16  }
0x8e: {  	[smem:$0x3FC2] =	sst s2  }
0x8f: {  	_ = 	snop  }
0x90: {  	(tm) =	ssettm $0x1  }
0x91: {  	s17 =	sld [smem:$0x3FFB];
	_ =	sdelay $0x3  }
0x92: {  	_ =	strace s17  }
0x93: {  	s2 =	sld [smem:$0x3FFC];
	_ =	sdelay $0x3  }
0x94: {  	_ =	strace s2  }
0x95: {  	s2 =	sld [smem:$0x3FFD];
	_ =	sdelay $0x3  }
0x96: {  	_ =	strace s2  }
0x97: {  	_ =	strace $0x8FFFFFFF  }
0x98: {  	s18 =	sld [smem:$0x3FDB];
	_ =	sdelay $0x1  }
0x99: {  	s19 =	simm.s32 $_scs_section_size  }
0x9a: {  	s4 =	simm.s32 $_size__tile_overlayer_lowered;
	s5 =	simm.s32 $_tile_overlayer_lowered  }
0x9b: {  	s22 =	simm.s32 $0x1BFF;
	s21 =	sshll.u32 s5, $0x1;
	s2 =	sadd.s32 s19, s18  }
0x9c: {  	s6 =	simm.s32 $0x0;
	s20 =	sshll.u32 s4, $0x1;
	s4 =	sadd.s32 s21, s2  }
0x9d: {  	[timem:s6], [sflag:s22] =	dma.local [hbm:s4], s20  }
0x9e: {  	_ =	swait.ge [sflag:s22], s20  }
0x9f: {  	s3 =	ssub.s32 $0x0, s20;
	[sflag:s22] =	ssyncset.done $0x0  }
0xa0: {  	[sflag:s22] =	ssyncadd.s32 s3;
	_ =	sdelay $0x1  }
0xa1: {  	s23 =	simm.s32 $0x1B8B  }
0xa2: {  	_ =	swait.ge [sflag:s23], $0x1  }
0xa3: {  	[sflag:s23] =	ssyncset.done $0x0  }
0xa4: {  	s25 =	simm.s32 $0x1B8E;
	s24 =	sld [smem:$0x3FFE];
	[sflag:s23] =	ssyncadd.s32 $0xFFFFFFFF  }
0xa5: {  	s26 =	simm.s32 $execute0_lowered;
	[smem:$0x3FD2] =	sst s25  }
0xa6: {  	s4 =	sshll.u32 s26, $0x1;
	_ =	strace $0x80000046;
	[dreg:$0x1] =	wrdreg $0xFFFFFFFF  }
0xa7: {  	s28 =	simm.s32 $_size_execute0_lowered;
	s2 =	sadd.s32 s2, s4;
	[dreg:$0x0] =	wrdreg $0x0  }
0xa8: {  	s4 =	sshll.u32 s28, $0x1;
	[dreg:$0x2] =	wrdreg s2  }
0xa9: {  	[dreg:$0x3] =	wrdreg s4  }
0xaa: {  	[dreg:$0x4] =	wrdreg $0xC0  }
0xab: {  	_ =	task [dreg:s6], $0x5FFFF  }
0xac: {  	[dreg:$0x1] =	wrdreg $0xFFFFFFFF  }
0xad: {  	[dreg:$0x0] =	wrdreg $0x60  }
0xae: {  	[dreg:$0x2] =	wrdreg s24  }
0xaf: {  	[dreg:$0x3] =	wrdreg $0x3B800  }
0xb0: {  	[dreg:$0x4] =	wrdreg $0x9  }
0xb1: {  	_ =	task.clear_ibuf [dreg:s6], $0x5FFFF;
	_ =	strace $0x90000046  }
0xb2: {  	s29 =	simm.s32 $0x9;
	_ =	strace $0x80000048  }
0xb3: {  	_ =	swait.ge [sflag:s29], $0x1  }
0xb4: {  	[sflag:s29] =	ssyncadd.s32 $0xFFFFFFFF  }
0xb5: {  	_ =	strace $0x90000048  }
0xb6: {  	_ =	sfence  }
0xb7: {  	s30 =	sld [smem:$0x0];
	_ =	sdelay $0x2  }
0xb8: {  	s31 =	sshll.u32 s1, $0xD;
	s1 =	sshrl.u32 s1, $0x2  }
0xb9: {  	s3 =	sand.u32 $0x4000, s31;
	s1 =	sadd.s32 s1, s30  }
0xba: {  	s0 =	sor.u32 s3, s0;
	s1 =	sshll.u32 s1, $0x11  }
0xbb: {  	s0 =	sor.u32 s1, s0  }
0xbc: {  	s0 =	sadd.s32 $0x8F2B, s0  }
0xbd: {  	[sflag:s0] =	ssyncadd.remote.s32 $0x1  }
0xbe: {  	_ =	sfence.sel $0xFFFF  }
0xbf: {  	[dreg:$0x0] =	wrdreg $0xFFFFFFFF;
	(pc) =	sbr.abs _section_cstart, $3  }
0xc0: {  	[dreg:$0x1] =	wrdreg $0xFFFFFFFF  }
0xc1: {  	_ =	task.clear_ibuf [dreg:s6], $0x2FFFF;
	_ =	strace $0x9FFFFFFF  }
0xc2: {  	(tm) =	ssettm $0x7FFFFFFF  }
0xc3: {  	_ =	shalt  }
tec
execute0_lowered:
.L_overlay_start_1:
0x0: {  	(tag) =	ssettag $0x1  }
0x1: {  	s6 =	rddreg [dreg:$0x0];
	s0 =	stileid.u32  }
0x2: {  	s2 =	rddreg [dreg:$0x1];
	s3 =	srdreg.scid  }
0x3: {  	s13 =	simm.s32 $0x2780;
	s16 =	simm.s32 $0x28;
	s17 =	simm.s32 $0x0  }
0x4: {  	s1 =	sshrl.u32 s0, $0x3;
	s5 =	sshll.u32 s0, $0x7;
	s30 =	smul.u32 $0x14000, s0  }
0x5: {  	s7 =	sand.u32 $0x1, s3;
	s3 =	simm.s32 $0x0;
	s10 =	smul.u32 $0x50000, s0  }
0x6: {  	s14 =	sshll.u32 s0, $0x6;
	s4 =	smul.u32 $0x13C00, s1;
	s1 =	rddreg [dreg:$0x2]  }
0x7: {  	s5 =	sand.u32 $0x380, s5;
	s8 =	smul.u32 $0x140000, s7;
	[smem:$0x7FF] =	sst s3  }
0x8: {  	s31 =	ssub.s32 $0x2, s7;
	s12 =	smul.u32 $0x4E20, s7;
	s14 =	sor.u32 $0x1C01, s14  }
0x9: {  	_ =	strace $0x80000047;
	s11 =	sshrl.u32 s31, $0x1;
	s10 =	sshrl.u32 s10, $0x2  }
0xa: {  	s4 =	sor.u32 s5, s4;
	s5 =	sadd.s32 s30, s8;
	s11 =	ssub.s32 s31, s11  }
0xb: {  	s15 =	sadd.s32 s10, s2;
	s10 =	simm.s32 $0x80;
	s4 =	sshrl.u32 s4, $0x3  }
0xc: {  	s8 =	sshrl.u32 s5, $0x3;
	s5 =	sadd.s32 $0x9E00, s6;
	s15 =	sshrl.u32 s15, $0x3  }
0xd: {  	s9 =	sadd.s32 s4, s6;
	s4 =	sadd.s32 $0x7600, s6;
	s8 =	sadd.s32 s8, s6  }
0xe: {  	s6 =	sadd.s32 $0x2600, s9;
	s7 =	sadd.s32 $0xA200, s8;
	s8 =	smax.u32 s11, $0x1  }
0xf: {  	s9 =	sshrl.u32 s12, $0x2;
	s11 =	simm.s32 $0x400;
	s12 =	simm.s32 $0x1  }
.LBB2_1:
0x10: {  	[tilespmem:s3], [sflag:$0x1] =	stream.strided.gather [hbm4b:s6+s10], $0x2780, s11, s10, $0x38;
	[tilespmem:$0x17B80] =	vst v63  }
0x11: {  	_ =	swait.ge [sflag:s12], $0x2780  }
0x12: {  	[sflag:s12] =	ssyncset.done $0x0  }
0x13: {  	[sflag:s12] =	ssyncadd.s32 $0xFFFFD880  }
0x14: {  	[tilespmem:s13], [sflag:$0x1] =	stream.linear.gather [hbm4b:s5+s3], $0x1400, $0x38;
	[tilespmem:$0x17B80] =	vst v63  }
0x15: {  	_ =	swait.ge [sflag:s12], $0x1400  }
0x16: {  	[sflag:s12] =	ssyncset.done $0x0  }
0x17: {  	[sflag:s12] =	ssyncadd.s32 $0xFFFFEC00  }
0x18: {  	[spmem:s15], [sflag:s14] =	dma.local [hbm:s4], $0x2800  }
0x19: {  	_ =	swait.ge [sflag:s12], $0x2800  }
0x1a: {  	[sflag:s12] =	ssyncset.done $0x0  }
0x1b: {  	[sflag:s12] =	ssyncadd.s32 $0xFFFFD800  }
0x1c: {  	s18 =	sadd.s32 $0x0, s9;
	[bflag:$0x0] =	sbarrier.arrive $0xFFFF  }
0x1d: {  	[spmem:s2] =	stream.indirect.scatter.add.f32 [tilespmem:s13], [sflag:$0x1], $0x80, s18, s16, $0xb8;
	[tilespmem:$0x17B80] =	vst v63  }
0x1e: {  	s18 =	simm.s32 $0xA0;
	_ =	swait.ge [sflag:s12], $0x1400  }
.LBB2_2:
0x1f: {  	s19 =	sshra.s32 s18, $0x2;
	[sflag:s12] =	ssyncset.done $0x0;
	p0 =	sne.s32 s18, $0x4D80  }
.Ltmp0:
0x20: {  	s19 =	sadd.s32 s19, s9;
	[sflag:s12] =	ssyncadd.s32 $0xFFFFEC00;
	(pc) =	sbr.rel @p0 .LBB2_2-.Ltmp0, $3  }
0x21: {  	[spmem:s2] =	stream.indirect.scatter.add.f32 [tilespmem:s13], [sflag:$0x1], $0x80, s19, s16, $0xb8;
	[tilespmem:$0x17B80] =	vst v63  }
0x22: {  	s18 =	sadd.s32 $0xA0, s18;
	_ =	sdelay $0x1  }
0x23: {  	_ =	swait.ge [sflag:s12], $0x1400  }
0x24: {  	[sflag:s12] =	ssyncset.done $0x0;
	s17 =	sadd.s32 $0x1, s17  }
0x25: {  	[sflag:s12] =	ssyncadd.s32 $0xFFFFEC00;
	p0 =	sne.s32 s17, s8  }
.Ltmp1:
0x26: {  	[bflag:$0x0] =	sbarrier.arrive $0xFFFF;
	(pc) =	sbr.rel @p0 .LBB2_1-.Ltmp1, $4  }
0x27: {  	[hbm:s7], [sflag:s14] =	dma.local [spmem:s15], $0x2800  }
0x28: {  	_ =	swait.ge [sflag:s12], $0x2800  }
0x29: {  	[sflag:s12] =	ssyncset.done $0x0  }
0x2a: {  	[sflag:s12] =	ssyncadd.s32 $0xFFFFD800  }
0x2b: {  	_ =	sfence.sel $0x180000  }
0x2c: {  	[bflag:$0x0] =	sbarrier.arrive $0xFFFF  }
0x2d: {  	p0 =	sne.s32 s0, $0x0;
	_ =	strace $0x90000047  }
0x2e: {  	s0 =	sadd.s32 @!p0 $0x100000, s1;
	[bflag:$0x2] =	sbarrier.arrive $0xFFFF  }
0x2f: {  	[sflag:s0] =	ssyncadd.tile.s32 @!p0 $0x1;
	_ =	shalt  }
.Lfunc_end2:
_tile_overlayer_lowered:
.L_overlay_start_2:
0x30: {  	(tag) =	ssettag $0x2  }
0x31: {  	s0 =	rddreg [dreg:$0x0];
	s2 =	stileid.u32  }
0x32: {  	s1 =	rddreg [dreg:$0x1];
	p0 =	sne.s32 s2, $0x0  }
0x33: {  	s3 =	rddreg [dreg:$0x2];
	[bflag:$0x3] =	sbarrier.arrive $0xFFFF;
	s2 =	simm.s32 @!p0 $0x1C01  }
0x34: {  	[timem:s3], [sflag:s2] =	dma.local @!p0 [hbm:s0], s1  }
0x35: {  	s0 =	simm.s32 @!p0 $0x1  }
0x36: {  	_ =	swait.ge @!p0 [sflag:s0], s1  }
0x37: {  	s1 =	ssub.s32 @!p0 $0x0, s1;
	[sflag:s0] =	ssyncset.done @!p0 $0x0  }
0x38: {  	[sflag:s0] =	ssyncadd.s32 @!p0 s1  }
0x39: {  	[bflag:$0x3] =	sbarrier.arrive $0xFFFF  }
0x3a: {  	_ =	shalt  }

</sc_bundles>
